<compile_context>
chip_gen: v7x
topology: tpu7x:2x2x1
jax: 0.10.2.dev20260603
libtpu: 0.0.44.dev20260713+nightly
codegen_flags: <defaults>
</compile_context>

<pallas_src>
import functools
import jax
import jax.numpy as jnp
from jax import lax
from jax.experimental import pallas as pl
from jax.experimental.pallas import tpu as pltpu
from jax.experimental.pallas import tpu_sc as plsc

NUM_POINTS = 1000
D = 16
B = 16384
NC = 2
NS = 16
NW = NC * NS
BPW = B // NW
L = 16
GATHER_CHUNK = 128
NGATHER = BPW // GATHER_CHUNK
SUB = GATHER_CHUNK // L

HALF_BANK = 2048
ZERO_BASE = 1000
ZERO_SPAN = 1024
PT_ROWS = 4096

_mesh = plsc.VectorSubcoreMesh(core_axis_name="c", subcore_axis_name="s")


@functools.partial(
    pl.kernel,
    out_type=jax.ShapeDtypeStruct((B, D), jnp.float32),
    mesh=_mesh,
    compiler_params=pltpu.CompilerParams(use_tc_tiling_on_sc=False),
    scratch_types=[
        pltpu.VMEM((BPW,), jnp.float32),
        pltpu.VMEM((NGATHER, GATHER_CHUNK), jnp.int32),
        pltpu.VMEM((NGATHER, GATHER_CHUNK), jnp.int32),
        pltpu.VMEM((BPW, D), jnp.float32),
        [pltpu.SemaphoreType.DMA] * NGATHER,
        [pltpu.SemaphoreType.DMA] * NGATHER,
        [pltpu.SemaphoreType.DMA] * NGATHER,
        pltpu.SemaphoreType.DMA,
    ],
)
def _sc_lookup(x_hbm, pt_hbm, out_hbm, xv, idx0v, idx1v, rows,
               semx, sem0, sem1, semo):
    wid = lax.axis_index("s") * NC + lax.axis_index("c")
    base = wid * BPW
    half = jnp.float32(0.5)

    xc = [pltpu.async_copy(x_hbm.at[pl.ds(base + j * GATHER_CHUNK,
                                          GATHER_CHUNK)],
                           xv.at[pl.ds(j * GATHER_CHUNK, GATHER_CHUNK)],
                           semx[j])
          for j in range(NGATHER)]

    g0 = [None] * NGATHER
    for j in range(NGATHER):
        xc[j].wait()
        for ii in range(SUB):
            i = j * SUB + ii
            xl = xv[pl.ds(i * L, L)]
            xs = xl * jnp.float32(NUM_POINTS)
            mi = xs.astype(jnp.int32)
            d0 = xs - mi.astype(jnp.float32)
            d0m = d0 - half
            d1p = (d0 - jnp.float32(1.0)) + half
            ok = mi < NUM_POINTS - 1
            i1 = mi + 1
            ze = ZERO_BASE + ((base + i * L + lax.iota(jnp.int32, 16))
                              & (ZERO_SPAN - 1))
            idx0 = jnp.where(d0m < 0.0, mi,
                             jnp.where(d0m == 0.0, mi + HALF_BANK, ze))
            idx1 = jnp.where(ok & (d1p > 0.0), i1,
                             jnp.where(ok & (d1p == 0.0),
                                       i1 + HALF_BANK, ze))
            idx0v[j, pl.ds(ii * L, L)] = idx0
            idx1v[j, pl.ds(ii * L, L)] = idx1
        g0[j] = pltpu.async_copy(
            pt_hbm.at[idx0v.at[j]],
            rows.at[pl.ds(j * GATHER_CHUNK, GATHER_CHUNK)], sem0[j])

    g1 = [None] * NGATHER
    for j in range(NGATHER):
        g0[j].wait()
        g1[j] = pltpu.async_copy(
            pt_hbm.at[idx1v.at[j]],
            rows.at[pl.ds(j * GATHER_CHUNK, GATHER_CHUNK)],
            sem1[j], add=True)

    outs = []
    for j in range(NGATHER):
        g1[j].wait()
        outs.append(pltpu.async_copy(
            rows.at[pl.ds(j * GATHER_CHUNK, GATHER_CHUNK)],
            out_hbm.at[pl.ds(base + j * GATHER_CHUNK, GATHER_CHUNK)],
            semo))
    for c in outs:
        c.wait()


def kernel(x, time_embedding):
    pt = jnp.zeros((PT_ROWS, D), jnp.float32)
    pt = pt.at[0:NUM_POINTS].set(time_embedding)
    pt = pt.at[HALF_BANK:HALF_BANK + NUM_POINTS].set(
        time_embedding * jnp.float32(0.5))
    return _sc_lookup(x, pt)

# --- scband reference (transcript-rebuilt; emitter-appended) ---
"""Pipeline reference for scband-discrete-embedding-69552700392130 (READ-ONLY COPY).

The authoritative reference and input builder live on the scoring server;
editing this copy changes nothing except your own understanding.
"""

import jax, jax.numpy as jnp
import numpy as np

NUM_POINTS = 1000
OUTPUT_DIMS = 16
BATCH = 16384


def setup_inputs(seed: int = 0) -> dict:
    key = jax.random.key(seed)
    k1, k2 = jax.random.split(key)
    x = jax.random.uniform(k1, (BATCH,), dtype=jnp.float32)
    time_embedding = jax.random.normal(k2, (NUM_POINTS, OUTPUT_DIMS), dtype=jnp.float32)
    return {"x": x, "time_embedding": time_embedding}


def _rect_window(x, window_size=1.0):
    w_2 = window_size / 2.0
    return (jnp.sign(x + w_2) - jnp.sign(x - w_2)) / 2.0


def reference(x, time_embedding):
    points = jnp.arange(0, NUM_POINTS, dtype=jnp.float32)
    xs = x * NUM_POINTS
    xs = xs[..., None]
    w = xs - points
    w = _rect_window(w, window_size=1.0)
    output = jnp.matmul(w, time_embedding)
    return output

if __name__ == "__main__":
    import jax
    _d = setup_inputs()
    print(jax.jit(kernel)(*tuple(_d.values())))

</pallas_src>

<mosaic_0001>
#map = affine_map<(d0, d1) -> (0)>
#map1 = affine_map<(d0, d1) -> (0, 0)>
module attributes {stable_mosaic.version = 14 : i64} {
  func.func @_sc_lookup(%arg0: i32, %arg1: i32, %arg2: memref<16384xf32, #tpu.memory_space<hbm>>, %arg3: memref<4096x16xf32, #tpu.memory_space<hbm>>, %arg4: memref<16384x16xf32, #tpu.memory_space<hbm>>, %arg5: memref<512xf32, #tpu.memory_space<vmem>>, %arg6: memref<4x128xi32, #tpu.memory_space<vmem>>, %arg7: memref<4x128xi32, #tpu.memory_space<vmem>>, %arg8: memref<512x16xf32, #tpu.memory_space<vmem>>, %arg9: memref<!tpu.dma_semaphore, #tpu.memory_space<semaphore_mem>>, %arg10: memref<!tpu.dma_semaphore, #tpu.memory_space<semaphore_mem>>, %arg11: memref<!tpu.dma_semaphore, #tpu.memory_space<semaphore_mem>>, %arg12: memref<!tpu.dma_semaphore, #tpu.memory_space<semaphore_mem>>, %arg13: memref<!tpu.dma_semaphore, #tpu.memory_space<semaphore_mem>>, %arg14: memref<!tpu.dma_semaphore, #tpu.memory_space<semaphore_mem>>, %arg15: memref<!tpu.dma_semaphore, #tpu.memory_space<semaphore_mem>>, %arg16: memref<!tpu.dma_semaphore, #tpu.memory_space<semaphore_mem>>, %arg17: memref<!tpu.dma_semaphore, #tpu.memory_space<semaphore_mem>>, %arg18: memref<!tpu.dma_semaphore, #tpu.memory_space<semaphore_mem>>, %arg19: memref<!tpu.dma_semaphore, #tpu.memory_space<semaphore_mem>>, %arg20: memref<!tpu.dma_semaphore, #tpu.memory_space<semaphore_mem>>, %arg21: memref<!tpu.dma_semaphore, #tpu.memory_space<semaphore_mem>>) attributes {dimension_semantics = [#tpu.dimension_semantics<core_parallel>, #tpu.dimension_semantics<subcore_parallel>], iteration_bounds = array<i64: 2, 16>, scalar_prefetch = 0 : i64, scratch_operands = 17 : i64, tpu.core_type = #tpu.core_type<sc_vector_subcore>, window_params = [{transform_indices = #map}, {transform_indices = #map1}, {transform_indices = #map1}]} {
    %mul3A = arith.constant 2 : i32
    %mul3A_0 = arith.muli %arg1, %mul3A : i32
    %add3A = arith.addi %mul3A_0, %arg0 : i32
    %mul3A_1 = arith.constant 512 : i32
    %mul3A_2 = arith.muli %add3A, %mul3A_1 : i32
    %add3A_3 = arith.constant 0 : i32
    %add3A_4 = arith.addi %mul3A_2, %add3A_3 : i32
    %dma_start3A = arith.constant 0 : i32
    %dma_start3A_5 = tpu.memref_slice %arg5[%dma_start3A] : memref<512xf32, #tpu.memory_space<vmem>> -> memref<128xf32, #tpu.memory_space<vmem>>
    %dma_start3A_6 = tpu.memref_slice %arg2[%add3A_4] : memref<16384xf32, #tpu.memory_space<hbm>> -> memref<128xf32, #tpu.memory_space<hbm>>
    %dma_start3A_7 = arith.constant 0 : i32
    %dma_start3A_8 = tpu.memref_slice %arg5[%dma_start3A_7] : memref<512xf32, #tpu.memory_space<vmem>> -> memref<128xf32, #tpu.memory_space<vmem>>
    %dma_start3A_9 = tpu.memref_slice %arg2[%add3A_4] : memref<16384xf32, #tpu.memory_space<hbm>> -> memref<128xf32, #tpu.memory_space<hbm>>
    tpu.enqueue_dma source(%dma_start3A_9 : memref<128xf32, #tpu.memory_space<hbm>>) target(%dma_start3A_8 : memref<128xf32, #tpu.memory_space<vmem>>) target_semaphore(%arg9 : memref<!tpu.dma_semaphore, #tpu.memory_space<semaphore_mem>>)
    %add3A_10 = arith.constant 128 : i32
    %add3A_11 = arith.addi %mul3A_2, %add3A_10 : i32
    %dma_start3A_12 = arith.constant 128 : i32
    %dma_start3A_13 = tpu.memref_slice %arg5[%dma_start3A_12] : memref<512xf32, #tpu.memory_space<vmem>> -> memref<128xf32, #tpu.memory_space<vmem>>
    %dma_start3A_14 = tpu.memref_slice %arg2[%add3A_11] : memref<16384xf32, #tpu.memory_space<hbm>> -> memref<128xf32, #tpu.memory_space<hbm>>
    %dma_start3A_15 = arith.constant 128 : i32
    %dma_start3A_16 = tpu.memref_slice %arg5[%dma_start3A_15] : memref<512xf32, #tpu.memory_space<vmem>> -> memref<128xf32, #tpu.memory_space<vmem>>
    %dma_start3A_17 = tpu.memref_slice %arg2[%add3A_11] : memref<16384xf32, #tpu.memory_space<hbm>> -> memref<128xf32, #tpu.memory_space<hbm>>
    tpu.enqueue_dma source(%dma_start3A_17 : memref<128xf32, #tpu.memory_space<hbm>>) target(%dma_start3A_16 : memref<128xf32, #tpu.memory_space<vmem>>) target_semaphore(%arg10 : memref<!tpu.dma_semaphore, #tpu.memory_space<semaphore_mem>>)
    %add3A_18 = arith.constant 256 : i32
    %add3A_19 = arith.addi %mul3A_2, %add3A_18 : i32
    %dma_start3A_20 = arith.constant 256 : i32
    %dma_start3A_21 = tpu.memref_slice %arg5[%dma_start3A_20] : memref<512xf32, #tpu.memory_space<vmem>> -> memref<128xf32, #tpu.memory_space<vmem>>
    %dma_start3A_22 = tpu.memref_slice %arg2[%add3A_19] : memref<16384xf32, #tpu.memory_space<hbm>> -> memref<128xf32, #tpu.memory_space<hbm>>
    %dma_start3A_23 = arith.constant 256 : i32
    %dma_start3A_24 = tpu.memref_slice %arg5[%dma_start3A_23] : memref<512xf32, #tpu.memory_space<vmem>> -> memref<128xf32, #tpu.memory_space<vmem>>
    %dma_start3A_25 = tpu.memref_slice %arg2[%add3A_19] : memref<16384xf32, #tpu.memory_space<hbm>> -> memref<128xf32, #tpu.memory_space<hbm>>
    tpu.enqueue_dma source(%dma_start3A_25 : memref<128xf32, #tpu.memory_space<hbm>>) target(%dma_start3A_24 : memref<128xf32, #tpu.memory_space<vmem>>) target_semaphore(%arg11 : memref<!tpu.dma_semaphore, #tpu.memory_space<semaphore_mem>>)
    %add3A_26 = arith.constant 384 : i32
    %add3A_27 = arith.addi %mul3A_2, %add3A_26 : i32
    %dma_start3A_28 = arith.constant 384 : i32
    %dma_start3A_29 = tpu.memref_slice %arg5[%dma_start3A_28] : memref<512xf32, #tpu.memory_space<vmem>> -> memref<128xf32, #tpu.memory_space<vmem>>
    %dma_start3A_30 = tpu.memref_slice %arg2[%add3A_27] : memref<16384xf32, #tpu.memory_space<hbm>> -> memref<128xf32, #tpu.memory_space<hbm>>
    %dma_start3A_31 = arith.constant 384 : i32
    %dma_start3A_32 = tpu.memref_slice %arg5[%dma_start3A_31] : memref<512xf32, #tpu.memory_space<vmem>> -> memref<128xf32, #tpu.memory_space<vmem>>
    %dma_start3A_33 = tpu.memref_slice %arg2[%add3A_27] : memref<16384xf32, #tpu.memory_space<hbm>> -> memref<128xf32, #tpu.memory_space<hbm>>
    tpu.enqueue_dma source(%dma_start3A_33 : memref<128xf32, #tpu.memory_space<hbm>>) target(%dma_start3A_32 : memref<128xf32, #tpu.memory_space<vmem>>) target_semaphore(%arg12 : memref<!tpu.dma_semaphore, #tpu.memory_space<semaphore_mem>>)
    %dma_wait3A = arith.constant 0 : i32
    %dma_wait3A_34 = tpu.memref_slice %arg5[%dma_wait3A] : memref<512xf32, #tpu.memory_space<vmem>> -> memref<128xf32, #tpu.memory_space<vmem>>
    %dma_wait3A_35 = tpu.memref_slice %arg2[%add3A_4] : memref<16384xf32, #tpu.memory_space<hbm>> -> memref<128xf32, #tpu.memory_space<hbm>>
    %dma_wait3A_36 = arith.constant 0 : i32
    %dma_wait3A_37 = tpu.memref_slice %arg5[%dma_wait3A_36] : memref<512xf32, #tpu.memory_space<vmem>> -> memref<128xf32, #tpu.memory_space<vmem>>
    %dma_wait3A_38 = tpu.memref_slice %arg2[%add3A_4] : memref<16384xf32, #tpu.memory_space<hbm>> -> memref<128xf32, #tpu.memory_space<hbm>>
    tpu.wait_dma2 semaphore(%arg9 : memref<!tpu.dma_semaphore, #tpu.memory_space<semaphore_mem>>) src(%dma_wait3A_38 : memref<128xf32, #tpu.memory_space<hbm>>) dst(%dma_wait3A_37 : memref<128xf32, #tpu.memory_space<vmem>>)
    %get3A = arith.constant 0 : index
    %get3A_39 = tpu.vector_load %arg5[%get3A] {strides = array<i32>} : memref<512xf32, #tpu.memory_space<vmem>>, vector<16xf32>,
    %get3A_40 = vector.shape_cast %get3A_39 : vector<16xf32> to vector<16xf32>
    %mul3A_41 = arith.constant 1.000000e+03 : f32
    %mul3A_42 = vector.broadcast %mul3A_41 : f32 to vector<16xf32>
    %mul3A_43 = arith.mulf %get3A_40, %mul3A_42 : vector<16xf32>
    %convert_element_type3A = arith.fptosi %mul3A_43 : vector<16xf32> to vector<16xi32>
    %convert_element_type3A_44 = arith.sitofp %convert_element_type3A : vector<16xi32> to vector<16xf32>
    %sub3A = arith.subf %mul3A_43, %convert_element_type3A_44 : vector<16xf32>
    %sub3A_45 = arith.constant 5.000000e-01 : f32
    %sub3A_46 = vector.broadcast %sub3A_45 : f32 to vector<16xf32>
    %sub3A_47 = arith.subf %sub3A, %sub3A_46 : vector<16xf32>
    %sub3A_48 = arith.constant 1.000000e+00 : f32
    %sub3A_49 = vector.broadcast %sub3A_48 : f32 to vector<16xf32>
    %sub3A_50 = arith.subf %sub3A, %sub3A_49 : vector<16xf32>
    %add3A_51 = arith.constant 5.000000e-01 : f32
    %add3A_52 = vector.broadcast %add3A_51 : f32 to vector<16xf32>
    %add3A_53 = arith.addf %sub3A_50, %add3A_52 : vector<16xf32>
    %lt3A = arith.constant 999 : i32
    %lt3A_54 = vector.broadcast %lt3A : i32 to vector<16xi32>
    %lt3A_55 = arith.cmpi slt, %convert_element_type3A, %lt3A_54 : vector<16xi32>
    %add3A_56 = arith.constant 1 : i32
    %add3A_57 = vector.broadcast %add3A_56 : i32 to vector<16xi32>
    %add3A_58 = arith.addi %convert_element_type3A, %add3A_57 : vector<16xi32>
    %add3A_59 = arith.constant 0 : i32
    %add3A_60 = arith.addi %mul3A_2, %add3A_59 : i32
    %iota3A = tpu.iota {dimensions = array<i32: 0>} : vector<16xi32>
    %add3A_61 = vector.broadcast %add3A_60 : i32 to vector<16xi32>
    %add3A_62 = arith.addi %add3A_61, %iota3A : vector<16xi32>
    %and3A = arith.constant 1023 : i32
    %and3A_63 = vector.broadcast %and3A : i32 to vector<16xi32>
    %and3A_64 = arith.andi %add3A_62, %and3A_63 : vector<16xi32>
    %add3A_65 = arith.constant 1000 : i32
    %add3A_66 = vector.broadcast %add3A_65 : i32 to vector<16xi32>
    %add3A_67 = arith.addi %add3A_66, %and3A_64 : vector<16xi32>
    %lt3A_68 = arith.constant 0.000000e+00 : f32
    %lt3A_69 = vector.broadcast %lt3A_68 : f32 to vector<16xf32>
    %lt3A_70 = arith.cmpf olt, %sub3A_47, %lt3A_69 : vector<16xf32>
    %eq3A = arith.constant 0.000000e+00 : f32
    %eq3A_71 = vector.broadcast %eq3A : f32 to vector<16xf32>
    %eq3A_72 = arith.cmpf oeq, %sub3A_47, %eq3A_71 : vector<16xf32>
    %add3A_73 = arith.constant 2048 : i32
    %add3A_74 = vector.broadcast %add3A_73 : i32 to vector<16xi32>
    %add3A_75 = arith.addi %convert_element_type3A, %add3A_74 : vector<16xi32>
    %select_n3A = arith.select %eq3A_72, %add3A_75, %add3A_67 : vector<16xi1>, vector<16xi32>
    %select_n3A_76 = arith.select %lt3A_70, %convert_element_type3A, %select_n3A : vector<16xi1>, vector<16xi32>
    %gt3A = arith.constant 0.000000e+00 : f32
    %gt3A_77 = vector.broadcast %gt3A : f32 to vector<16xf32>
    %gt3A_78 = arith.cmpf ogt, %add3A_53, %gt3A_77 : vector<16xf32>
    %and3A_79 = arith.andi %lt3A_55, %gt3A_78 : vector<16xi1>
    %eq3A_80 = arith.constant 0.000000e+00 : f32
    %eq3A_81 = vector.broadcast %eq3A_80 : f32 to vector<16xf32>
    %eq3A_82 = arith.cmpf oeq, %add3A_53, %eq3A_81 : vector<16xf32>
    %and3A_83 = arith.andi %lt3A_55, %eq3A_82 : vector<16xi1>
    %add3A_84 = arith.constant 2048 : i32
    %add3A_85 = vector.broadcast %add3A_84 : i32 to vector<16xi32>
    %add3A_86 = arith.addi %add3A_58, %add3A_85 : vector<16xi32>
    %select_n3A_87 = arith.select %and3A_83, %add3A_86, %add3A_67 : vector<16xi1>, vector<16xi32>
    %select_n3A_88 = arith.select %and3A_79, %add3A_58, %select_n3A_87 : vector<16xi1>, vector<16xi32>
    %swap3A = arith.constant 0 : i32
    %swap3A_89 = arith.index_cast %swap3A : i32 to index
    %swap3A_90 = arith.constant 0 : index
    %swap3A_91 = tpu.vector_load %arg6[%swap3A_89, %swap3A_90] {strides = array<i32>} : memref<4x128xi32, #tpu.memory_space<vmem>>, vector<1x16xi32>,
    %swap3A_92 = vector.shape_cast %swap3A_91 : vector<1x16xi32> to vector<16xi32>
    %swap3A_93 = vector.shape_cast %select_n3A_76 : vector<16xi32> to vector<1x16xi32>
    tpu.vector_store %arg6[%swap3A_89, %swap3A_90], %swap3A_93 {strides = array<i32>} : memref<4x128xi32, #tpu.memory_space<vmem>>, vector<1x16xi32>,
    %swap3A_94 = arith.constant 0 : i32
    %swap3A_95 = arith.index_cast %swap3A_94 : i32 to index
    %swap3A_96 = arith.constant 0 : index
    %swap3A_97 = tpu.vector_load %arg7[%swap3A_95, %swap3A_96] {strides = array<i32>} : memref<4x128xi32, #tpu.memory_space<vmem>>, vector<1x16xi32>,
    %swap3A_98 = vector.shape_cast %swap3A_97 : vector<1x16xi32> to vector<16xi32>
    %swap3A_99 = vector.shape_cast %select_n3A_88 : vector<16xi32> to vector<1x16xi32>
    tpu.vector_store %arg7[%swap3A_95, %swap3A_96], %swap3A_99 {strides = array<i32>} : memref<4x128xi32, #tpu.memory_space<vmem>>, vector<1x16xi32>,
    %get3A_100 = arith.constant 16 : index
    %get3A_101 = tpu.vector_load %arg5[%get3A_100] {strides = array<i32>} : memref<512xf32, #tpu.memory_space<vmem>>, vector<16xf32>,
    %get3A_102 = vector.shape_cast %get3A_101 : vector<16xf32> to vector<16xf32>
    %mul3A_103 = arith.constant 1.000000e+03 : f32
    %mul3A_104 = vector.broadcast %mul3A_103 : f32 to vector<16xf32>
    %mul3A_105 = arith.mulf %get3A_102, %mul3A_104 : vector<16xf32>
    %convert_element_type3A_106 = arith.fptosi %mul3A_105 : vector<16xf32> to vector<16xi32>
    %convert_element_type3A_107 = arith.sitofp %convert_element_type3A_106 : vector<16xi32> to vector<16xf32>
    %sub3A_108 = arith.subf %mul3A_105, %convert_element_type3A_107 : vector<16xf32>
    %sub3A_109 = arith.constant 5.000000e-01 : f32
    %sub3A_110 = vector.broadcast %sub3A_109 : f32 to vector<16xf32>
    %sub3A_111 = arith.subf %sub3A_108, %sub3A_110 : vector<16xf32>
    %sub3A_112 = arith.constant 1.000000e+00 : f32
    %sub3A_113 = vector.broadcast %sub3A_112 : f32 to vector<16xf32>
    %sub3A_114 = arith.subf %sub3A_108, %sub3A_113 : vector<16xf32>
    %add3A_115 = arith.constant 5.000000e-01 : f32
    %add3A_116 = vector.broadcast %add3A_115 : f32 to vector<16xf32>
    %add3A_117 = arith.addf %sub3A_114, %add3A_116 : vector<16xf32>
    %lt3A_118 = arith.constant 999 : i32
    %lt3A_119 = vector.broadcast %lt3A_118 : i32 to vector<16xi32>
    %lt3A_120 = arith.cmpi slt, %convert_element_type3A_106, %lt3A_119 : vector<16xi32>
    %add3A_121 = arith.constant 1 : i32
    %add3A_122 = vector.broadcast %add3A_121 : i32 to vector<16xi32>
    %add3A_123 = arith.addi %convert_element_type3A_106, %add3A_122 : vector<16xi32>
    %add3A_124 = arith.constant 16 : i32
    %add3A_125 = arith.addi %mul3A_2, %add3A_124 : i32
    %iota3A_126 = tpu.iota {dimensions = array<i32: 0>} : vector<16xi32>
    %add3A_127 = vector.broadcast %add3A_125 : i32 to vector<16xi32>
    %add3A_128 = arith.addi %add3A_127, %iota3A_126 : vector<16xi32>
    %and3A_129 = arith.constant 1023 : i32
    %and3A_130 = vector.broadcast %and3A_129 : i32 to vector<16xi32>
    %and3A_131 = arith.andi %add3A_128, %and3A_130 : vector<16xi32>
    %add3A_132 = arith.constant 1000 : i32
    %add3A_133 = vector.broadcast %add3A_132 : i32 to vector<16xi32>
    %add3A_134 = arith.addi %add3A_133, %and3A_131 : vector<16xi32>
    %lt3A_135 = arith.constant 0.000000e+00 : f32
    %lt3A_136 = vector.broadcast %lt3A_135 : f32 to vector<16xf32>
    %lt3A_137 = arith.cmpf olt, %sub3A_111, %lt3A_136 : vector<16xf32>
    %eq3A_138 = arith.constant 0.000000e+00 : f32
    %eq3A_139 = vector.broadcast %eq3A_138 : f32 to vector<16xf32>
    %eq3A_140 = arith.cmpf oeq, %sub3A_111, %eq3A_139 : vector<16xf32>
    %add3A_141 = arith.constant 2048 : i32
    %add3A_142 = vector.broadcast %add3A_141 : i32 to vector<16xi32>
    %add3A_143 = arith.addi %convert_element_type3A_106, %add3A_142 : vector<16xi32>
    %select_n3A_144 = arith.select %eq3A_140, %add3A_143, %add3A_134 : vector<16xi1>, vector<16xi32>
    %select_n3A_145 = arith.select %lt3A_137, %convert_element_type3A_106, %select_n3A_144 : vector<16xi1>, vector<16xi32>
    %gt3A_146 = arith.constant 0.000000e+00 : f32
    %gt3A_147 = vector.broadcast %gt3A_146 : f32 to vector<16xf32>
    %gt3A_148 = arith.cmpf ogt, %add3A_117, %gt3A_147 : vector<16xf32>
    %and3A_149 = arith.andi %lt3A_120, %gt3A_148 : vector<16xi1>
    %eq3A_150 = arith.constant 0.000000e+00 : f32
    %eq3A_151 = vector.broadcast %eq3A_150 : f32 to vector<16xf32>
    %eq3A_152 = arith.cmpf oeq, %add3A_117, %eq3A_151 : vector<16xf32>
    %and3A_153 = arith.andi %lt3A_120, %eq3A_152 : vector<16xi1>
    %add3A_154 = arith.constant 2048 : i32
    %add3A_155 = vector.broadcast %add3A_154 : i32 to vector<16xi32>
    %add3A_156 = arith.addi %add3A_123, %add3A_155 : vector<16xi32>
    %select_n3A_157 = arith.select %and3A_153, %add3A_156, %add3A_134 : vector<16xi1>, vector<16xi32>
    %select_n3A_158 = arith.select %and3A_149, %add3A_123, %select_n3A_157 : vector<16xi1>, vector<16xi32>
    %swap3A_159 = arith.constant 0 : i32
    %swap3A_160 = arith.index_cast %swap3A_159 : i32 to index
    %swap3A_161 = arith.constant 16 : index
    %swap3A_162 = tpu.vector_load %arg6[%swap3A_160, %swap3A_161] {strides = array<i32>} : memref<4x128xi32, #tpu.memory_space<vmem>>, vector<1x16xi32>,
    %swap3A_163 = vector.shape_cast %swap3A_162 : vector<1x16xi32> to vector<16xi32>
    %swap3A_164 = vector.shape_cast %select_n3A_145 : vector<16xi32> to vector<1x16xi32>
    tpu.vector_store %arg6[%swap3A_160, %swap3A_161], %swap3A_164 {strides = array<i32>} : memref<4x128xi32, #tpu.memory_space<vmem>>, vector<1x16xi32>,
    %swap3A_165 = arith.constant 0 : i32
    %swap3A_166 = arith.index_cast %swap3A_165 : i32 to index
    %swap3A_167 = arith.constant 16 : index
    %swap3A_168 = tpu.vector_load %arg7[%swap3A_166, %swap3A_167] {strides = array<i32>} : memref<4x128xi32, #tpu.memory_space<vmem>>, vector<1x16xi32>,
    %swap3A_169 = vector.shape_cast %swap3A_168 : vector<1x16xi32> to vector<16xi32>
    %swap3A_170 = vector.shape_cast %select_n3A_158 : vector<16xi32> to vector<1x16xi32>
    tpu.vector_store %arg7[%swap3A_166, %swap3A_167], %swap3A_170 {strides = array<i32>} : memref<4x128xi32, #tpu.memory_space<vmem>>, vector<1x16xi32>,
    %get3A_171 = arith.constant 32 : index
    %get3A_172 = tpu.vector_load %arg5[%get3A_171] {strides = array<i32>} : memref<512xf32, #tpu.memory_space<vmem>>, vector<16xf32>,
    %get3A_173 = vector.shape_cast %get3A_172 : vector<16xf32> to vector<16xf32>
    %mul3A_174 = arith.constant 1.000000e+03 : f32
    %mul3A_175 = vector.broadcast %mul3A_174 : f32 to vector<16xf32>
    %mul3A_176 = arith.mulf %get3A_173, %mul3A_175 : vector<16xf32>
    %convert_element_type3A_177 = arith.fptosi %mul3A_176 : vector<16xf32> to vector<16xi32>
    %convert_element_type3A_178 = arith.sitofp %convert_element_type3A_177 : vector<16xi32> to vector<16xf32>
    %sub3A_179 = arith.subf %mul3A_176, %convert_element_type3A_178 : vector<16xf32>
    %sub3A_180 = arith.constant 5.000000e-01 : f32
    %sub3A_181 = vector.broadcast %sub3A_180 : f32 to vector<16xf32>
    %sub3A_182 = arith.subf %sub3A_179, %sub3A_181 : vector<16xf32>
    %sub3A_183 = arith.constant 1.000000e+00 : f32
    %sub3A_184 = vector.broadcast %sub3A_183 : f32 to vector<16xf32>
    %sub3A_185 = arith.subf %sub3A_179, %sub3A_184 : vector<16xf32>
    %add3A_186 = arith.constant 5.000000e-01 : f32
    %add3A_187 = vector.broadcast %add3A_186 : f32 to vector<16xf32>
    %add3A_188 = arith.addf %sub3A_185, %add3A_187 : vector<16xf32>
    %lt3A_189 = arith.constant 999 : i32
    %lt3A_190 = vector.broadcast %lt3A_189 : i32 to vector<16xi32>
    %lt3A_191 = arith.cmpi slt, %convert_element_type3A_177, %lt3A_190 : vector<16xi32>
    %add3A_192 = arith.constant 1 : i32
    %add3A_193 = vector.broadcast %add3A_192 : i32 to vector<16xi32>
    %add3A_194 = arith.addi %convert_element_type3A_177, %add3A_193 : vector<16xi32>
    %add3A_195 = arith.constant 32 : i32
    %add3A_196 = arith.addi %mul3A_2, %add3A_195 : i32
    %iota3A_197 = tpu.iota {dimensions = array<i32: 0>} : vector<16xi32>
    %add3A_198 = vector.broadcast %add3A_196 : i32 to vector<16xi32>
    %add3A_199 = arith.addi %add3A_198, %iota3A_197 : vector<16xi32>
    %and3A_200 = arith.constant 1023 : i32
    %and3A_201 = vector.broadcast %and3A_200 : i32 to vector<16xi32>
    %and3A_202 = arith.andi %add3A_199, %and3A_201 : vector<16xi32>
    %add3A_203 = arith.constant 1000 : i32
    %add3A_204 = vector.broadcast %add3A_203 : i32 to vector<16xi32>
    %add3A_205 = arith.addi %add3A_204, %and3A_202 : vector<16xi32>
    %lt3A_206 = arith.constant 0.000000e+00 : f32
    %lt3A_207 = vector.broadcast %lt3A_206 : f32 to vector<16xf32>
    %lt3A_208 = arith.cmpf olt, %sub3A_182, %lt3A_207 : vector<16xf32>
    %eq3A_209 = arith.constant 0.000000e+00 : f32
    %eq3A_210 = vector.broadcast %eq3A_209 : f32 to vector<16xf32>
    %eq3A_211 = arith.cmpf oeq, %sub3A_182, %eq3A_210 : vector<16xf32>
    %add3A_212 = arith.constant 2048 : i32
    %add3A_213 = vector.broadcast %add3A_212 : i32 to vector<16xi32>
    %add3A_214 = arith.addi %convert_element_type3A_177, %add3A_213 : vector<16xi32>
    %select_n3A_215 = arith.select %eq3A_211, %add3A_214, %add3A_205 : vector<16xi1>, vector<16xi32>
    %select_n3A_216 = arith.select %lt3A_208, %convert_element_type3A_177, %select_n3A_215 : vector<16xi1>, vector<16xi32>
    %gt3A_217 = arith.constant 0.000000e+00 : f32
    %gt3A_218 = vector.broadcast %gt3A_217 : f32 to vector<16xf32>
    %gt3A_219 = arith.cmpf ogt, %add3A_188, %gt3A_218 : vector<16xf32>
    %and3A_220 = arith.andi %lt3A_191, %gt3A_219 : vector<16xi1>
    %eq3A_221 = arith.constant 0.000000e+00 : f32
    %eq3A_222 = vector.broadcast %eq3A_221 : f32 to vector<16xf32>
    %eq3A_223 = arith.cmpf oeq, %add3A_188, %eq3A_222 : vector<16xf32>
    %and3A_224 = arith.andi %lt3A_191, %eq3A_223 : vector<16xi1>
    %add3A_225 = arith.constant 2048 : i32
    %add3A_226 = vector.broadcast %add3A_225 : i32 to vector<16xi32>
    %add3A_227 = arith.addi %add3A_194, %add3A_226 : vector<16xi32>
    %select_n3A_228 = arith.select %and3A_224, %add3A_227, %add3A_205 : vector<16xi1>, vector<16xi32>
    %select_n3A_229 = arith.select %and3A_220, %add3A_194, %select_n3A_228 : vector<16xi1>, vector<16xi32>
    %swap3A_230 = arith.constant 0 : i32
    %swap3A_231 = arith.index_cast %swap3A_230 : i32 to index
    %swap3A_232 = arith.constant 32 : index
    %swap3A_233 = tpu.vector_load %arg6[%swap3A_231, %swap3A_232] {strides = array<i32>} : memref<4x128xi32, #tpu.memory_space<vmem>>, vector<1x16xi32>,
    %swap3A_234 = vector.shape_cast %swap3A_233 : vector<1x16xi32> to vector<16xi32>
    %swap3A_235 = vector.shape_cast %select_n3A_216 : vector<16xi32> to vector<1x16xi32>
    tpu.vector_store %arg6[%swap3A_231, %swap3A_232], %swap3A_235 {strides = array<i32>} : memref<4x128xi32, #tpu.memory_space<vmem>>, vector<1x16xi32>,
    %swap3A_236 = arith.constant 0 : i32
    %swap3A_237 = arith.index_cast %swap3A_236 : i32 to index
    %swap3A_238 = arith.constant 32 : index
    %swap3A_239 = tpu.vector_load %arg7[%swap3A_237, %swap3A_238] {strides = array<i32>} : memref<4x128xi32, #tpu.memory_space<vmem>>, vector<1x16xi32>,
    %swap3A_240 = vector.shape_cast %swap3A_239 : vector<1x16xi32> to vector<16xi32>
    %swap3A_241 = vector.shape_cast %select_n3A_229 : vector<16xi32> to vector<1x16xi32>
    tpu.vector_store %arg7[%swap3A_237, %swap3A_238], %swap3A_241 {strides = array<i32>} : memref<4x128xi32, #tpu.memory_space<vmem>>, vector<1x16xi32>,
    %get3A_242 = arith.constant 48 : index
    %get3A_243 = tpu.vector_load %arg5[%get3A_242] {strides = array<i32>} : memref<512xf32, #tpu.memory_space<vmem>>, vector<16xf32>,
    %get3A_244 = vector.shape_cast %get3A_243 : vector<16xf32> to vector<16xf32>
    %mul3A_245 = arith.constant 1.000000e+03 : f32
    %mul3A_246 = vector.broadcast %mul3A_245 : f32 to vector<16xf32>
    %mul3A_247 = arith.mulf %get3A_244, %mul3A_246 : vector<16xf32>
    %convert_element_type3A_248 = arith.fptosi %mul3A_247 : vector<16xf32> to vector<16xi32>
    %convert_element_type3A_249 = arith.sitofp %convert_element_type3A_248 : vector<16xi32> to vector<16xf32>
    %sub3A_250 = arith.subf %mul3A_247, %convert_element_type3A_249 : vector<16xf32>
    %sub3A_251 = arith.constant 5.000000e-01 : f32
    %sub3A_252 = vector.broadcast %sub3A_251 : f32 to vector<16xf32>
    %sub3A_253 = arith.subf %sub3A_250, %sub3A_252 : vector<16xf32>
    %sub3A_254 = arith.constant 1.000000e+00 : f32
    %sub3A_255 = vector.broadcast %sub3A_254 : f32 to vector<16xf32>
    %sub3A_256 = arith.subf %sub3A_250, %sub3A_255 : vector<16xf32>
    %add3A_257 = arith.constant 5.000000e-01 : f32
    %add3A_258 = vector.broadcast %add3A_257 : f32 to vector<16xf32>
    %add3A_259 = arith.addf %sub3A_256, %add3A_258 : vector<16xf32>
    %lt3A_260 = arith.constant 999 : i32
    %lt3A_261 = vector.broadcast %lt3A_260 : i32 to vector<16xi32>
    %lt3A_262 = arith.cmpi slt, %convert_element_type3A_248, %lt3A_261 : vector<16xi32>
    %add3A_263 = arith.constant 1 : i32
    %add3A_264 = vector.broadcast %add3A_263 : i32 to vector<16xi32>
    %add3A_265 = arith.addi %convert_element_type3A_248, %add3A_264 : vector<16xi32>
    %add3A_266 = arith.constant 48 : i32
    %add3A_267 = arith.addi %mul3A_2, %add3A_266 : i32
    %iota3A_268 = tpu.iota {dimensions = array<i32: 0>} : vector<16xi32>
    %add3A_269 = vector.broadcast %add3A_267 : i32 to vector<16xi32>
    %add3A_270 = arith.addi %add3A_269, %iota3A_268 : vector<16xi32>
    %and3A_271 = arith.constant 1023 : i32
    %and3A_272 = vector.broadcast %and3A_271 : i32 to vector<16xi32>
    %and3A_273 = arith.andi %add3A_270, %and3A_272 : vector<16xi32>
    %add3A_274 = arith.constant 1000 : i32
    %add3A_275 = vector.broadcast %add3A_274 : i32 to vector<16xi32>
    %add3A_276 = arith.addi %add3A_275, %and3A_273 : vector<16xi32>
    %lt3A_277 = arith.constant 0.000000e+00 : f32
    %lt3A_278 = vector.broadcast %lt3A_277 : f32 to vector<16xf32>
    %lt3A_279 = arith.cmpf olt, %sub3A_253, %lt3A_278 : vector<16xf32>
    %eq3A_280 = arith.constant 0.000000e+00 : f32
    %eq3A_281 = vector.broadcast %eq3A_280 : f32 to vector<16xf32>
    %eq3A_282 = arith.cmpf oeq, %sub3A_253, %eq3A_281 : vector<16xf32>
    %add3A_283 = arith.constant 2048 : i32
    %add3A_284 = vector.broadcast %add3A_283 : i32 to vector<16xi32>
    %add3A_285 = arith.addi %convert_element_type3A_248, %add3A_284 : vector<16xi32>
    %select_n3A_286 = arith.select %eq3A_282, %add3A_285, %add3A_276 : vector<16xi1>, vector<16xi32>
    %select_n3A_287 = arith.select %lt3A_279, %convert_element_type3A_248, %select_n3A_286 : vector<16xi1>, vector<16xi32>
    %gt3A_288 = arith.constant 0.000000e+00 : f32
    %gt3A_289 = vector.broadcast %gt3A_288 : f32 to vector<16xf32>
    %gt3A_290 = arith.cmpf ogt, %add3A_259, %gt3A_289 : vector<16xf32>
    %and3A_291 = arith.andi %lt3A_262, %gt3A_290 : vector<16xi1>
    %eq3A_292 = arith.constant 0.000000e+00 : f32
    %eq3A_293 = vector.broadcast %eq3A_292 : f32 to vector<16xf32>
    %eq3A_294 = arith.cmpf oeq, %add3A_259, %eq3A_293 : vector<16xf32>
    %and3A_295 = arith.andi %lt3A_262, %eq3A_294 : vector<16xi1>
    %add3A_296 = arith.constant 2048 : i32
    %add3A_297 = vector.broadcast %add3A_296 : i32 to vector<16xi32>
    %add3A_298 = arith.addi %add3A_265, %add3A_297 : vector<16xi32>
    %select_n3A_299 = arith.select %and3A_295, %add3A_298, %add3A_276 : vector<16xi1>, vector<16xi32>
    %select_n3A_300 = arith.select %and3A_291, %add3A_265, %select_n3A_299 : vector<16xi1>, vector<16xi32>
    %swap3A_301 = arith.constant 0 : i32
    %swap3A_302 = arith.index_cast %swap3A_301 : i32 to index
    %swap3A_303 = arith.constant 48 : index
    %swap3A_304 = tpu.vector_load %arg6[%swap3A_302, %swap3A_303] {strides = array<i32>} : memref<4x128xi32, #tpu.memory_space<vmem>>, vector<1x16xi32>,
    %swap3A_305 = vector.shape_cast %swap3A_304 : vector<1x16xi32> to vector<16xi32>
    %swap3A_306 = vector.shape_cast %select_n3A_287 : vector<16xi32> to vector<1x16xi32>
    tpu.vector_store %arg6[%swap3A_302, %swap3A_303], %swap3A_306 {strides = array<i32>} : memref<4x128xi32, #tpu.memory_space<vmem>>, vector<1x16xi32>,
    %swap3A_307 = arith.constant 0 : i32
    %swap3A_308 = arith.index_cast %swap3A_307 : i32 to index
    %swap3A_309 = arith.constant 48 : index
    %swap3A_310 = tpu.vector_load %arg7[%swap3A_308, %swap3A_309] {strides = array<i32>} : memref<4x128xi32, #tpu.memory_space<vmem>>, vector<1x16xi32>,
    %swap3A_311 = vector.shape_cast %swap3A_310 : vector<1x16xi32> to vector<16xi32>
    %swap3A_312 = vector.shape_cast %select_n3A_300 : vector<16xi32> to vector<1x16xi32>
    tpu.vector_store %arg7[%swap3A_308, %swap3A_309], %swap3A_312 {strides = array<i32>} : memref<4x128xi32, #tpu.memory_space<vmem>>, vector<1x16xi32>,
    %get3A_313 = arith.constant 64 : index
    %get3A_314 = tpu.vector_load %arg5[%get3A_313] {strides = array<i32>} : memref<512xf32, #tpu.memory_space<vmem>>, vector<16xf32>,
    %get3A_315 = vector.shape_cast %get3A_314 : vector<16xf32> to vector<16xf32>
    %mul3A_316 = arith.constant 1.000000e+03 : f32
    %mul3A_317 = vector.broadcast %mul3A_316 : f32 to vector<16xf32>
    %mul3A_318 = arith.mulf %get3A_315, %mul3A_317 : vector<16xf32>
    %convert_element_type3A_319 = arith.fptosi %mul3A_318 : vector<16xf32> to vector<16xi32>
    %convert_element_type3A_320 = arith.sitofp %convert_element_type3A_319 : vector<16xi32> to vector<16xf32>
    %sub3A_321 = arith.subf %mul3A_318, %convert_element_type3A_320 : vector<16xf32>
    %sub3A_322 = arith.constant 5.000000e-01 : f32
    %sub3A_323 = vector.broadcast %sub3A_322 : f32 to vector<16xf32>
    %sub3A_324 = arith.subf %sub3A_321, %sub3A_323 : vector<16xf32>
    %sub3A_325 = arith.constant 1.000000e+00 : f32
    %sub3A_326 = vector.broadcast %sub3A_325 : f32 to vector<16xf32>
    %sub3A_327 = arith.subf %sub3A_321, %sub3A_326 : vector<16xf32>
    %add3A_328 = arith.constant 5.000000e-01 : f32
    %add3A_329 = vector.broadcast %add3A_328 : f32 to vector<16xf32>
    %add3A_330 = arith.addf %sub3A_327, %add3A_329 : vector<16xf32>
    %lt3A_331 = arith.constant 999 : i32
    %lt3A_332 = vector.broadcast %lt3A_331 : i32 to vector<16xi32>
    %lt3A_333 = arith.cmpi slt, %convert_element_type3A_319, %lt3A_332 : vector<16xi32>
    %add3A_334 = arith.constant 1 : i32
    %add3A_335 = vector.broadcast %add3A_334 : i32 to vector<16xi32>
    %add3A_336 = arith.addi %convert_element_type3A_319, %add3A_335 : vector<16xi32>
    %add3A_337 = arith.constant 64 : i32
    %add3A_338 = arith.addi %mul3A_2, %add3A_337 : i32
    %iota3A_339 = tpu.iota {dimensions = array<i32: 0>} : vector<16xi32>
    %add3A_340 = vector.broadcast %add3A_338 : i32 to vector<16xi32>
    %add3A_341 = arith.addi %add3A_340, %iota3A_339 : vector<16xi32>
    %and3A_342 = arith.constant 1023 : i32
    %and3A_343 = vector.broadcast %and3A_342 : i32 to vector<16xi32>
    %and3A_344 = arith.andi %add3A_341, %and3A_343 : vector<16xi32>
    %add3A_345 = arith.constant 1000 : i32
    %add3A_346 = vector.broadcast %add3A_345 : i32 to vector<16xi32>
    %add3A_347 = arith.addi %add3A_346, %and3A_344 : vector<16xi32>
    %lt3A_348 = arith.constant 0.000000e+00 : f32
    %lt3A_349 = vector.broadcast %lt3A_348 : f32 to vector<16xf32>
    %lt3A_350 = arith.cmpf olt, %sub3A_324, %lt3A_349 : vector<16xf32>
    %eq3A_351 = arith.constant 0.000000e+00 : f32
    %eq3A_352 = vector.broadcast %eq3A_351 : f32 to vector<16xf32>
    %eq3A_353 = arith.cmpf oeq, %sub3A_324, %eq3A_352 : vector<16xf32>
    %add3A_354 = arith.constant 2048 : i32
    %add3A_355 = vector.broadcast %add3A_354 : i32 to vector<16xi32>
    %add3A_356 = arith.addi %convert_element_type3A_319, %add3A_355 : vector<16xi32>
    %select_n3A_357 = arith.select %eq3A_353, %add3A_356, %add3A_347 : vector<16xi1>, vector<16xi32>
    %select_n3A_358 = arith.select %lt3A_350, %convert_element_type3A_319, %select_n3A_357 : vector<16xi1>, vector<16xi32>
    %gt3A_359 = arith.constant 0.000000e+00 : f32
    %gt3A_360 = vector.broadcast %gt3A_359 : f32 to vector<16xf32>
    %gt3A_361 = arith.cmpf ogt, %add3A_330, %gt3A_360 : vector<16xf32>
    %and3A_362 = arith.andi %lt3A_333, %gt3A_361 : vector<16xi1>
    %eq3A_363 = arith.constant 0.000000e+00 : f32
    %eq3A_364 = vector.broadcast %eq3A_363 : f32 to vector<16xf32>
    %eq3A_365 = arith.cmpf oeq, %add3A_330, %eq3A_364 : vector<16xf32>
    %and3A_366 = arith.andi %lt3A_333, %eq3A_365 : vector<16xi1>
    %add3A_367 = arith.constant 2048 : i32
    %add3A_368 = vector.broadcast %add3A_367 : i32 to vector<16xi32>
    %add3A_369 = arith.addi %add3A_336, %add3A_368 : vector<16xi32>
    %select_n3A_370 = arith.select %and3A_366, %add3A_369, %add3A_347 : vector<16xi1>, vector<16xi32>
    %select_n3A_371 = arith.select %and3A_362, %add3A_336, %select_n3A_370 : vector<16xi1>, vector<16xi32>
    %swap3A_372 = arith.constant 0 : i32
    %swap3A_373 = arith.index_cast %swap3A_372 : i32 to index
    %swap3A_374 = arith.constant 64 : index
    %swap3A_375 = tpu.vector_load %arg6[%swap3A_373, %swap3A_374] {strides = array<i32>} : memref<4x128xi32, #tpu.memory_space<vmem>>, vector<1x16xi32>,
    %swap3A_376 = vector.shape_cast %swap3A_375 : vector<1x16xi32> to vector<16xi32>
    %swap3A_377 = vector.shape_cast %select_n3A_358 : vector<16xi32> to vector<1x16xi32>
    tpu.vector_store %arg6[%swap3A_373, %swap3A_374], %swap3A_377 {strides = array<i32>} : memref<4x128xi32, #tpu.memory_space<vmem>>, vector<1x16xi32>,
    %swap3A_378 = arith.constant 0 : i32
    %swap3A_379 = arith.index_cast %swap3A_378 : i32 to index
    %swap3A_380 = arith.constant 64 : index
    %swap3A_381 = tpu.vector_load %arg7[%swap3A_379, %swap3A_380] {strides = array<i32>} : memref<4x128xi32, #tpu.memory_space<vmem>>, vector<1x16xi32>,
    %swap3A_382 = vector.shape_cast %swap3A_381 : vector<1x16xi32> to vector<16xi32>
    %swap3A_383 = vector.shape_cast %select_n3A_371 : vector<16xi32> to vector<1x16xi32>
    tpu.vector_store %arg7[%swap3A_379, %swap3A_380], %swap3A_383 {strides = array<i32>} : memref<4x128xi32, #tpu.memory_space<vmem>>, vector<1x16xi32>,
    %get3A_384 = arith.constant 80 : index
    %get3A_385 = tpu.vector_load %arg5[%get3A_384] {strides = array<i32>} : memref<512xf32, #tpu.memory_space<vmem>>, vector<16xf32>,
    %get3A_386 = vector.shape_cast %get3A_385 : vector<16xf32> to vector<16xf32>
    %mul3A_387 = arith.constant 1.000000e+03 : f32
    %mul3A_388 = vector.broadcast %mul3A_387 : f32 to vector<16xf32>
    %mul3A_389 = arith.mulf %get3A_386, %mul3A_388 : vector<16xf32>
    %convert_element_type3A_390 = arith.fptosi %mul3A_389 : vector<16xf32> to vector<16xi32>
    %convert_element_type3A_391 = arith.sitofp %convert_element_type3A_390 : vector<16xi32> to vector<16xf32>
    %sub3A_392 = arith.subf %mul3A_389, %convert_element_type3A_391 : vector<16xf32>
    %sub3A_393 = arith.constant 5.000000e-01 : f32
    %sub3A_394 = vector.broadcast %sub3A_393 : f32 to vector<16xf32>
    %sub3A_395 = arith.subf %sub3A_392, %sub3A_394 : vector<16xf32>
    %sub3A_396 = arith.constant 1.000000e+00 : f32
    %sub3A_397 = vector.broadcast %sub3A_396 : f32 to vector<16xf32>
    %sub3A_398 = arith.subf %sub3A_392, %sub3A_397 : vector<16xf32>
    %add3A_399 = arith.constant 5.000000e-01 : f32
    %add3A_400 = vector.broadcast %add3A_399 : f32 to vector<16xf32>
    %add3A_401 = arith.addf %sub3A_398, %add3A_400 : vector<16xf32>
    %lt3A_402 = arith.constant 999 : i32
    %lt3A_403 = vector.broadcast %lt3A_402 : i32 to vector<16xi32>
    %lt3A_404 = arith.cmpi slt, %convert_element_type3A_390, %lt3A_403 : vector<16xi32>
    %add3A_405 = arith.constant 1 : i32
    %add3A_406 = vector.broadcast %add3A_405 : i32 to vector<16xi32>
    %add3A_407 = arith.addi %convert_element_type3A_390, %add3A_406 : vector<16xi32>
    %add3A_408 = arith.constant 80 : i32
    %add3A_409 = arith.addi %mul3A_2, %add3A_408 : i32
    %iota3A_410 = tpu.iota {dimensions = array<i32: 0>} : vector<16xi32>
    %add3A_411 = vector.broadcast %add3A_409 : i32 to vector<16xi32>
    %add3A_412 = arith.addi %add3A_411, %iota3A_410 : vector<16xi32>
    %and3A_413 = arith.constant 1023 : i32
    %and3A_414 = vector.broadcast %and3A_413 : i32 to vector<16xi32>
    %and3A_415 = arith.andi %add3A_412, %and3A_414 : vector<16xi32>
    %add3A_416 = arith.constant 1000 : i32
    %add3A_417 = vector.broadcast %add3A_416 : i32 to vector<16xi32>
    %add3A_418 = arith.addi %add3A_417, %and3A_415 : vector<16xi32>
    %lt3A_419 = arith.constant 0.000000e+00 : f32
    %lt3A_420 = vector.broadcast %lt3A_419 : f32 to vector<16xf32>
    %lt3A_421 = arith.cmpf olt, %sub3A_395, %lt3A_420 : vector<16xf32>
    %eq3A_422 = arith.constant 0.000000e+00 : f32
    %eq3A_423 = vector.broadcast %eq3A_422 : f32 to vector<16xf32>
    %eq3A_424 = arith.cmpf oeq, %sub3A_395, %eq3A_423 : vector<16xf32>
    %add3A_425 = arith.constant 2048 : i32
    %add3A_426 = vector.broadcast %add3A_425 : i32 to vector<16xi32>
    %add3A_427 = arith.addi %convert_element_type3A_390, %add3A_426 : vector<16xi32>
    %select_n3A_428 = arith.select %eq3A_424, %add3A_427, %add3A_418 : vector<16xi1>, vector<16xi32>
    %select_n3A_429 = arith.select %lt3A_421, %convert_element_type3A_390, %select_n3A_428 : vector<16xi1>, vector<16xi32>
    %gt3A_430 = arith.constant 0.000000e+00 : f32
    %gt3A_431 = vector.broadcast %gt3A_430 : f32 to vector<16xf32>
    %gt3A_432 = arith.cmpf ogt, %add3A_401, %gt3A_431 : vector<16xf32>
    %and3A_433 = arith.andi %lt3A_404, %gt3A_432 : vector<16xi1>
    %eq3A_434 = arith.constant 0.000000e+00 : f32
    %eq3A_435 = vector.broadcast %eq3A_434 : f32 to vector<16xf32>
    %eq3A_436 = arith.cmpf oeq, %add3A_401, %eq3A_435 : vector<16xf32>
    %and3A_437 = arith.andi %lt3A_404, %eq3A_436 : vector<16xi1>
    %add3A_438 = arith.constant 2048 : i32
    %add3A_439 = vector.broadcast %add3A_438 : i32 to vector<16xi32>
    %add3A_440 = arith.addi %add3A_407, %add3A_439 : vector<16xi32>
    %select_n3A_441 = arith.select %and3A_437, %add3A_440, %add3A_418 : vector<16xi1>, vector<16xi32>
    %select_n3A_442 = arith.select %and3A_433, %add3A_407, %select_n3A_441 : vector<16xi1>, vector<16xi32>
    %swap3A_443 = arith.constant 0 : i32
    %swap3A_444 = arith.index_cast %swap3A_443 : i32 to index
    %swap3A_445 = arith.constant 80 : index
    %swap3A_446 = tpu.vector_load %arg6[%swap3A_444, %swap3A_445] {strides = array<i32>} : memref<4x128xi32, #tpu.memory_space<vmem>>, vector<1x16xi32>,
    %swap3A_447 = vector.shape_cast %swap3A_446 : vector<1x16xi32> to vector<16xi32>
    %swap3A_448 = vector.shape_cast %select_n3A_429 : vector<16xi32> to vector<1x16xi32>
    tpu.vector_store %arg6[%swap3A_444, %swap3A_445], %swap3A_448 {strides = array<i32>} : memref<4x128xi32, #tpu.memory_space<vmem>>, vector<1x16xi32>,
    %swap3A_449 = arith.constant 0 : i32
    %swap3A_450 = arith.index_cast %swap3A_449 : i32 to index
    %swap3A_451 = arith.constant 80 : index
    %swap3A_452 = tpu.vector_load %arg7[%swap3A_450, %swap3A_451] {strides = array<i32>} : memref<4x128xi32, #tpu.memory_space<vmem>>, vector<1x16xi32>,
    %swap3A_453 = vector.shape_cast %swap3A_452 : vector<1x16xi32> to vector<16xi32>
    %swap3A_454 = vector.shape_cast %select_n3A_442 : vector<16xi32> to vector<1x16xi32>
    tpu.vector_store %arg7[%swap3A_450, %swap3A_451], %swap3A_454 {strides = array<i32>} : memref<4x128xi32, #tpu.memory_space<vmem>>, vector<1x16xi32>,
    %get3A_455 = arith.constant 96 : index
    %get3A_456 = tpu.vector_load %arg5[%get3A_455] {strides = array<i32>} : memref<512xf32, #tpu.memory_space<vmem>>, vector<16xf32>,
    %get3A_457 = vector.shape_cast %get3A_456 : vector<16xf32> to vector<16xf32>
    %mul3A_458 = arith.constant 1.000000e+03 : f32
    %mul3A_459 = vector.broadcast %mul3A_458 : f32 to vector<16xf32>
    %mul3A_460 = arith.mulf %get3A_457, %mul3A_459 : vector<16xf32>
    %convert_element_type3A_461 = arith.fptosi %mul3A_460 : vector<16xf32> to vector<16xi32>
    %convert_element_type3A_462 = arith.sitofp %convert_element_type3A_461 : vector<16xi32> to vector<16xf32>
    %sub3A_463 = arith.subf %mul3A_460, %convert_element_type3A_462 : vector<16xf32>
    %sub3A_464 = arith.constant 5.000000e-01 : f32
    %sub3A_465 = vector.broadcast %sub3A_464 : f32 to vector<16xf32>
    %sub3A_466 = arith.subf %sub3A_463, %sub3A_465 : vector<16xf32>
    %sub3A_467 = arith.constant 1.000000e+00 : f32
    %sub3A_468 = vector.broadcast %sub3A_467 : f32 to vector<16xf32>
    %sub3A_469 = arith.subf %sub3A_463, %sub3A_468 : vector<16xf32>
    %add3A_470 = arith.constant 5.000000e-01 : f32
    %add3A_471 = vector.broadcast %add3A_470 : f32 to vector<16xf32>
    %add3A_472 = arith.addf %sub3A_469, %add3A_471 : vector<16xf32>
    %lt3A_473 = arith.constant 999 : i32
    %lt3A_474 = vector.broadcast %lt3A_473 : i32 to vector<16xi32>
    %lt3A_475 = arith.cmpi slt, %convert_element_type3A_461, %lt3A_474 : vector<16xi32>
    %add3A_476 = arith.constant 1 : i32
    %add3A_477 = vector.broadcast %add3A_476 : i32 to vector<16xi32>
    %add3A_478 = arith.addi %convert_element_type3A_461, %add3A_477 : vector<16xi32>
    %add3A_479 = arith.constant 96 : i32
    %add3A_480 = arith.addi %mul3A_2, %add3A_479 : i32
    %iota3A_481 = tpu.iota {dimensions = array<i32: 0>} : vector<16xi32>
    %add3A_482 = vector.broadcast %add3A_480 : i32 to vector<16xi32>
    %add3A_483 = arith.addi %add3A_482, %iota3A_481 : vector<16xi32>
    %and3A_484 = arith.constant 1023 : i32
    %and3A_485 = vector.broadcast %and3A_484 : i32 to vector<16xi32>
    %and3A_486 = arith.andi %add3A_483, %and3A_485 : vector<16xi32>
    %add3A_487 = arith.constant 1000 : i32
    %add3A_488 = vector.broadcast %add3A_487 : i32 to vector<16xi32>
    %add3A_489 = arith.addi %add3A_488, %and3A_486 : vector<16xi32>
    %lt3A_490 = arith.constant 0.000000e+00 : f32
    %lt3A_491 = vector.broadcast %lt3A_490 : f32 to vector<16xf32>
    %lt3A_492 = arith.cmpf olt, %sub3A_466, %lt3A_491 : vector<16xf32>
    %eq3A_493 = arith.constant 0.000000e+00 : f32
    %eq3A_494 = vector.broadcast %eq3A_493 : f32 to vector<16xf32>
    %eq3A_495 = arith.cmpf oeq, %sub3A_466, %eq3A_494 : vector<16xf32>
    %add3A_496 = arith.constant 2048 : i32
    %add3A_497 = vector.broadcast %add3A_496 : i32 to vector<16xi32>
    %add3A_498 = arith.addi %convert_element_type3A_461, %add3A_497 : vector<16xi32>
    %select_n3A_499 = arith.select %eq3A_495, %add3A_498, %add3A_489 : vector<16xi1>, vector<16xi32>
    %select_n3A_500 = arith.select %lt3A_492, %convert_element_type3A_461, %select_n3A_499 : vector<16xi1>, vector<16xi32>
    %gt3A_501 = arith.constant 0.000000e+00 : f32
    %gt3A_502 = vector.broadcast %gt3A_501 : f32 to vector<16xf32>
    %gt3A_503 = arith.cmpf ogt, %add3A_472, %gt3A_502 : vector<16xf32>
    %and3A_504 = arith.andi %lt3A_475, %gt3A_503 : vector<16xi1>
    %eq3A_505 = arith.constant 0.000000e+00 : f32
    %eq3A_506 = vector.broadcast %eq3A_505 : f32 to vector<16xf32>
    %eq3A_507 = arith.cmpf oeq, %add3A_472, %eq3A_506 : vector<16xf32>
    %and3A_508 = arith.andi %lt3A_475, %eq3A_507 : vector<16xi1>
    %add3A_509 = arith.constant 2048 : i32
    %add3A_510 = vector.broadcast %add3A_509 : i32 to vector<16xi32>
    %add3A_511 = arith.addi %add3A_478, %add3A_510 : vector<16xi32>
    %select_n3A_512 = arith.select %and3A_508, %add3A_511, %add3A_489 : vector<16xi1>, vector<16xi32>
    %select_n3A_513 = arith.select %and3A_504, %add3A_478, %select_n3A_512 : vector<16xi1>, vector<16xi32>
    %swap3A_514 = arith.constant 0 : i32
    %swap3A_515 = arith.index_cast %swap3A_514 : i32 to index
    %swap3A_516 = arith.constant 96 : index
    %swap3A_517 = tpu.vector_load %arg6[%swap3A_515, %swap3A_516] {strides = array<i32>} : memref<4x128xi32, #tpu.memory_space<vmem>>, vector<1x16xi32>,
    %swap3A_518 = vector.shape_cast %swap3A_517 : vector<1x16xi32> to vector<16xi32>
    %swap3A_519 = vector.shape_cast %select_n3A_500 : vector<16xi32> to vector<1x16xi32>
    tpu.vector_store %arg6[%swap3A_515, %swap3A_516], %swap3A_519 {strides = array<i32>} : memref<4x128xi32, #tpu.memory_space<vmem>>, vector<1x16xi32>,
    %swap3A_520 = arith.constant 0 : i32
    %swap3A_521 = arith.index_cast %swap3A_520 : i32 to index
    %swap3A_522 = arith.constant 96 : index
    %swap3A_523 = tpu.vector_load %arg7[%swap3A_521, %swap3A_522] {strides = array<i32>} : memref<4x128xi32, #tpu.memory_space<vmem>>, vector<1x16xi32>,
    %swap3A_524 = vector.shape_cast %swap3A_523 : vector<1x16xi32> to vector<16xi32>
    %swap3A_525 = vector.shape_cast %select_n3A_513 : vector<16xi32> to vector<1x16xi32>
    tpu.vector_store %arg7[%swap3A_521, %swap3A_522], %swap3A_525 {strides = array<i32>} : memref<4x128xi32, #tpu.memory_space<vmem>>, vector<1x16xi32>,
    %get3A_526 = arith.constant 112 : index
    %get3A_527 = tpu.vector_load %arg5[%get3A_526] {strides = array<i32>} : memref<512xf32, #tpu.memory_space<vmem>>, vector<16xf32>,
    %get3A_528 = vector.shape_cast %get3A_527 : vector<16xf32> to vector<16xf32>
    %mul3A_529 = arith.constant 1.000000e+03 : f32
    %mul3A_530 = vector.broadcast %mul3A_529 : f32 to vector<16xf32>
    %mul3A_531 = arith.mulf %get3A_528, %mul3A_530 : vector<16xf32>
    %convert_element_type3A_532 = arith.fptosi %mul3A_531 : vector<16xf32> to vector<16xi32>
    %convert_element_type3A_533 = arith.sitofp %convert_element_type3A_532 : vector<16xi32> to vector<16xf32>
    %sub3A_534 = arith.subf %mul3A_531, %convert_element_type3A_533 : vector<16xf32>
    %sub3A_535 = arith.constant 5.000000e-01 : f32
    %sub3A_536 = vector.broadcast %sub3A_535 : f32 to vector<16xf32>
    %sub3A_537 = arith.subf %sub3A_534, %sub3A_536 : vector<16xf32>
    %sub3A_538 = arith.constant 1.000000e+00 : f32
    %sub3A_539 = vector.broadcast %sub3A_538 : f32 to vector<16xf32>
    %sub3A_540 = arith.subf %sub3A_534, %sub3A_539 : vector<16xf32>
    %add3A_541 = arith.constant 5.000000e-01 : f32
    %add3A_542 = vector.broadcast %add3A_541 : f32 to vector<16xf32>
    %add3A_543 = arith.addf %sub3A_540, %add3A_542 : vector<16xf32>
    %lt3A_544 = arith.constant 999 : i32
    %lt3A_545 = vector.broadcast %lt3A_544 : i32 to vector<16xi32>
    %lt3A_546 = arith.cmpi slt, %convert_element_type3A_532, %lt3A_545 : vector<16xi32>
    %add3A_547 = arith.constant 1 : i32
    %add3A_548 = vector.broadcast %add3A_547 : i32 to vector<16xi32>
    %add3A_549 = arith.addi %convert_element_type3A_532, %add3A_548 : vector<16xi32>
    %add3A_550 = arith.constant 112 : i32
    %add3A_551 = arith.addi %mul3A_2, %add3A_550 : i32
    %iota3A_552 = tpu.iota {dimensions = array<i32: 0>} : vector<16xi32>
    %add3A_553 = vector.broadcast %add3A_551 : i32 to vector<16xi32>
    %add3A_554 = arith.addi %add3A_553, %iota3A_552 : vector<16xi32>
    %and3A_555 = arith.constant 1023 : i32
    %and3A_556 = vector.broadcast %and3A_555 : i32 to vector<16xi32>
    %and3A_557 = arith.andi %add3A_554, %and3A_556 : vector<16xi32>
    %add3A_558 = arith.constant 1000 : i32
    %add3A_559 = vector.broadcast %add3A_558 : i32 to vector<16xi32>
    %add3A_560 = arith.addi %add3A_559, %and3A_557 : vector<16xi32>
    %lt3A_561 = arith.constant 0.000000e+00 : f32
    %lt3A_562 = vector.broadcast %lt3A_561 : f32 to vector<16xf32>
    %lt3A_563 = arith.cmpf olt, %sub3A_537, %lt3A_562 : vector<16xf32>
    %eq3A_564 = arith.constant 0.000000e+00 : f32
    %eq3A_565 = vector.broadcast %eq3A_564 : f32 to vector<16xf32>
    %eq3A_566 = arith.cmpf oeq, %sub3A_537, %eq3A_565 : vector<16xf32>
    %add3A_567 = arith.constant 2048 : i32
    %add3A_568 = vector.broadcast %add3A_567 : i32 to vector<16xi32>
    %add3A_569 = arith.addi %convert_element_type3A_532, %add3A_568 : vector<16xi32>
    %select_n3A_570 = arith.select %eq3A_566, %add3A_569, %add3A_560 : vector<16xi1>, vector<16xi32>
    %select_n3A_571 = arith.select %lt3A_563, %convert_element_type3A_532, %select_n3A_570 : vector<16xi1>, vector<16xi32>
    %gt3A_572 = arith.constant 0.000000e+00 : f32
    %gt3A_573 = vector.broadcast %gt3A_572 : f32 to vector<16xf32>
    %gt3A_574 = arith.cmpf ogt, %add3A_543, %gt3A_573 : vector<16xf32>
    %and3A_575 = arith.andi %lt3A_546, %gt3A_574 : vector<16xi1>
    %eq3A_576 = arith.constant 0.000000e+00 : f32
    %eq3A_577 = vector.broadcast %eq3A_576 : f32 to vector<16xf32>
    %eq3A_578 = arith.cmpf oeq, %add3A_543, %eq3A_577 : vector<16xf32>
    %and3A_579 = arith.andi %lt3A_546, %eq3A_578 : vector<16xi1>
    %add3A_580 = arith.constant 2048 : i32
    %add3A_581 = vector.broadcast %add3A_580 : i32 to vector<16xi32>
    %add3A_582 = arith.addi %add3A_549, %add3A_581 : vector<16xi32>
    %select_n3A_583 = arith.select %and3A_579, %add3A_582, %add3A_560 : vector<16xi1>, vector<16xi32>
    %select_n3A_584 = arith.select %and3A_575, %add3A_549, %select_n3A_583 : vector<16xi1>, vector<16xi32>
    %swap3A_585 = arith.constant 0 : i32
    %swap3A_586 = arith.index_cast %swap3A_585 : i32 to index
    %swap3A_587 = arith.constant 112 : index
    %swap3A_588 = tpu.vector_load %arg6[%swap3A_586, %swap3A_587] {strides = array<i32>} : memref<4x128xi32, #tpu.memory_space<vmem>>, vector<1x16xi32>,
    %swap3A_589 = vector.shape_cast %swap3A_588 : vector<1x16xi32> to vector<16xi32>
    %swap3A_590 = vector.shape_cast %select_n3A_571 : vector<16xi32> to vector<1x16xi32>
    tpu.vector_store %arg6[%swap3A_586, %swap3A_587], %swap3A_590 {strides = array<i32>} : memref<4x128xi32, #tpu.memory_space<vmem>>, vector<1x16xi32>,
    %swap3A_591 = arith.constant 0 : i32
    %swap3A_592 = arith.index_cast %swap3A_591 : i32 to index
    %swap3A_593 = arith.constant 112 : index
    %swap3A_594 = tpu.vector_load %arg7[%swap3A_592, %swap3A_593] {strides = array<i32>} : memref<4x128xi32, #tpu.memory_space<vmem>>, vector<1x16xi32>,
    %swap3A_595 = vector.shape_cast %swap3A_594 : vector<1x16xi32> to vector<16xi32>
    %swap3A_596 = vector.shape_cast %select_n3A_584 : vector<16xi32> to vector<1x16xi32>
    tpu.vector_store %arg7[%swap3A_592, %swap3A_593], %swap3A_596 {strides = array<i32>} : memref<4x128xi32, #tpu.memory_space<vmem>>, vector<1x16xi32>,
    %dma_start3A_597 = arith.constant 0 : i32
    %dma_start3A_598 = arith.constant 0 : i32
    %dma_start3A_599 = arith.constant 0 : i32
    %dma_start3A_600 = tpu.memref_slice %arg8[%dma_start3A_598, %dma_start3A_599] : memref<512x16xf32, #tpu.memory_space<vmem>> -> memref<128x16xf32, #tpu.memory_space<vmem>>
    %dma_start3A_601 = arith.constant 0 : i32
    %dma_start3A_602 = tpu.memref_slice %arg6[%dma_start3A_597, %dma_start3A_601] : memref<4x128xi32, #tpu.memory_space<vmem>> -> memref<1x128xi32, #tpu.memory_space<vmem>>
    %dma_start3A_603 = tpu.memref_squeeze %dma_start3A_602 : memref<1x128xi32, #tpu.memory_space<vmem>> -> memref<128xi32, #tpu.memory_space<vmem>>
    %dma_start3A_604 = arith.constant 0 : i32
    %dma_start3A_605 = arith.constant 0 : i32
    %dma_start3A_606 = tpu.memref_slice %arg3[%dma_start3A_604, %dma_start3A_605] : memref<4096x16xf32, #tpu.memory_space<hbm>> -> memref<4096x16xf32, #tpu.memory_space<hbm>>
    tpu.enqueue_indirect_dma source(%dma_start3A_606 : memref<4096x16xf32, #tpu.memory_space<hbm>>) target(%dma_start3A_600 : memref<128x16xf32, #tpu.memory_space<vmem>>) offsets(%dma_start3A_603 : memref<128xi32, #tpu.memory_space<vmem>>) semaphore(%arg13 : memref<!tpu.dma_semaphore, #tpu.memory_space<semaphore_mem>>)
    %dma_wait3A_607 = arith.constant 128 : i32
    %dma_wait3A_608 = tpu.memref_slice %arg5[%dma_wait3A_607] : memref<512xf32, #tpu.memory_space<vmem>> -> memref<128xf32, #tpu.memory_space<vmem>>
    %dma_wait3A_609 = tpu.memref_slice %arg2[%add3A_11] : memref<16384xf32, #tpu.memory_space<hbm>> -> memref<128xf32, #tpu.memory_space<hbm>>
    %dma_wait3A_610 = arith.constant 128 : i32
    %dma_wait3A_611 = tpu.memref_slice %arg5[%dma_wait3A_610] : memref<512xf32, #tpu.memory_space<vmem>> -> memref<128xf32, #tpu.memory_space<vmem>>
    %dma_wait3A_612 = tpu.memref_slice %arg2[%add3A_11] : memref<16384xf32, #tpu.memory_space<hbm>> -> memref<128xf32, #tpu.memory_space<hbm>>
    tpu.wait_dma2 semaphore(%arg10 : memref<!tpu.dma_semaphore, #tpu.memory_space<semaphore_mem>>) src(%dma_wait3A_612 : memref<128xf32, #tpu.memory_space<hbm>>) dst(%dma_wait3A_611 : memref<128xf32, #tpu.memory_space<vmem>>)
    %get3A_613 = arith.constant 128 : index
    %get3A_614 = tpu.vector_load %arg5[%get3A_613] {strides = array<i32>} : memref<512xf32, #tpu.memory_space<vmem>>, vector<16xf32>,
    %get3A_615 = vector.shape_cast %get3A_614 : vector<16xf32> to vector<16xf32>
    %mul3A_616 = arith.constant 1.000000e+03 : f32
    %mul3A_617 = vector.broadcast %mul3A_616 : f32 to vector<16xf32>
    %mul3A_618 = arith.mulf %get3A_615, %mul3A_617 : vector<16xf32>
    %convert_element_type3A_619 = arith.fptosi %mul3A_618 : vector<16xf32> to vector<16xi32>
    %convert_element_type3A_620 = arith.sitofp %convert_element_type3A_619 : vector<16xi32> to vector<16xf32>
    %sub3A_621 = arith.subf %mul3A_618, %convert_element_type3A_620 : vector<16xf32>
    %sub3A_622 = arith.constant 5.000000e-01 : f32
    %sub3A_623 = vector.broadcast %sub3A_622 : f32 to vector<16xf32>
    %sub3A_624 = arith.subf %sub3A_621, %sub3A_623 : vector<16xf32>
    %sub3A_625 = arith.constant 1.000000e+00 : f32
    %sub3A_626 = vector.broadcast %sub3A_625 : f32 to vector<16xf32>
    %sub3A_627 = arith.subf %sub3A_621, %sub3A_626 : vector<16xf32>
    %add3A_628 = arith.constant 5.000000e-01 : f32
    %add3A_629 = vector.broadcast %add3A_628 : f32 to vector<16xf32>
    %add3A_630 = arith.addf %sub3A_627, %add3A_629 : vector<16xf32>
    %lt3A_631 = arith.constant 999 : i32
    %lt3A_632 = vector.broadcast %lt3A_631 : i32 to vector<16xi32>
    %lt3A_633 = arith.cmpi slt, %convert_element_type3A_619, %lt3A_632 : vector<16xi32>
    %add3A_634 = arith.constant 1 : i32
    %add3A_635 = vector.broadcast %add3A_634 : i32 to vector<16xi32>
    %add3A_636 = arith.addi %convert_element_type3A_619, %add3A_635 : vector<16xi32>
    %add3A_637 = arith.constant 128 : i32
    %add3A_638 = arith.addi %mul3A_2, %add3A_637 : i32
    %iota3A_639 = tpu.iota {dimensions = array<i32: 0>} : vector<16xi32>
    %add3A_640 = vector.broadcast %add3A_638 : i32 to vector<16xi32>
    %add3A_641 = arith.addi %add3A_640, %iota3A_639 : vector<16xi32>
    %and3A_642 = arith.constant 1023 : i32
    %and3A_643 = vector.broadcast %and3A_642 : i32 to vector<16xi32>
    %and3A_644 = arith.andi %add3A_641, %and3A_643 : vector<16xi32>
    %add3A_645 = arith.constant 1000 : i32
    %add3A_646 = vector.broadcast %add3A_645 : i32 to vector<16xi32>
    %add3A_647 = arith.addi %add3A_646, %and3A_644 : vector<16xi32>
    %lt3A_648 = arith.constant 0.000000e+00 : f32
    %lt3A_649 = vector.broadcast %lt3A_648 : f32 to vector<16xf32>
    %lt3A_650 = arith.cmpf olt, %sub3A_624, %lt3A_649 : vector<16xf32>
    %eq3A_651 = arith.constant 0.000000e+00 : f32
    %eq3A_652 = vector.broadcast %eq3A_651 : f32 to vector<16xf32>
    %eq3A_653 = arith.cmpf oeq, %sub3A_624, %eq3A_652 : vector<16xf32>
    %add3A_654 = arith.constant 2048 : i32
    %add3A_655 = vector.broadcast %add3A_654 : i32 to vector<16xi32>
    %add3A_656 = arith.addi %convert_element_type3A_619, %add3A_655 : vector<16xi32>
    %select_n3A_657 = arith.select %eq3A_653, %add3A_656, %add3A_647 : vector<16xi1>, vector<16xi32>
    %select_n3A_658 = arith.select %lt3A_650, %convert_element_type3A_619, %select_n3A_657 : vector<16xi1>, vector<16xi32>
    %gt3A_659 = arith.constant 0.000000e+00 : f32
    %gt3A_660 = vector.broadcast %gt3A_659 : f32 to vector<16xf32>
    %gt3A_661 = arith.cmpf ogt, %add3A_630, %gt3A_660 : vector<16xf32>
    %and3A_662 = arith.andi %lt3A_633, %gt3A_661 : vector<16xi1>
    %eq3A_663 = arith.constant 0.000000e+00 : f32
    %eq3A_664 = vector.broadcast %eq3A_663 : f32 to vector<16xf32>
    %eq3A_665 = arith.cmpf oeq, %add3A_630, %eq3A_664 : vector<16xf32>
    %and3A_666 = arith.andi %lt3A_633, %eq3A_665 : vector<16xi1>
    %add3A_667 = arith.constant 2048 : i32
    %add3A_668 = vector.broadcast %add3A_667 : i32 to vector<16xi32>
    %add3A_669 = arith.addi %add3A_636, %add3A_668 : vector<16xi32>
    %select_n3A_670 = arith.select %and3A_666, %add3A_669, %add3A_647 : vector<16xi1>, vector<16xi32>
    %select_n3A_671 = arith.select %and3A_662, %add3A_636, %select_n3A_670 : vector<16xi1>, vector<16xi32>
    %swap3A_672 = arith.constant 1 : i32
    %swap3A_673 = arith.index_cast %swap3A_672 : i32 to index
    %swap3A_674 = arith.constant 0 : index
    %swap3A_675 = tpu.vector_load %arg6[%swap3A_673, %swap3A_674] {strides = array<i32>} : memref<4x128xi32, #tpu.memory_space<vmem>>, vector<1x16xi32>,
    %swap3A_676 = vector.shape_cast %swap3A_675 : vector<1x16xi32> to vector<16xi32>
    %swap3A_677 = vector.shape_cast %select_n3A_658 : vector<16xi32> to vector<1x16xi32>
    tpu.vector_store %arg6[%swap3A_673, %swap3A_674], %swap3A_677 {strides = array<i32>} : memref<4x128xi32, #tpu.memory_space<vmem>>, vector<1x16xi32>,
    %swap3A_678 = arith.constant 1 : i32
    %swap3A_679 = arith.index_cast %swap3A_678 : i32 to index
    %swap3A_680 = arith.constant 0 : index
    %swap3A_681 = tpu.vector_load %arg7[%swap3A_679, %swap3A_680] {strides = array<i32>} : memref<4x128xi32, #tpu.memory_space<vmem>>, vector<1x16xi32>,
    %swap3A_682 = vector.shape_cast %swap3A_681 : vector<1x16xi32> to vector<16xi32>
    %swap3A_683 = vector.shape_cast %select_n3A_671 : vector<16xi32> to vector<1x16xi32>
    tpu.vector_store %arg7[%swap3A_679, %swap3A_680], %swap3A_683 {strides = array<i32>} : memref<4x128xi32, #tpu.memory_space<vmem>>, vector<1x16xi32>,
    %get3A_684 = arith.constant 144 : index
    %get3A_685 = tpu.vector_load %arg5[%get3A_684] {strides = array<i32>} : memref<512xf32, #tpu.memory_space<vmem>>, vector<16xf32>,
    %get3A_686 = vector.shape_cast %get3A_685 : vector<16xf32> to vector<16xf32>
    %mul3A_687 = arith.constant 1.000000e+03 : f32
    %mul3A_688 = vector.broadcast %mul3A_687 : f32 to vector<16xf32>
    %mul3A_689 = arith.mulf %get3A_686, %mul3A_688 : vector<16xf32>
    %convert_element_type3A_690 = arith.fptosi %mul3A_689 : vector<16xf32> to vector<16xi32>
    %convert_element_type3A_691 = arith.sitofp %convert_element_type3A_690 : vector<16xi32> to vector<16xf32>
    %sub3A_692 = arith.subf %mul3A_689, %convert_element_type3A_691 : vector<16xf32>
    %sub3A_693 = arith.constant 5.000000e-01 : f32
    %sub3A_694 = vector.broadcast %sub3A_693 : f32 to vector<16xf32>
    %sub3A_695 = arith.subf %sub3A_692, %sub3A_694 : vector<16xf32>
    %sub3A_696 = arith.constant 1.000000e+00 : f32
    %sub3A_697 = vector.broadcast %sub3A_696 : f32 to vector<16xf32>
    %sub3A_698 = arith.subf %sub3A_692, %sub3A_697 : vector<16xf32>
    %add3A_699 = arith.constant 5.000000e-01 : f32
    %add3A_700 = vector.broadcast %add3A_699 : f32 to vector<16xf32>
    %add3A_701 = arith.addf %sub3A_698, %add3A_700 : vector<16xf32>
    %lt3A_702 = arith.constant 999 : i32
    %lt3A_703 = vector.broadcast %lt3A_702 : i32 to vector<16xi32>
    %lt3A_704 = arith.cmpi slt, %convert_element_type3A_690, %lt3A_703 : vector<16xi32>
    %add3A_705 = arith.constant 1 : i32
    %add3A_706 = vector.broadcast %add3A_705 : i32 to vector<16xi32>
    %add3A_707 = arith.addi %convert_element_type3A_690, %add3A_706 : vector<16xi32>
    %add3A_708 = arith.constant 144 : i32
    %add3A_709 = arith.addi %mul3A_2, %add3A_708 : i32
    %iota3A_710 = tpu.iota {dimensions = array<i32: 0>} : vector<16xi32>
    %add3A_711 = vector.broadcast %add3A_709 : i32 to vector<16xi32>
    %add3A_712 = arith.addi %add3A_711, %iota3A_710 : vector<16xi32>
    %and3A_713 = arith.constant 1023 : i32
    %and3A_714 = vector.broadcast %and3A_713 : i32 to vector<16xi32>
    %and3A_715 = arith.andi %add3A_712, %and3A_714 : vector<16xi32>
    %add3A_716 = arith.constant 1000 : i32
    %add3A_717 = vector.broadcast %add3A_716 : i32 to vector<16xi32>
    %add3A_718 = arith.addi %add3A_717, %and3A_715 : vector<16xi32>
    %lt3A_719 = arith.constant 0.000000e+00 : f32
    %lt3A_720 = vector.broadcast %lt3A_719 : f32 to vector<16xf32>
    %lt3A_721 = arith.cmpf olt, %sub3A_695, %lt3A_720 : vector<16xf32>
    %eq3A_722 = arith.constant 0.000000e+00 : f32
    %eq3A_723 = vector.broadcast %eq3A_722 : f32 to vector<16xf32>
    %eq3A_724 = arith.cmpf oeq, %sub3A_695, %eq3A_723 : vector<16xf32>
    %add3A_725 = arith.constant 2048 : i32
    %add3A_726 = vector.broadcast %add3A_725 : i32 to vector<16xi32>
    %add3A_727 = arith.addi %convert_element_type3A_690, %add3A_726 : vector<16xi32>
    %select_n3A_728 = arith.select %eq3A_724, %add3A_727, %add3A_718 : vector<16xi1>, vector<16xi32>
    %select_n3A_729 = arith.select %lt3A_721, %convert_element_type3A_690, %select_n3A_728 : vector<16xi1>, vector<16xi32>
    %gt3A_730 = arith.constant 0.000000e+00 : f32
    %gt3A_731 = vector.broadcast %gt3A_730 : f32 to vector<16xf32>
    %gt3A_732 = arith.cmpf ogt, %add3A_701, %gt3A_731 : vector<16xf32>
    %and3A_733 = arith.andi %lt3A_704, %gt3A_732 : vector<16xi1>
    %eq3A_734 = arith.constant 0.000000e+00 : f32
    %eq3A_735 = vector.broadcast %eq3A_734 : f32 to vector<16xf32>
    %eq3A_736 = arith.cmpf oeq, %add3A_701, %eq3A_735 : vector<16xf32>
    %and3A_737 = arith.andi %lt3A_704, %eq3A_736 : vector<16xi1>
    %add3A_738 = arith.constant 2048 : i32
    %add3A_739 = vector.broadcast %add3A_738 : i32 to vector<16xi32>
    %add3A_740 = arith.addi %add3A_707, %add3A_739 : vector<16xi32>
    %select_n3A_741 = arith.select %and3A_737, %add3A_740, %add3A_718 : vector<16xi1>, vector<16xi32>
    %select_n3A_742 = arith.select %and3A_733, %add3A_707, %select_n3A_741 : vector<16xi1>, vector<16xi32>
    %swap3A_743 = arith.constant 1 : i32
    %swap3A_744 = arith.index_cast %swap3A_743 : i32 to index
    %swap3A_745 = arith.constant 16 : index
    %swap3A_746 = tpu.vector_load %arg6[%swap3A_744, %swap3A_745] {strides = array<i32>} : memref<4x128xi32, #tpu.memory_space<vmem>>, vector<1x16xi32>,
    %swap3A_747 = vector.shape_cast %swap3A_746 : vector<1x16xi32> to vector<16xi32>
    %swap3A_748 = vector.shape_cast %select_n3A_729 : vector<16xi32> to vector<1x16xi32>
    tpu.vector_store %arg6[%swap3A_744, %swap3A_745], %swap3A_748 {strides = array<i32>} : memref<4x128xi32, #tpu.memory_space<vmem>>, vector<1x16xi32>,
    %swap3A_749 = arith.constant 1 : i32
    %swap3A_750 = arith.index_cast %swap3A_749 : i32 to index
    %swap3A_751 = arith.constant 16 : index
    %swap3A_752 = tpu.vector_load %arg7[%swap3A_750, %swap3A_751] {strides = array<i32>} : memref<4x128xi32, #tpu.memory_space<vmem>>, vector<1x16xi32>,
    %swap3A_753 = vector.shape_cast %swap3A_752 : vector<1x16xi32> to vector<16xi32>
    %swap3A_754 = vector.shape_cast %select_n3A_742 : vector<16xi32> to vector<1x16xi32>
    tpu.vector_store %arg7[%swap3A_750, %swap3A_751], %swap3A_754 {strides = array<i32>} : memref<4x128xi32, #tpu.memory_space<vmem>>, vector<1x16xi32>,
    %get3A_755 = arith.constant 160 : index
    %get3A_756 = tpu.vector_load %arg5[%get3A_755] {strides = array<i32>} : memref<512xf32, #tpu.memory_space<vmem>>, vector<16xf32>,
    %get3A_757 = vector.shape_cast %get3A_756 : vector<16xf32> to vector<16xf32>
    %mul3A_758 = arith.constant 1.000000e+03 : f32
    %mul3A_759 = vector.broadcast %mul3A_758 : f32 to vector<16xf32>
    %mul3A_760 = arith.mulf %get3A_757, %mul3A_759 : vector<16xf32>
    %convert_element_type3A_761 = arith.fptosi %mul3A_760 : vector<16xf32> to vector<16xi32>
    %convert_element_type3A_762 = arith.sitofp %convert_element_type3A_761 : vector<16xi32> to vector<16xf32>
    %sub3A_763 = arith.subf %mul3A_760, %convert_element_type3A_762 : vector<16xf32>
    %sub3A_764 = arith.constant 5.000000e-01 : f32
    %sub3A_765 = vector.broadcast %sub3A_764 : f32 to vector<16xf32>
    %sub3A_766 = arith.subf %sub3A_763, %sub3A_765 : vector<16xf32>
    %sub3A_767 = arith.constant 1.000000e+00 : f32
    %sub3A_768 = vector.broadcast %sub3A_767 : f32 to vector<16xf32>
    %sub3A_769 = arith.subf %sub3A_763, %sub3A_768 : vector<16xf32>
    %add3A_770 = arith.constant 5.000000e-01 : f32
    %add3A_771 = vector.broadcast %add3A_770 : f32 to vector<16xf32>
    %add3A_772 = arith.addf %sub3A_769, %add3A_771 : vector<16xf32>
    %lt3A_773 = arith.constant 999 : i32
    %lt3A_774 = vector.broadcast %lt3A_773 : i32 to vector<16xi32>
    %lt3A_775 = arith.cmpi slt, %convert_element_type3A_761, %lt3A_774 : vector<16xi32>
    %add3A_776 = arith.constant 1 : i32
    %add3A_777 = vector.broadcast %add3A_776 : i32 to vector<16xi32>
    %add3A_778 = arith.addi %convert_element_type3A_761, %add3A_777 : vector<16xi32>
    %add3A_779 = arith.constant 160 : i32
    %add3A_780 = arith.addi %mul3A_2, %add3A_779 : i32
    %iota3A_781 = tpu.iota {dimensions = array<i32: 0>} : vector<16xi32>
    %add3A_782 = vector.broadcast %add3A_780 : i32 to vector<16xi32>
    %add3A_783 = arith.addi %add3A_782, %iota3A_781 : vector<16xi32>
    %and3A_784 = arith.constant 1023 : i32
    %and3A_785 = vector.broadcast %and3A_784 : i32 to vector<16xi32>
    %and3A_786 = arith.andi %add3A_783, %and3A_785 : vector<16xi32>
    %add3A_787 = arith.constant 1000 : i32
    %add3A_788 = vector.broadcast %add3A_787 : i32 to vector<16xi32>
    %add3A_789 = arith.addi %add3A_788, %and3A_786 : vector<16xi32>
    %lt3A_790 = arith.constant 0.000000e+00 : f32
    %lt3A_791 = vector.broadcast %lt3A_790 : f32 to vector<16xf32>
    %lt3A_792 = arith.cmpf olt, %sub3A_766, %lt3A_791 : vector<16xf32>
    %eq3A_793 = arith.constant 0.000000e+00 : f32
    %eq3A_794 = vector.broadcast %eq3A_793 : f32 to vector<16xf32>
    %eq3A_795 = arith.cmpf oeq, %sub3A_766, %eq3A_794 : vector<16xf32>
    %add3A_796 = arith.constant 2048 : i32
    %add3A_797 = vector.broadcast %add3A_796 : i32 to vector<16xi32>
    %add3A_798 = arith.addi %convert_element_type3A_761, %add3A_797 : vector<16xi32>
    %select_n3A_799 = arith.select %eq3A_795, %add3A_798, %add3A_789 : vector<16xi1>, vector<16xi32>
    %select_n3A_800 = arith.select %lt3A_792, %convert_element_type3A_761, %select_n3A_799 : vector<16xi1>, vector<16xi32>
    %gt3A_801 = arith.constant 0.000000e+00 : f32
    %gt3A_802 = vector.broadcast %gt3A_801 : f32 to vector<16xf32>
    %gt3A_803 = arith.cmpf ogt, %add3A_772, %gt3A_802 : vector<16xf32>
    %and3A_804 = arith.andi %lt3A_775, %gt3A_803 : vector<16xi1>
    %eq3A_805 = arith.constant 0.000000e+00 : f32
    %eq3A_806 = vector.broadcast %eq3A_805 : f32 to vector<16xf32>
    %eq3A_807 = arith.cmpf oeq, %add3A_772, %eq3A_806 : vector<16xf32>
    %and3A_808 = arith.andi %lt3A_775, %eq3A_807 : vector<16xi1>
    %add3A_809 = arith.constant 2048 : i32
    %add3A_810 = vector.broadcast %add3A_809 : i32 to vector<16xi32>
    %add3A_811 = arith.addi %add3A_778, %add3A_810 : vector<16xi32>
    %select_n3A_812 = arith.select %and3A_808, %add3A_811, %add3A_789 : vector<16xi1>, vector<16xi32>
    %select_n3A_813 = arith.select %and3A_804, %add3A_778, %select_n3A_812 : vector<16xi1>, vector<16xi32>
    %swap3A_814 = arith.constant 1 : i32
    %swap3A_815 = arith.index_cast %swap3A_814 : i32 to index
    %swap3A_816 = arith.constant 32 : index
    %swap3A_817 = tpu.vector_load %arg6[%swap3A_815, %swap3A_816] {strides = array<i32>} : memref<4x128xi32, #tpu.memory_space<vmem>>, vector<1x16xi32>,
    %swap3A_818 = vector.shape_cast %swap3A_817 : vector<1x16xi32> to vector<16xi32>
    %swap3A_819 = vector.shape_cast %select_n3A_800 : vector<16xi32> to vector<1x16xi32>
    tpu.vector_store %arg6[%swap3A_815, %swap3A_816], %swap3A_819 {strides = array<i32>} : memref<4x128xi32, #tpu.memory_space<vmem>>, vector<1x16xi32>,
    %swap3A_820 = arith.constant 1 : i32
    %swap3A_821 = arith.index_cast %swap3A_820 : i32 to index
    %swap3A_822 = arith.constant 32 : index
    %swap3A_823 = tpu.vector_load %arg7[%swap3A_821, %swap3A_822] {strides = array<i32>} : memref<4x128xi32, #tpu.memory_space<vmem>>, vector<1x16xi32>,
    %swap3A_824 = vector.shape_cast %swap3A_823 : vector<1x16xi32> to vector<16xi32>
    %swap3A_825 = vector.shape_cast %select_n3A_813 : vector<16xi32> to vector<1x16xi32>
    tpu.vector_store %arg7[%swap3A_821, %swap3A_822], %swap3A_825 {strides = array<i32>} : memref<4x128xi32, #tpu.memory_space<vmem>>, vector<1x16xi32>,
    %get3A_826 = arith.constant 176 : index
    %get3A_827 = tpu.vector_load %arg5[%get3A_826] {strides = array<i32>} : memref<512xf32, #tpu.memory_space<vmem>>, vector<16xf32>,
    %get3A_828 = vector.shape_cast %get3A_827 : vector<16xf32> to vector<16xf32>
    %mul3A_829 = arith.constant 1.000000e+03 : f32
    %mul3A_830 = vector.broadcast %mul3A_829 : f32 to vector<16xf32>
    %mul3A_831 = arith.mulf %get3A_828, %mul3A_830 : vector<16xf32>
    %convert_element_type3A_832 = arith.fptosi %mul3A_831 : vector<16xf32> to vector<16xi32>
    %convert_element_type3A_833 = arith.sitofp %convert_element_type3A_832 : vector<16xi32> to vector<16xf32>
    %sub3A_834 = arith.subf %mul3A_831, %convert_element_type3A_833 : vector<16xf32>
    %sub3A_835 = arith.constant 5.000000e-01 : f32
    %sub3A_836 = vector.broadcast %sub3A_835 : f32 to vector<16xf32>
    %sub3A_837 = arith.subf %sub3A_834, %sub3A_836 : vector<16xf32>
    %sub3A_838 = arith.constant 1.000000e+00 : f32
    %sub3A_839 = vector.broadcast %sub3A_838 : f32 to vector<16xf32>
    %sub3A_840 = arith.subf %sub3A_834, %sub3A_839 : vector<16xf32>
    %add3A_841 = arith.constant 5.000000e-01 : f32
    %add3A_842 = vector.broadcast %add3A_841 : f32 to vector<16xf32>
    %add3A_843 = arith.addf %sub3A_840, %add3A_842 : vector<16xf32>
    %lt3A_844 = arith.constant 999 : i32
    %lt3A_845 = vector.broadcast %lt3A_844 : i32 to vector<16xi32>
    %lt3A_846 = arith.cmpi slt, %convert_element_type3A_832, %lt3A_845 : vector<16xi32>
    %add3A_847 = arith.constant 1 : i32
    %add3A_848 = vector.broadcast %add3A_847 : i32 to vector<16xi32>
    %add3A_849 = arith.addi %convert_element_type3A_832, %add3A_848 : vector<16xi32>
    %add3A_850 = arith.constant 176 : i32
    %add3A_851 = arith.addi %mul3A_2, %add3A_850 : i32
    %iota3A_852 = tpu.iota {dimensions = array<i32: 0>} : vector<16xi32>
    %add3A_853 = vector.broadcast %add3A_851 : i32 to vector<16xi32>
    %add3A_854 = arith.addi %add3A_853, %iota3A_852 : vector<16xi32>
    %and3A_855 = arith.constant 1023 : i32
    %and3A_856 = vector.broadcast %and3A_855 : i32 to vector<16xi32>
    %and3A_857 = arith.andi %add3A_854, %and3A_856 : vector<16xi32>
    %add3A_858 = arith.constant 1000 : i32
    %add3A_859 = vector.broadcast %add3A_858 : i32 to vector<16xi32>
    %add3A_860 = arith.addi %add3A_859, %and3A_857 : vector<16xi32>
    %lt3A_861 = arith.constant 0.000000e+00 : f32
    %lt3A_862 = vector.broadcast %lt3A_861 : f32 to vector<16xf32>
    %lt3A_863 = arith.cmpf olt, %sub3A_837, %lt3A_862 : vector<16xf32>
    %eq3A_864 = arith.constant 0.000000e+00 : f32
    %eq3A_865 = vector.broadcast %eq3A_864 : f32 to vector<16xf32>
    %eq3A_866 = arith.cmpf oeq, %sub3A_837, %eq3A_865 : vector<16xf32>
    %add3A_867 = arith.constant 2048 : i32
    %add3A_868 = vector.broadcast %add3A_867 : i32 to vector<16xi32>
    %add3A_869 = arith.addi %convert_element_type3A_832, %add3A_868 : vector<16xi32>
    %select_n3A_870 = arith.select %eq3A_866, %add3A_869, %add3A_860 : vector<16xi1>, vector<16xi32>
    %select_n3A_871 = arith.select %lt3A_863, %convert_element_type3A_832, %select_n3A_870 : vector<16xi1>, vector<16xi32>
    %gt3A_872 = arith.constant 0.000000e+00 : f32
    %gt3A_873 = vector.broadcast %gt3A_872 : f32 to vector<16xf32>
    %gt3A_874 = arith.cmpf ogt, %add3A_843, %gt3A_873 : vector<16xf32>
    %and3A_875 = arith.andi %lt3A_846, %gt3A_874 : vector<16xi1>
    %eq3A_876 = arith.constant 0.000000e+00 : f32
    %eq3A_877 = vector.broadcast %eq3A_876 : f32 to vector<16xf32>
    %eq3A_878 = arith.cmpf oeq, %add3A_843, %eq3A_877 : vector<16xf32>
    %and3A_879 = arith.andi %lt3A_846, %eq3A_878 : vector<16xi1>
    %add3A_880 = arith.constant 2048 : i32
    %add3A_881 = vector.broadcast %add3A_880 : i32 to vector<16xi32>
    %add3A_882 = arith.addi %add3A_849, %add3A_881 : vector<16xi32>
    %select_n3A_883 = arith.select %and3A_879, %add3A_882, %add3A_860 : vector<16xi1>, vector<16xi32>
    %select_n3A_884 = arith.select %and3A_875, %add3A_849, %select_n3A_883 : vector<16xi1>, vector<16xi32>
    %swap3A_885 = arith.constant 1 : i32
    %swap3A_886 = arith.index_cast %swap3A_885 : i32 to index
    %swap3A_887 = arith.constant 48 : index
    %swap3A_888 = tpu.vector_load %arg6[%swap3A_886, %swap3A_887] {strides = array<i32>} : memref<4x128xi32, #tpu.memory_space<vmem>>, vector<1x16xi32>,
    %swap3A_889 = vector.shape_cast %swap3A_888 : vector<1x16xi32> to vector<16xi32>
    %swap3A_890 = vector.shape_cast %select_n3A_871 : vector<16xi32> to vector<1x16xi32>
    tpu.vector_store %arg6[%swap3A_886, %swap3A_887], %swap3A_890 {strides = array<i32>} : memref<4x128xi32, #tpu.memory_space<vmem>>, vector<1x16xi32>,
    %swap3A_891 = arith.constant 1 : i32
    %swap3A_892 = arith.index_cast %swap3A_891 : i32 to index
    %swap3A_893 = arith.constant 48 : index
    %swap3A_894 = tpu.vector_load %arg7[%swap3A_892, %swap3A_893] {strides = array<i32>} : memref<4x128xi32, #tpu.memory_space<vmem>>, vector<1x16xi32>,
    %swap3A_895 = vector.shape_cast %swap3A_894 : vector<1x16xi32> to vector<16xi32>
    %swap3A_896 = vector.shape_cast %select_n3A_884 : vector<16xi32> to vector<1x16xi32>
    tpu.vector_store %arg7[%swap3A_892, %swap3A_893], %swap3A_896 {strides = array<i32>} : memref<4x128xi32, #tpu.memory_space<vmem>>, vector<1x16xi32>,
    %get3A_897 = arith.constant 192 : index
    %get3A_898 = tpu.vector_load %arg5[%get3A_897] {strides = array<i32>} : memref<512xf32, #tpu.memory_space<vmem>>, vector<16xf32>,
    %get3A_899 = vector.shape_cast %get3A_898 : vector<16xf32> to vector<16xf32>
    %mul3A_900 = arith.constant 1.000000e+03 : f32
    %mul3A_901 = vector.broadcast %mul3A_900 : f32 to vector<16xf32>
    %mul3A_902 = arith.mulf %get3A_899, %mul3A_901 : vector<16xf32>
    %convert_element_type3A_903 = arith.fptosi %mul3A_902 : vector<16xf32> to vector<16xi32>
    %convert_element_type3A_904 = arith.sitofp %convert_element_type3A_903 : vector<16xi32> to vector<16xf32>
    %sub3A_905 = arith.subf %mul3A_902, %convert_element_type3A_904 : vector<16xf32>
    %sub3A_906 = arith.constant 5.000000e-01 : f32
    %sub3A_907 = vector.broadcast %sub3A_906 : f32 to vector<16xf32>
    %sub3A_908 = arith.subf %sub3A_905, %sub3A_907 : vector<16xf32>
    %sub3A_909 = arith.constant 1.000000e+00 : f32
    %sub3A_910 = vector.broadcast %sub3A_909 : f32 to vector<16xf32>
    %sub3A_911 = arith.subf %sub3A_905, %sub3A_910 : vector<16xf32>
    %add3A_912 = arith.constant 5.000000e-01 : f32
    %add3A_913 = vector.broadcast %add3A_912 : f32 to vector<16xf32>
    %add3A_914 = arith.addf %sub3A_911, %add3A_913 : vector<16xf32>
    %lt3A_915 = arith.constant 999 : i32
    %lt3A_916 = vector.broadcast %lt3A_915 : i32 to vector<16xi32>
    %lt3A_917 = arith.cmpi slt, %convert_element_type3A_903, %lt3A_916 : vector<16xi32>
    %add3A_918 = arith.constant 1 : i32
    %add3A_919 = vector.broadcast %add3A_918 : i32 to vector<16xi32>
    %add3A_920 = arith.addi %convert_element_type3A_903, %add3A_919 : vector<16xi32>
    %add3A_921 = arith.constant 192 : i32
    %add3A_922 = arith.addi %mul3A_2, %add3A_921 : i32
    %iota3A_923 = tpu.iota {dimensions = array<i32: 0>} : vector<16xi32>
    %add3A_924 = vector.broadcast %add3A_922 : i32 to vector<16xi32>
    %add3A_925 = arith.addi %add3A_924, %iota3A_923 : vector<16xi32>
    %and3A_926 = arith.constant 1023 : i32
    %and3A_927 = vector.broadcast %and3A_926 : i32 to vector<16xi32>
    %and3A_928 = arith.andi %add3A_925, %and3A_927 : vector<16xi32>
    %add3A_929 = arith.constant 1000 : i32
    %add3A_930 = vector.broadcast %add3A_929 : i32 to vector<16xi32>
    %add3A_931 = arith.addi %add3A_930, %and3A_928 : vector<16xi32>
    %lt3A_932 = arith.constant 0.000000e+00 : f32
    %lt3A_933 = vector.broadcast %lt3A_932 : f32 to vector<16xf32>
    %lt3A_934 = arith.cmpf olt, %sub3A_908, %lt3A_933 : vector<16xf32>
    %eq3A_935 = arith.constant 0.000000e+00 : f32
    %eq3A_936 = vector.broadcast %eq3A_935 : f32 to vector<16xf32>
    %eq3A_937 = arith.cmpf oeq, %sub3A_908, %eq3A_936 : vector<16xf32>
    %add3A_938 = arith.constant 2048 : i32
    %add3A_939 = vector.broadcast %add3A_938 : i32 to vector<16xi32>
    %add3A_940 = arith.addi %convert_element_type3A_903, %add3A_939 : vector<16xi32>
    %select_n3A_941 = arith.select %eq3A_937, %add3A_940, %add3A_931 : vector<16xi1>, vector<16xi32>
    %select_n3A_942 = arith.select %lt3A_934, %convert_element_type3A_903, %select_n3A_941 : vector<16xi1>, vector<16xi32>
    %gt3A_943 = arith.constant 0.000000e+00 : f32
    %gt3A_944 = vector.broadcast %gt3A_943 : f32 to vector<16xf32>
    %gt3A_945 = arith.cmpf ogt, %add3A_914, %gt3A_944 : vector<16xf32>
    %and3A_946 = arith.andi %lt3A_917, %gt3A_945 : vector<16xi1>
    %eq3A_947 = arith.constant 0.000000e+00 : f32
    %eq3A_948 = vector.broadcast %eq3A_947 : f32 to vector<16xf32>
    %eq3A_949 = arith.cmpf oeq, %add3A_914, %eq3A_948 : vector<16xf32>
    %and3A_950 = arith.andi %lt3A_917, %eq3A_949 : vector<16xi1>
    %add3A_951 = arith.constant 2048 : i32
    %add3A_952 = vector.broadcast %add3A_951 : i32 to vector<16xi32>
    %add3A_953 = arith.addi %add3A_920, %add3A_952 : vector<16xi32>
    %select_n3A_954 = arith.select %and3A_950, %add3A_953, %add3A_931 : vector<16xi1>, vector<16xi32>
    %select_n3A_955 = arith.select %and3A_946, %add3A_920, %select_n3A_954 : vector<16xi1>, vector<16xi32>
    %swap3A_956 = arith.constant 1 : i32
    %swap3A_957 = arith.index_cast %swap3A_956 : i32 to index
    %swap3A_958 = arith.constant 64 : index
    %swap3A_959 = tpu.vector_load %arg6[%swap3A_957, %swap3A_958] {strides = array<i32>} : memref<4x128xi32, #tpu.memory_space<vmem>>, vector<1x16xi32>,
    %swap3A_960 = vector.shape_cast %swap3A_959 : vector<1x16xi32> to vector<16xi32>
    %swap3A_961 = vector.shape_cast %select_n3A_942 : vector<16xi32> to vector<1x16xi32>
    tpu.vector_store %arg6[%swap3A_957, %swap3A_958], %swap3A_961 {strides = array<i32>} : memref<4x128xi32, #tpu.memory_space<vmem>>, vector<1x16xi32>,
    %swap3A_962 = arith.constant 1 : i32
    %swap3A_963 = arith.index_cast %swap3A_962 : i32 to index
    %swap3A_964 = arith.constant 64 : index
    %swap3A_965 = tpu.vector_load %arg7[%swap3A_963, %swap3A_964] {strides = array<i32>} : memref<4x128xi32, #tpu.memory_space<vmem>>, vector<1x16xi32>,
    %swap3A_966 = vector.shape_cast %swap3A_965 : vector<1x16xi32> to vector<16xi32>
    %swap3A_967 = vector.shape_cast %select_n3A_955 : vector<16xi32> to vector<1x16xi32>
    tpu.vector_store %arg7[%swap3A_963, %swap3A_964], %swap3A_967 {strides = array<i32>} : memref<4x128xi32, #tpu.memory_space<vmem>>, vector<1x16xi32>,
    %get3A_968 = arith.constant 208 : index
    %get3A_969 = tpu.vector_load %arg5[%get3A_968] {strides = array<i32>} : memref<512xf32, #tpu.memory_space<vmem>>, vector<16xf32>,
    %get3A_970 = vector.shape_cast %get3A_969 : vector<16xf32> to vector<16xf32>
    %mul3A_971 = arith.constant 1.000000e+03 : f32
    %mul3A_972 = vector.broadcast %mul3A_971 : f32 to vector<16xf32>
    %mul3A_973 = arith.mulf %get3A_970, %mul3A_972 : vector<16xf32>
    %convert_element_type3A_974 = arith.fptosi %mul3A_973 : vector<16xf32> to vector<16xi32>
    %convert_element_type3A_975 = arith.sitofp %convert_element_type3A_974 : vector<16xi32> to vector<16xf32>
    %sub3A_976 = arith.subf %mul3A_973, %convert_element_type3A_975 : vector<16xf32>
    %sub3A_977 = arith.constant 5.000000e-01 : f32
    %sub3A_978 = vector.broadcast %sub3A_977 : f32 to vector<16xf32>
    %sub3A_979 = arith.subf %sub3A_976, %sub3A_978 : vector<16xf32>
    %sub3A_980 = arith.constant 1.000000e+00 : f32
    %sub3A_981 = vector.broadcast %sub3A_980 : f32 to vector<16xf32>
    %sub3A_982 = arith.subf %sub3A_976, %sub3A_981 : vector<16xf32>
    %add3A_983 = arith.constant 5.000000e-01 : f32
    %add3A_984 = vector.broadcast %add3A_983 : f32 to vector<16xf32>
    %add3A_985 = arith.addf %sub3A_982, %add3A_984 : vector<16xf32>
    %lt3A_986 = arith.constant 999 : i32
    %lt3A_987 = vector.broadcast %lt3A_986 : i32 to vector<16xi32>
    %lt3A_988 = arith.cmpi slt, %convert_element_type3A_974, %lt3A_987 : vector<16xi32>
    %add3A_989 = arith.constant 1 : i32
    %add3A_990 = vector.broadcast %add3A_989 : i32 to vector<16xi32>
    %add3A_991 = arith.addi %convert_element_type3A_974, %add3A_990 : vector<16xi32>
    %add3A_992 = arith.constant 208 : i32
    %add3A_993 = arith.addi %mul3A_2, %add3A_992 : i32
    %iota3A_994 = tpu.iota {dimensions = array<i32: 0>} : vector<16xi32>
    %add3A_995 = vector.broadcast %add3A_993 : i32 to vector<16xi32>
    %add3A_996 = arith.addi %add3A_995, %iota3A_994 : vector<16xi32>
    %and3A_997 = arith.constant 1023 : i32
    %and3A_998 = vector.broadcast %and3A_997 : i32 to vector<16xi32>
    %and3A_999 = arith.andi %add3A_996, %and3A_998 : vector<16xi32>
    %add3A_1000 = arith.constant 1000 : i32
    %add3A_1001 = vector.broadcast %add3A_1000 : i32 to vector<16xi32>
    %add3A_1002 = arith.addi %add3A_1001, %and3A_999 : vector<16xi32>
    %lt3A_1003 = arith.constant 0.000000e+00 : f32
    %lt3A_1004 = vector.broadcast %lt3A_1003 : f32 to vector<16xf32>
    %lt3A_1005 = arith.cmpf olt, %sub3A_979, %lt3A_1004 : vector<16xf32>
    %eq3A_1006 = arith.constant 0.000000e+00 : f32
    %eq3A_1007 = vector.broadcast %eq3A_1006 : f32 to vector<16xf32>
    %eq3A_1008 = arith.cmpf oeq, %sub3A_979, %eq3A_1007 : vector<16xf32>
    %add3A_1009 = arith.constant 2048 : i32
    %add3A_1010 = vector.broadcast %add3A_1009 : i32 to vector<16xi32>
    %add3A_1011 = arith.addi %convert_element_type3A_974, %add3A_1010 : vector<16xi32>
    %select_n3A_1012 = arith.select %eq3A_1008, %add3A_1011, %add3A_1002 : vector<16xi1>, vector<16xi32>
    %select_n3A_1013 = arith.select %lt3A_1005, %convert_element_type3A_974, %select_n3A_1012 : vector<16xi1>, vector<16xi32>
    %gt3A_1014 = arith.constant 0.000000e+00 : f32
    %gt3A_1015 = vector.broadcast %gt3A_1014 : f32 to vector<16xf32>
    %gt3A_1016 = arith.cmpf ogt, %add3A_985, %gt3A_1015 : vector<16xf32>
    %and3A_1017 = arith.andi %lt3A_988, %gt3A_1016 : vector<16xi1>
    %eq3A_1018 = arith.constant 0.000000e+00 : f32
    %eq3A_1019 = vector.broadcast %eq3A_1018 : f32 to vector<16xf32>
    %eq3A_1020 = arith.cmpf oeq, %add3A_985, %eq3A_1019 : vector<16xf32>
    %and3A_1021 = arith.andi %lt3A_988, %eq3A_1020 : vector<16xi1>
    %add3A_1022 = arith.constant 2048 : i32
    %add3A_1023 = vector.broadcast %add3A_1022 : i32 to vector<16xi32>
    %add3A_1024 = arith.addi %add3A_991, %add3A_1023 : vector<16xi32>
    %select_n3A_1025 = arith.select %and3A_1021, %add3A_1024, %add3A_1002 : vector<16xi1>, vector<16xi32>
    %select_n3A_1026 = arith.select %and3A_1017, %add3A_991, %select_n3A_1025 : vector<16xi1>, vector<16xi32>
    %swap3A_1027 = arith.constant 1 : i32
    %swap3A_1028 = arith.index_cast %swap3A_1027 : i32 to index
    %swap3A_1029 = arith.constant 80 : index
    %swap3A_1030 = tpu.vector_load %arg6[%swap3A_1028, %swap3A_1029] {strides = array<i32>} : memref<4x128xi32, #tpu.memory_space<vmem>>, vector<1x16xi32>,
    %swap3A_1031 = vector.shape_cast %swap3A_1030 : vector<1x16xi32> to vector<16xi32>
    %swap3A_1032 = vector.shape_cast %select_n3A_1013 : vector<16xi32> to vector<1x16xi32>
    tpu.vector_store %arg6[%swap3A_1028, %swap3A_1029], %swap3A_1032 {strides = array<i32>} : memref<4x128xi32, #tpu.memory_space<vmem>>, vector<1x16xi32>,
    %swap3A_1033 = arith.constant 1 : i32
    %swap3A_1034 = arith.index_cast %swap3A_1033 : i32 to index
    %swap3A_1035 = arith.constant 80 : index
    %swap3A_1036 = tpu.vector_load %arg7[%swap3A_1034, %swap3A_1035] {strides = array<i32>} : memref<4x128xi32, #tpu.memory_space<vmem>>, vector<1x16xi32>,
    %swap3A_1037 = vector.shape_cast %swap3A_1036 : vector<1x16xi32> to vector<16xi32>
    %swap3A_1038 = vector.shape_cast %select_n3A_1026 : vector<16xi32> to vector<1x16xi32>
    tpu.vector_store %arg7[%swap3A_1034, %swap3A_1035], %swap3A_1038 {strides = array<i32>} : memref<4x128xi32, #tpu.memory_space<vmem>>, vector<1x16xi32>,
    %get3A_1039 = arith.constant 224 : index
    %get3A_1040 = tpu.vector_load %arg5[%get3A_1039] {strides = array<i32>} : memref<512xf32, #tpu.memory_space<vmem>>, vector<16xf32>,
    %get3A_1041 = vector.shape_cast %get3A_1040 : vector<16xf32> to vector<16xf32>
    %mul3A_1042 = arith.constant 1.000000e+03 : f32
    %mul3A_1043 = vector.broadcast %mul3A_1042 : f32 to vector<16xf32>
    %mul3A_1044 = arith.mulf %get3A_1041, %mul3A_1043 : vector<16xf32>
    %convert_element_type3A_1045 = arith.fptosi %mul3A_1044 : vector<16xf32> to vector<16xi32>
    %convert_element_type3A_1046 = arith.sitofp %convert_element_type3A_1045 : vector<16xi32> to vector<16xf32>
    %sub3A_1047 = arith.subf %mul3A_1044, %convert_element_type3A_1046 : vector<16xf32>
    %sub3A_1048 = arith.constant 5.000000e-01 : f32
    %sub3A_1049 = vector.broadcast %sub3A_1048 : f32 to vector<16xf32>
    %sub3A_1050 = arith.subf %sub3A_1047, %sub3A_1049 : vector<16xf32>
    %sub3A_1051 = arith.constant 1.000000e+00 : f32
    %sub3A_1052 = vector.broadcast %sub3A_1051 : f32 to vector<16xf32>
    %sub3A_1053 = arith.subf %sub3A_1047, %sub3A_1052 : vector<16xf32>
    %add3A_1054 = arith.constant 5.000000e-01 : f32
    %add3A_1055 = vector.broadcast %add3A_1054 : f32 to vector<16xf32>
    %add3A_1056 = arith.addf %sub3A_1053, %add3A_1055 : vector<16xf32>
    %lt3A_1057 = arith.constant 999 : i32
    %lt3A_1058 = vector.broadcast %lt3A_1057 : i32 to vector<16xi32>
    %lt3A_1059 = arith.cmpi slt, %convert_element_type3A_1045, %lt3A_1058 : vector<16xi32>
    %add3A_1060 = arith.constant 1 : i32
    %add3A_1061 = vector.broadcast %add3A_1060 : i32 to vector<16xi32>
    %add3A_1062 = arith.addi %convert_element_type3A_1045, %add3A_1061 : vector<16xi32>
    %add3A_1063 = arith.constant 224 : i32
    %add3A_1064 = arith.addi %mul3A_2, %add3A_1063 : i32
    %iota3A_1065 = tpu.iota {dimensions = array<i32: 0>} : vector<16xi32>
    %add3A_1066 = vector.broadcast %add3A_1064 : i32 to vector<16xi32>
    %add3A_1067 = arith.addi %add3A_1066, %iota3A_1065 : vector<16xi32>
    %and3A_1068 = arith.constant 1023 : i32
    %and3A_1069 = vector.broadcast %and3A_1068 : i32 to vector<16xi32>
    %and3A_1070 = arith.andi %add3A_1067, %and3A_1069 : vector<16xi32>
    %add3A_1071 = arith.constant 1000 : i32
    %add3A_1072 = vector.broadcast %add3A_1071 : i32 to vector<16xi32>
    %add3A_1073 = arith.addi %add3A_1072, %and3A_1070 : vector<16xi32>
    %lt3A_1074 = arith.constant 0.000000e+00 : f32
    %lt3A_1075 = vector.broadcast %lt3A_1074 : f32 to vector<16xf32>
    %lt3A_1076 = arith.cmpf olt, %sub3A_1050, %lt3A_1075 : vector<16xf32>
    %eq3A_1077 = arith.constant 0.000000e+00 : f32
    %eq3A_1078 = vector.broadcast %eq3A_1077 : f32 to vector<16xf32>
    %eq3A_1079 = arith.cmpf oeq, %sub3A_1050, %eq3A_1078 : vector<16xf32>
    %add3A_1080 = arith.constant 2048 : i32
    %add3A_1081 = vector.broadcast %add3A_1080 : i32 to vector<16xi32>
    %add3A_1082 = arith.addi %convert_element_type3A_1045, %add3A_1081 : vector<16xi32>
    %select_n3A_1083 = arith.select %eq3A_1079, %add3A_1082, %add3A_1073 : vector<16xi1>, vector<16xi32>
    %select_n3A_1084 = arith.select %lt3A_1076, %convert_element_type3A_1045, %select_n3A_1083 : vector<16xi1>, vector<16xi32>
    %gt3A_1085 = arith.constant 0.000000e+00 : f32
    %gt3A_1086 = vector.broadcast %gt3A_1085 : f32 to vector<16xf32>
    %gt3A_1087 = arith.cmpf ogt, %add3A_1056, %gt3A_1086 : vector<16xf32>
    %and3A_1088 = arith.andi %lt3A_1059, %gt3A_1087 : vector<16xi1>
    %eq3A_1089 = arith.constant 0.000000e+00 : f32
    %eq3A_1090 = vector.broadcast %eq3A_1089 : f32 to vector<16xf32>
    %eq3A_1091 = arith.cmpf oeq, %add3A_1056, %eq3A_1090 : vector<16xf32>
    %and3A_1092 = arith.andi %lt3A_1059, %eq3A_1091 : vector<16xi1>
    %add3A_1093 = arith.constant 2048 : i32
    %add3A_1094 = vector.broadcast %add3A_1093 : i32 to vector<16xi32>
    %add3A_1095 = arith.addi %add3A_1062, %add3A_1094 : vector<16xi32>
    %select_n3A_1096 = arith.select %and3A_1092, %add3A_1095, %add3A_1073 : vector<16xi1>, vector<16xi32>
    %select_n3A_1097 = arith.select %and3A_1088, %add3A_1062, %select_n3A_1096 : vector<16xi1>, vector<16xi32>
    %swap3A_1098 = arith.constant 1 : i32
    %swap3A_1099 = arith.index_cast %swap3A_1098 : i32 to index
    %swap3A_1100 = arith.constant 96 : index
    %swap3A_1101 = tpu.vector_load %arg6[%swap3A_1099, %swap3A_1100] {strides = array<i32>} : memref<4x128xi32, #tpu.memory_space<vmem>>, vector<1x16xi32>,
    %swap3A_1102 = vector.shape_cast %swap3A_1101 : vector<1x16xi32> to vector<16xi32>
    %swap3A_1103 = vector.shape_cast %select_n3A_1084 : vector<16xi32> to vector<1x16xi32>
    tpu.vector_store %arg6[%swap3A_1099, %swap3A_1100], %swap3A_1103 {strides = array<i32>} : memref<4x128xi32, #tpu.memory_space<vmem>>, vector<1x16xi32>,
    %swap3A_1104 = arith.constant 1 : i32
    %swap3A_1105 = arith.index_cast %swap3A_1104 : i32 to index
    %swap3A_1106 = arith.constant 96 : index
    %swap3A_1107 = tpu.vector_load %arg7[%swap3A_1105, %swap3A_1106] {strides = array<i32>} : memref<4x128xi32, #tpu.memory_space<vmem>>, vector<1x16xi32>,
    %swap3A_1108 = vector.shape_cast %swap3A_1107 : vector<1x16xi32> to vector<16xi32>
    %swap3A_1109 = vector.shape_cast %select_n3A_1097 : vector<16xi32> to vector<1x16xi32>
    tpu.vector_store %arg7[%swap3A_1105, %swap3A_1106], %swap3A_1109 {strides = array<i32>} : memref<4x128xi32, #tpu.memory_space<vmem>>, vector<1x16xi32>,
    %get3A_1110 = arith.constant 240 : index
    %get3A_1111 = tpu.vector_load %arg5[%get3A_1110] {strides = array<i32>} : memref<512xf32, #tpu.memory_space<vmem>>, vector<16xf32>,
    %get3A_1112 = vector.shape_cast %get3A_1111 : vector<16xf32> to vector<16xf32>
    %mul3A_1113 = arith.constant 1.000000e+03 : f32
    %mul3A_1114 = vector.broadcast %mul3A_1113 : f32 to vector<16xf32>
    %mul3A_1115 = arith.mulf %get3A_1112, %mul3A_1114 : vector<16xf32>
    %convert_element_type3A_1116 = arith.fptosi %mul3A_1115 : vector<16xf32> to vector<16xi32>
    %convert_element_type3A_1117 = arith.sitofp %convert_element_type3A_1116 : vector<16xi32> to vector<16xf32>
    %sub3A_1118 = arith.subf %mul3A_1115, %convert_element_type3A_1117 : vector<16xf32>
    %sub3A_1119 = arith.constant 5.000000e-01 : f32
    %sub3A_1120 = vector.broadcast %sub3A_1119 : f32 to vector<16xf32>
    %sub3A_1121 = arith.subf %sub3A_1118, %sub3A_1120 : vector<16xf32>
    %sub3A_1122 = arith.constant 1.000000e+00 : f32
    %sub3A_1123 = vector.broadcast %sub3A_1122 : f32 to vector<16xf32>
    %sub3A_1124 = arith.subf %sub3A_1118, %sub3A_1123 : vector<16xf32>
    %add3A_1125 = arith.constant 5.000000e-01 : f32
    %add3A_1126 = vector.broadcast %add3A_1125 : f32 to vector<16xf32>
    %add3A_1127 = arith.addf %sub3A_1124, %add3A_1126 : vector<16xf32>
    %lt3A_1128 = arith.constant 999 : i32
    %lt3A_1129 = vector.broadcast %lt3A_1128 : i32 to vector<16xi32>
    %lt3A_1130 = arith.cmpi slt, %convert_element_type3A_1116, %lt3A_1129 : vector<16xi32>
    %add3A_1131 = arith.constant 1 : i32
    %add3A_1132 = vector.broadcast %add3A_1131 : i32 to vector<16xi32>
    %add3A_1133 = arith.addi %convert_element_type3A_1116, %add3A_1132 : vector<16xi32>
    %add3A_1134 = arith.constant 240 : i32
    %add3A_1135 = arith.addi %mul3A_2, %add3A_1134 : i32
    %iota3A_1136 = tpu.iota {dimensions = array<i32: 0>} : vector<16xi32>
    %add3A_1137 = vector.broadcast %add3A_1135 : i32 to vector<16xi32>
    %add3A_1138 = arith.addi %add3A_1137, %iota3A_1136 : vector<16xi32>
    %and3A_1139 = arith.constant 1023 : i32
    %and3A_1140 = vector.broadcast %and3A_1139 : i32 to vector<16xi32>
    %and3A_1141 = arith.andi %add3A_1138, %and3A_1140 : vector<16xi32>
    %add3A_1142 = arith.constant 1000 : i32
    %add3A_1143 = vector.broadcast %add3A_1142 : i32 to vector<16xi32>
    %add3A_1144 = arith.addi %add3A_1143, %and3A_1141 : vector<16xi32>
    %lt3A_1145 = arith.constant 0.000000e+00 : f32
    %lt3A_1146 = vector.broadcast %lt3A_1145 : f32 to vector<16xf32>
    %lt3A_1147 = arith.cmpf olt, %sub3A_1121, %lt3A_1146 : vector<16xf32>
    %eq3A_1148 = arith.constant 0.000000e+00 : f32
    %eq3A_1149 = vector.broadcast %eq3A_1148 : f32 to vector<16xf32>
    %eq3A_1150 = arith.cmpf oeq, %sub3A_1121, %eq3A_1149 : vector<16xf32>
    %add3A_1151 = arith.constant 2048 : i32
    %add3A_1152 = vector.broadcast %add3A_1151 : i32 to vector<16xi32>
    %add3A_1153 = arith.addi %convert_element_type3A_1116, %add3A_1152 : vector<16xi32>
    %select_n3A_1154 = arith.select %eq3A_1150, %add3A_1153, %add3A_1144 : vector<16xi1>, vector<16xi32>
    %select_n3A_1155 = arith.select %lt3A_1147, %convert_element_type3A_1116, %select_n3A_1154 : vector<16xi1>, vector<16xi32>
    %gt3A_1156 = arith.constant 0.000000e+00 : f32
    %gt3A_1157 = vector.broadcast %gt3A_1156 : f32 to vector<16xf32>
    %gt3A_1158 = arith.cmpf ogt, %add3A_1127, %gt3A_1157 : vector<16xf32>
    %and3A_1159 = arith.andi %lt3A_1130, %gt3A_1158 : vector<16xi1>
    %eq3A_1160 = arith.constant 0.000000e+00 : f32
    %eq3A_1161 = vector.broadcast %eq3A_1160 : f32 to vector<16xf32>
    %eq3A_1162 = arith.cmpf oeq, %add3A_1127, %eq3A_1161 : vector<16xf32>
    %and3A_1163 = arith.andi %lt3A_1130, %eq3A_1162 : vector<16xi1>
    %add3A_1164 = arith.constant 2048 : i32
    %add3A_1165 = vector.broadcast %add3A_1164 : i32 to vector<16xi32>
    %add3A_1166 = arith.addi %add3A_1133, %add3A_1165 : vector<16xi32>
    %select_n3A_1167 = arith.select %and3A_1163, %add3A_1166, %add3A_1144 : vector<16xi1>, vector<16xi32>
    %select_n3A_1168 = arith.select %and3A_1159, %add3A_1133, %select_n3A_1167 : vector<16xi1>, vector<16xi32>
    %swap3A_1169 = arith.constant 1 : i32
    %swap3A_1170 = arith.index_cast %swap3A_1169 : i32 to index
    %swap3A_1171 = arith.constant 112 : index
    %swap3A_1172 = tpu.vector_load %arg6[%swap3A_1170, %swap3A_1171] {strides = array<i32>} : memref<4x128xi32, #tpu.memory_space<vmem>>, vector<1x16xi32>,
    %swap3A_1173 = vector.shape_cast %swap3A_1172 : vector<1x16xi32> to vector<16xi32>
    %swap3A_1174 = vector.shape_cast %select_n3A_1155 : vector<16xi32> to vector<1x16xi32>
    tpu.vector_store %arg6[%swap3A_1170, %swap3A_1171], %swap3A_1174 {strides = array<i32>} : memref<4x128xi32, #tpu.memory_space<vmem>>, vector<1x16xi32>,
    %swap3A_1175 = arith.constant 1 : i32
    %swap3A_1176 = arith.index_cast %swap3A_1175 : i32 to index
    %swap3A_1177 = arith.constant 112 : index
    %swap3A_1178 = tpu.vector_load %arg7[%swap3A_1176, %swap3A_1177] {strides = array<i32>} : memref<4x128xi32, #tpu.memory_space<vmem>>, vector<1x16xi32>,
    %swap3A_1179 = vector.shape_cast %swap3A_1178 : vector<1x16xi32> to vector<16xi32>
    %swap3A_1180 = vector.shape_cast %select_n3A_1168 : vector<16xi32> to vector<1x16xi32>
    tpu.vector_store %arg7[%swap3A_1176, %swap3A_1177], %swap3A_1180 {strides = array<i32>} : memref<4x128xi32, #tpu.memory_space<vmem>>, vector<1x16xi32>,
    %dma_start3A_1181 = arith.constant 1 : i32
    %dma_start3A_1182 = arith.constant 128 : i32
    %dma_start3A_1183 = arith.constant 0 : i32
    %dma_start3A_1184 = tpu.memref_slice %arg8[%dma_start3A_1182, %dma_start3A_1183] : memref<512x16xf32, #tpu.memory_space<vmem>> -> memref<128x16xf32, #tpu.memory_space<vmem>>
    %dma_start3A_1185 = arith.constant 0 : i32
    %dma_start3A_1186 = tpu.memref_slice %arg6[%dma_start3A_1181, %dma_start3A_1185] : memref<4x128xi32, #tpu.memory_space<vmem>> -> memref<1x128xi32, #tpu.memory_space<vmem>>
    %dma_start3A_1187 = tpu.memref_squeeze %dma_start3A_1186 : memref<1x128xi32, #tpu.memory_space<vmem>> -> memref<128xi32, #tpu.memory_space<vmem>>
    %dma_start3A_1188 = arith.constant 0 : i32
    %dma_start3A_1189 = arith.constant 0 : i32
    %dma_start3A_1190 = tpu.memref_slice %arg3[%dma_start3A_1188, %dma_start3A_1189] : memref<4096x16xf32, #tpu.memory_space<hbm>> -> memref<4096x16xf32, #tpu.memory_space<hbm>>
    tpu.enqueue_indirect_dma source(%dma_start3A_1190 : memref<4096x16xf32, #tpu.memory_space<hbm>>) target(%dma_start3A_1184 : memref<128x16xf32, #tpu.memory_space<vmem>>) offsets(%dma_start3A_1187 : memref<128xi32, #tpu.memory_space<vmem>>) semaphore(%arg14 : memref<!tpu.dma_semaphore, #tpu.memory_space<semaphore_mem>>)
    %dma_wait3A_1191 = arith.constant 256 : i32
    %dma_wait3A_1192 = tpu.memref_slice %arg5[%dma_wait3A_1191] : memref<512xf32, #tpu.memory_space<vmem>> -> memref<128xf32, #tpu.memory_space<vmem>>
    %dma_wait3A_1193 = tpu.memref_slice %arg2[%add3A_19] : memref<16384xf32, #tpu.memory_space<hbm>> -> memref<128xf32, #tpu.memory_space<hbm>>
    %dma_wait3A_1194 = arith.constant 256 : i32
    %dma_wait3A_1195 = tpu.memref_slice %arg5[%dma_wait3A_1194] : memref<512xf32, #tpu.memory_space<vmem>> -> memref<128xf32, #tpu.memory_space<vmem>>
    %dma_wait3A_1196 = tpu.memref_slice %arg2[%add3A_19] : memref<16384xf32, #tpu.memory_space<hbm>> -> memref<128xf32, #tpu.memory_space<hbm>>
    tpu.wait_dma2 semaphore(%arg11 : memref<!tpu.dma_semaphore, #tpu.memory_space<semaphore_mem>>) src(%dma_wait3A_1196 : memref<128xf32, #tpu.memory_space<hbm>>) dst(%dma_wait3A_1195 : memref<128xf32, #tpu.memory_space<vmem>>)
    %get3A_1197 = arith.constant 256 : index
    %get3A_1198 = tpu.vector_load %arg5[%get3A_1197] {strides = array<i32>} : memref<512xf32, #tpu.memory_space<vmem>>, vector<16xf32>,
    %get3A_1199 = vector.shape_cast %get3A_1198 : vector<16xf32> to vector<16xf32>
    %mul3A_1200 = arith.constant 1.000000e+03 : f32
    %mul3A_1201 = vector.broadcast %mul3A_1200 : f32 to vector<16xf32>
    %mul3A_1202 = arith.mulf %get3A_1199, %mul3A_1201 : vector<16xf32>
    %convert_element_type3A_1203 = arith.fptosi %mul3A_1202 : vector<16xf32> to vector<16xi32>
    %convert_element_type3A_1204 = arith.sitofp %convert_element_type3A_1203 : vector<16xi32> to vector<16xf32>
    %sub3A_1205 = arith.subf %mul3A_1202, %convert_element_type3A_1204 : vector<16xf32>
    %sub3A_1206 = arith.constant 5.000000e-01 : f32
    %sub3A_1207 = vector.broadcast %sub3A_1206 : f32 to vector<16xf32>
    %sub3A_1208 = arith.subf %sub3A_1205, %sub3A_1207 : vector<16xf32>
    %sub3A_1209 = arith.constant 1.000000e+00 : f32
    %sub3A_1210 = vector.broadcast %sub3A_1209 : f32 to vector<16xf32>
    %sub3A_1211 = arith.subf %sub3A_1205, %sub3A_1210 : vector<16xf32>
    %add3A_1212 = arith.constant 5.000000e-01 : f32
    %add3A_1213 = vector.broadcast %add3A_1212 : f32 to vector<16xf32>
    %add3A_1214 = arith.addf %sub3A_1211, %add3A_1213 : vector<16xf32>
    %lt3A_1215 = arith.constant 999 : i32
    %lt3A_1216 = vector.broadcast %lt3A_1215 : i32 to vector<16xi32>
    %lt3A_1217 = arith.cmpi slt, %convert_element_type3A_1203, %lt3A_1216 : vector<16xi32>
    %add3A_1218 = arith.constant 1 : i32
    %add3A_1219 = vector.broadcast %add3A_1218 : i32 to vector<16xi32>
    %add3A_1220 = arith.addi %convert_element_type3A_1203, %add3A_1219 : vector<16xi32>
    %add3A_1221 = arith.constant 256 : i32
    %add3A_1222 = arith.addi %mul3A_2, %add3A_1221 : i32
    %iota3A_1223 = tpu.iota {dimensions = array<i32: 0>} : vector<16xi32>
    %add3A_1224 = vector.broadcast %add3A_1222 : i32 to vector<16xi32>
    %add3A_1225 = arith.addi %add3A_1224, %iota3A_1223 : vector<16xi32>
    %and3A_1226 = arith.constant 1023 : i32
    %and3A_1227 = vector.broadcast %and3A_1226 : i32 to vector<16xi32>
    %and3A_1228 = arith.andi %add3A_1225, %and3A_1227 : vector<16xi32>
    %add3A_1229 = arith.constant 1000 : i32
    %add3A_1230 = vector.broadcast %add3A_1229 : i32 to vector<16xi32>
    %add3A_1231 = arith.addi %add3A_1230, %and3A_1228 : vector<16xi32>
    %lt3A_1232 = arith.constant 0.000000e+00 : f32
    %lt3A_1233 = vector.broadcast %lt3A_1232 : f32 to vector<16xf32>
    %lt3A_1234 = arith.cmpf olt, %sub3A_1208, %lt3A_1233 : vector<16xf32>
    %eq3A_1235 = arith.constant 0.000000e+00 : f32
    %eq3A_1236 = vector.broadcast %eq3A_1235 : f32 to vector<16xf32>
    %eq3A_1237 = arith.cmpf oeq, %sub3A_1208, %eq3A_1236 : vector<16xf32>
    %add3A_1238 = arith.constant 2048 : i32
    %add3A_1239 = vector.broadcast %add3A_1238 : i32 to vector<16xi32>
    %add3A_1240 = arith.addi %convert_element_type3A_1203, %add3A_1239 : vector<16xi32>
    %select_n3A_1241 = arith.select %eq3A_1237, %add3A_1240, %add3A_1231 : vector<16xi1>, vector<16xi32>
    %select_n3A_1242 = arith.select %lt3A_1234, %convert_element_type3A_1203, %select_n3A_1241 : vector<16xi1>, vector<16xi32>
    %gt3A_1243 = arith.constant 0.000000e+00 : f32
    %gt3A_1244 = vector.broadcast %gt3A_1243 : f32 to vector<16xf32>
    %gt3A_1245 = arith.cmpf ogt, %add3A_1214, %gt3A_1244 : vector<16xf32>
    %and3A_1246 = arith.andi %lt3A_1217, %gt3A_1245 : vector<16xi1>
    %eq3A_1247 = arith.constant 0.000000e+00 : f32
    %eq3A_1248 = vector.broadcast %eq3A_1247 : f32 to vector<16xf32>
    %eq3A_1249 = arith.cmpf oeq, %add3A_1214, %eq3A_1248 : vector<16xf32>
    %and3A_1250 = arith.andi %lt3A_1217, %eq3A_1249 : vector<16xi1>
    %add3A_1251 = arith.constant 2048 : i32
    %add3A_1252 = vector.broadcast %add3A_1251 : i32 to vector<16xi32>
    %add3A_1253 = arith.addi %add3A_1220, %add3A_1252 : vector<16xi32>
    %select_n3A_1254 = arith.select %and3A_1250, %add3A_1253, %add3A_1231 : vector<16xi1>, vector<16xi32>
    %select_n3A_1255 = arith.select %and3A_1246, %add3A_1220, %select_n3A_1254 : vector<16xi1>, vector<16xi32>
    %swap3A_1256 = arith.constant 2 : i32
    %swap3A_1257 = arith.index_cast %swap3A_1256 : i32 to index
    %swap3A_1258 = arith.constant 0 : index
    %swap3A_1259 = tpu.vector_load %arg6[%swap3A_1257, %swap3A_1258] {strides = array<i32>} : memref<4x128xi32, #tpu.memory_space<vmem>>, vector<1x16xi32>,
    %swap3A_1260 = vector.shape_cast %swap3A_1259 : vector<1x16xi32> to vector<16xi32>
    %swap3A_1261 = vector.shape_cast %select_n3A_1242 : vector<16xi32> to vector<1x16xi32>
    tpu.vector_store %arg6[%swap3A_1257, %swap3A_1258], %swap3A_1261 {strides = array<i32>} : memref<4x128xi32, #tpu.memory_space<vmem>>, vector<1x16xi32>,
    %swap3A_1262 = arith.constant 2 : i32
    %swap3A_1263 = arith.index_cast %swap3A_1262 : i32 to index
    %swap3A_1264 = arith.constant 0 : index
    %swap3A_1265 = tpu.vector_load %arg7[%swap3A_1263, %swap3A_1264] {strides = array<i32>} : memref<4x128xi32, #tpu.memory_space<vmem>>, vector<1x16xi32>,
    %swap3A_1266 = vector.shape_cast %swap3A_1265 : vector<1x16xi32> to vector<16xi32>
    %swap3A_1267 = vector.shape_cast %select_n3A_1255 : vector<16xi32> to vector<1x16xi32>
    tpu.vector_store %arg7[%swap3A_1263, %swap3A_1264], %swap3A_1267 {strides = array<i32>} : memref<4x128xi32, #tpu.memory_space<vmem>>, vector<1x16xi32>,
    %get3A_1268 = arith.constant 272 : index
    %get3A_1269 = tpu.vector_load %arg5[%get3A_1268] {strides = array<i32>} : memref<512xf32, #tpu.memory_space<vmem>>, vector<16xf32>,
    %get3A_1270 = vector.shape_cast %get3A_1269 : vector<16xf32> to vector<16xf32>
    %mul3A_1271 = arith.constant 1.000000e+03 : f32
    %mul3A_1272 = vector.broadcast %mul3A_1271 : f32 to vector<16xf32>
    %mul3A_1273 = arith.mulf %get3A_1270, %mul3A_1272 : vector<16xf32>
    %convert_element_type3A_1274 = arith.fptosi %mul3A_1273 : vector<16xf32> to vector<16xi32>
    %convert_element_type3A_1275 = arith.sitofp %convert_element_type3A_1274 : vector<16xi32> to vector<16xf32>
    %sub3A_1276 = arith.subf %mul3A_1273, %convert_element_type3A_1275 : vector<16xf32>
    %sub3A_1277 = arith.constant 5.000000e-01 : f32
    %sub3A_1278 = vector.broadcast %sub3A_1277 : f32 to vector<16xf32>
    %sub3A_1279 = arith.subf %sub3A_1276, %sub3A_1278 : vector<16xf32>
    %sub3A_1280 = arith.constant 1.000000e+00 : f32
    %sub3A_1281 = vector.broadcast %sub3A_1280 : f32 to vector<16xf32>
    %sub3A_1282 = arith.subf %sub3A_1276, %sub3A_1281 : vector<16xf32>
    %add3A_1283 = arith.constant 5.000000e-01 : f32
    %add3A_1284 = vector.broadcast %add3A_1283 : f32 to vector<16xf32>
    %add3A_1285 = arith.addf %sub3A_1282, %add3A_1284 : vector<16xf32>
    %lt3A_1286 = arith.constant 999 : i32
    %lt3A_1287 = vector.broadcast %lt3A_1286 : i32 to vector<16xi32>
    %lt3A_1288 = arith.cmpi slt, %convert_element_type3A_1274, %lt3A_1287 : vector<16xi32>
    %add3A_1289 = arith.constant 1 : i32
    %add3A_1290 = vector.broadcast %add3A_1289 : i32 to vector<16xi32>
    %add3A_1291 = arith.addi %convert_element_type3A_1274, %add3A_1290 : vector<16xi32>
    %add3A_1292 = arith.constant 272 : i32
    %add3A_1293 = arith.addi %mul3A_2, %add3A_1292 : i32
    %iota3A_1294 = tpu.iota {dimensions = array<i32: 0>} : vector<16xi32>
    %add3A_1295 = vector.broadcast %add3A_1293 : i32 to vector<16xi32>
    %add3A_1296 = arith.addi %add3A_1295, %iota3A_1294 : vector<16xi32>
    %and3A_1297 = arith.constant 1023 : i32
    %and3A_1298 = vector.broadcast %and3A_1297 : i32 to vector<16xi32>
    %and3A_1299 = arith.andi %add3A_1296, %and3A_1298 : vector<16xi32>
    %add3A_1300 = arith.constant 1000 : i32
    %add3A_1301 = vector.broadcast %add3A_1300 : i32 to vector<16xi32>
    %add3A_1302 = arith.addi %add3A_1301, %and3A_1299 : vector<16xi32>
    %lt3A_1303 = arith.constant 0.000000e+00 : f32
    %lt3A_1304 = vector.broadcast %lt3A_1303 : f32 to vector<16xf32>
    %lt3A_1305 = arith.cmpf olt, %sub3A_1279, %lt3A_1304 : vector<16xf32>
    %eq3A_1306 = arith.constant 0.000000e+00 : f32
    %eq3A_1307 = vector.broadcast %eq3A_1306 : f32 to vector<16xf32>
    %eq3A_1308 = arith.cmpf oeq, %sub3A_1279, %eq3A_1307 : vector<16xf32>
    %add3A_1309 = arith.constant 2048 : i32
    %add3A_1310 = vector.broadcast %add3A_1309 : i32 to vector<16xi32>
    %add3A_1311 = arith.addi %convert_element_type3A_1274, %add3A_1310 : vector<16xi32>
    %select_n3A_1312 = arith.select %eq3A_1308, %add3A_1311, %add3A_1302 : vector<16xi1>, vector<16xi32>
    %select_n3A_1313 = arith.select %lt3A_1305, %convert_element_type3A_1274, %select_n3A_1312 : vector<16xi1>, vector<16xi32>
    %gt3A_1314 = arith.constant 0.000000e+00 : f32
    %gt3A_1315 = vector.broadcast %gt3A_1314 : f32 to vector<16xf32>
    %gt3A_1316 = arith.cmpf ogt, %add3A_1285, %gt3A_1315 : vector<16xf32>
    %and3A_1317 = arith.andi %lt3A_1288, %gt3A_1316 : vector<16xi1>
    %eq3A_1318 = arith.constant 0.000000e+00 : f32
    %eq3A_1319 = vector.broadcast %eq3A_1318 : f32 to vector<16xf32>
    %eq3A_1320 = arith.cmpf oeq, %add3A_1285, %eq3A_1319 : vector<16xf32>
    %and3A_1321 = arith.andi %lt3A_1288, %eq3A_1320 : vector<16xi1>
    %add3A_1322 = arith.constant 2048 : i32
    %add3A_1323 = vector.broadcast %add3A_1322 : i32 to vector<16xi32>
    %add3A_1324 = arith.addi %add3A_1291, %add3A_1323 : vector<16xi32>
    %select_n3A_1325 = arith.select %and3A_1321, %add3A_1324, %add3A_1302 : vector<16xi1>, vector<16xi32>
    %select_n3A_1326 = arith.select %and3A_1317, %add3A_1291, %select_n3A_1325 : vector<16xi1>, vector<16xi32>
    %swap3A_1327 = arith.constant 2 : i32
    %swap3A_1328 = arith.index_cast %swap3A_1327 : i32 to index
    %swap3A_1329 = arith.constant 16 : index
    %swap3A_1330 = tpu.vector_load %arg6[%swap3A_1328, %swap3A_1329] {strides = array<i32>} : memref<4x128xi32, #tpu.memory_space<vmem>>, vector<1x16xi32>,
    %swap3A_1331 = vector.shape_cast %swap3A_1330 : vector<1x16xi32> to vector<16xi32>
    %swap3A_1332 = vector.shape_cast %select_n3A_1313 : vector<16xi32> to vector<1x16xi32>
    tpu.vector_store %arg6[%swap3A_1328, %swap3A_1329], %swap3A_1332 {strides = array<i32>} : memref<4x128xi32, #tpu.memory_space<vmem>>, vector<1x16xi32>,
    %swap3A_1333 = arith.constant 2 : i32
    %swap3A_1334 = arith.index_cast %swap3A_1333 : i32 to index
    %swap3A_1335 = arith.constant 16 : index
    %swap3A_1336 = tpu.vector_load %arg7[%swap3A_1334, %swap3A_1335] {strides = array<i32>} : memref<4x128xi32, #tpu.memory_space<vmem>>, vector<1x16xi32>,
    %swap3A_1337 = vector.shape_cast %swap3A_1336 : vector<1x16xi32> to vector<16xi32>
    %swap3A_1338 = vector.shape_cast %select_n3A_1326 : vector<16xi32> to vector<1x16xi32>
    tpu.vector_store %arg7[%swap3A_1334, %swap3A_1335], %swap3A_1338 {strides = array<i32>} : memref<4x128xi32, #tpu.memory_space<vmem>>, vector<1x16xi32>,
    %get3A_1339 = arith.constant 288 : index
    %get3A_1340 = tpu.vector_load %arg5[%get3A_1339] {strides = array<i32>} : memref<512xf32, #tpu.memory_space<vmem>>, vector<16xf32>,
    %get3A_1341 = vector.shape_cast %get3A_1340 : vector<16xf32> to vector<16xf32>
    %mul3A_1342 = arith.constant 1.000000e+03 : f32
    %mul3A_1343 = vector.broadcast %mul3A_1342 : f32 to vector<16xf32>
    %mul3A_1344 = arith.mulf %get3A_1341, %mul3A_1343 : vector<16xf32>
    %convert_element_type3A_1345 = arith.fptosi %mul3A_1344 : vector<16xf32> to vector<16xi32>
    %convert_element_type3A_1346 = arith.sitofp %convert_element_type3A_1345 : vector<16xi32> to vector<16xf32>
    %sub3A_1347 = arith.subf %mul3A_1344, %convert_element_type3A_1346 : vector<16xf32>
    %sub3A_1348 = arith.constant 5.000000e-01 : f32
    %sub3A_1349 = vector.broadcast %sub3A_1348 : f32 to vector<16xf32>
    %sub3A_1350 = arith.subf %sub3A_1347, %sub3A_1349 : vector<16xf32>
    %sub3A_1351 = arith.constant 1.000000e+00 : f32
    %sub3A_1352 = vector.broadcast %sub3A_1351 : f32 to vector<16xf32>
    %sub3A_1353 = arith.subf %sub3A_1347, %sub3A_1352 : vector<16xf32>
    %add3A_1354 = arith.constant 5.000000e-01 : f32
    %add3A_1355 = vector.broadcast %add3A_1354 : f32 to vector<16xf32>
    %add3A_1356 = arith.addf %sub3A_1353, %add3A_1355 : vector<16xf32>
    %lt3A_1357 = arith.constant 999 : i32
    %lt3A_1358 = vector.broadcast %lt3A_1357 : i32 to vector<16xi32>
    %lt3A_1359 = arith.cmpi slt, %convert_element_type3A_1345, %lt3A_1358 : vector<16xi32>
    %add3A_1360 = arith.constant 1 : i32
    %add3A_1361 = vector.broadcast %add3A_1360 : i32 to vector<16xi32>
    %add3A_1362 = arith.addi %convert_element_type3A_1345, %add3A_1361 : vector<16xi32>
    %add3A_1363 = arith.constant 288 : i32
    %add3A_1364 = arith.addi %mul3A_2, %add3A_1363 : i32
    %iota3A_1365 = tpu.iota {dimensions = array<i32: 0>} : vector<16xi32>
    %add3A_1366 = vector.broadcast %add3A_1364 : i32 to vector<16xi32>
    %add3A_1367 = arith.addi %add3A_1366, %iota3A_1365 : vector<16xi32>
    %and3A_1368 = arith.constant 1023 : i32
    %and3A_1369 = vector.broadcast %and3A_1368 : i32 to vector<16xi32>
    %and3A_1370 = arith.andi %add3A_1367, %and3A_1369 : vector<16xi32>
    %add3A_1371 = arith.constant 1000 : i32
    %add3A_1372 = vector.broadcast %add3A_1371 : i32 to vector<16xi32>
    %add3A_1373 = arith.addi %add3A_1372, %and3A_1370 : vector<16xi32>
    %lt3A_1374 = arith.constant 0.000000e+00 : f32
    %lt3A_1375 = vector.broadcast %lt3A_1374 : f32 to vector<16xf32>
    %lt3A_1376 = arith.cmpf olt, %sub3A_1350, %lt3A_1375 : vector<16xf32>
    %eq3A_1377 = arith.constant 0.000000e+00 : f32
    %eq3A_1378 = vector.broadcast %eq3A_1377 : f32 to vector<16xf32>
    %eq3A_1379 = arith.cmpf oeq, %sub3A_1350, %eq3A_1378 : vector<16xf32>
    %add3A_1380 = arith.constant 2048 : i32
    %add3A_1381 = vector.broadcast %add3A_1380 : i32 to vector<16xi32>
    %add3A_1382 = arith.addi %convert_element_type3A_1345, %add3A_1381 : vector<16xi32>
    %select_n3A_1383 = arith.select %eq3A_1379, %add3A_1382, %add3A_1373 : vector<16xi1>, vector<16xi32>
    %select_n3A_1384 = arith.select %lt3A_1376, %convert_element_type3A_1345, %select_n3A_1383 : vector<16xi1>, vector<16xi32>
    %gt3A_1385 = arith.constant 0.000000e+00 : f32
    %gt3A_1386 = vector.broadcast %gt3A_1385 : f32 to vector<16xf32>
    %gt3A_1387 = arith.cmpf ogt, %add3A_1356, %gt3A_1386 : vector<16xf32>
    %and3A_1388 = arith.andi %lt3A_1359, %gt3A_1387 : vector<16xi1>
    %eq3A_1389 = arith.constant 0.000000e+00 : f32
    %eq3A_1390 = vector.broadcast %eq3A_1389 : f32 to vector<16xf32>
    %eq3A_1391 = arith.cmpf oeq, %add3A_1356, %eq3A_1390 : vector<16xf32>
    %and3A_1392 = arith.andi %lt3A_1359, %eq3A_1391 : vector<16xi1>
    %add3A_1393 = arith.constant 2048 : i32
    %add3A_1394 = vector.broadcast %add3A_1393 : i32 to vector<16xi32>
    %add3A_1395 = arith.addi %add3A_1362, %add3A_1394 : vector<16xi32>
    %select_n3A_1396 = arith.select %and3A_1392, %add3A_1395, %add3A_1373 : vector<16xi1>, vector<16xi32>
    %select_n3A_1397 = arith.select %and3A_1388, %add3A_1362, %select_n3A_1396 : vector<16xi1>, vector<16xi32>
    %swap3A_1398 = arith.constant 2 : i32
    %swap3A_1399 = arith.index_cast %swap3A_1398 : i32 to index
    %swap3A_1400 = arith.constant 32 : index
    %swap3A_1401 = tpu.vector_load %arg6[%swap3A_1399, %swap3A_1400] {strides = array<i32>} : memref<4x128xi32, #tpu.memory_space<vmem>>, vector<1x16xi32>,
    %swap3A_1402 = vector.shape_cast %swap3A_1401 : vector<1x16xi32> to vector<16xi32>
    %swap3A_1403 = vector.shape_cast %select_n3A_1384 : vector<16xi32> to vector<1x16xi32>
    tpu.vector_store %arg6[%swap3A_1399, %swap3A_1400], %swap3A_1403 {strides = array<i32>} : memref<4x128xi32, #tpu.memory_space<vmem>>, vector<1x16xi32>,
    %swap3A_1404 = arith.constant 2 : i32
    %swap3A_1405 = arith.index_cast %swap3A_1404 : i32 to index
    %swap3A_1406 = arith.constant 32 : index
    %swap3A_1407 = tpu.vector_load %arg7[%swap3A_1405, %swap3A_1406] {strides = array<i32>} : memref<4x128xi32, #tpu.memory_space<vmem>>, vector<1x16xi32>,
    %swap3A_1408 = vector.shape_cast %swap3A_1407 : vector<1x16xi32> to vector<16xi32>
    %swap3A_1409 = vector.shape_cast %select_n3A_1397 : vector<16xi32> to vector<1x16xi32>
    tpu.vector_store %arg7[%swap3A_1405, %swap3A_1406], %swap3A_1409 {strides = array<i32>} : memref<4x128xi32, #tpu.memory_space<vmem>>, vector<1x16xi32>,
    %get3A_1410 = arith.constant 304 : index
    %get3A_1411 = tpu.vector_load %arg5[%get3A_1410] {strides = array<i32>} : memref<512xf32, #tpu.memory_space<vmem>>, vector<16xf32>,
    %get3A_1412 = vector.shape_cast %get3A_1411 : vector<16xf32> to vector<16xf32>
    %mul3A_1413 = arith.constant 1.000000e+03 : f32
    %mul3A_1414 = vector.broadcast %mul3A_1413 : f32 to vector<16xf32>
    %mul3A_1415 = arith.mulf %get3A_1412, %mul3A_1414 : vector<16xf32>
    %convert_element_type3A_1416 = arith.fptosi %mul3A_1415 : vector<16xf32> to vector<16xi32>
    %convert_element_type3A_1417 = arith.sitofp %convert_element_type3A_1416 : vector<16xi32> to vector<16xf32>
    %sub3A_1418 = arith.subf %mul3A_1415, %convert_element_type3A_1417 : vector<16xf32>
    %sub3A_1419 = arith.constant 5.000000e-01 : f32
    %sub3A_1420 = vector.broadcast %sub3A_1419 : f32 to vector<16xf32>
    %sub3A_1421 = arith.subf %sub3A_1418, %sub3A_1420 : vector<16xf32>
    %sub3A_1422 = arith.constant 1.000000e+00 : f32
    %sub3A_1423 = vector.broadcast %sub3A_1422 : f32 to vector<16xf32>
    %sub3A_1424 = arith.subf %sub3A_1418, %sub3A_1423 : vector<16xf32>
    %add3A_1425 = arith.constant 5.000000e-01 : f32
    %add3A_1426 = vector.broadcast %add3A_1425 : f32 to vector<16xf32>
    %add3A_1427 = arith.addf %sub3A_1424, %add3A_1426 : vector<16xf32>
    %lt3A_1428 = arith.constant 999 : i32
    %lt3A_1429 = vector.broadcast %lt3A_1428 : i32 to vector<16xi32>
    %lt3A_1430 = arith.cmpi slt, %convert_element_type3A_1416, %lt3A_1429 : vector<16xi32>
    %add3A_1431 = arith.constant 1 : i32
    %add3A_1432 = vector.broadcast %add3A_1431 : i32 to vector<16xi32>
    %add3A_1433 = arith.addi %convert_element_type3A_1416, %add3A_1432 : vector<16xi32>
    %add3A_1434 = arith.constant 304 : i32
    %add3A_1435 = arith.addi %mul3A_2, %add3A_1434 : i32
    %iota3A_1436 = tpu.iota {dimensions = array<i32: 0>} : vector<16xi32>
    %add3A_1437 = vector.broadcast %add3A_1435 : i32 to vector<16xi32>
    %add3A_1438 = arith.addi %add3A_1437, %iota3A_1436 : vector<16xi32>
    %and3A_1439 = arith.constant 1023 : i32
    %and3A_1440 = vector.broadcast %and3A_1439 : i32 to vector<16xi32>
    %and3A_1441 = arith.andi %add3A_1438, %and3A_1440 : vector<16xi32>
    %add3A_1442 = arith.constant 1000 : i32
    %add3A_1443 = vector.broadcast %add3A_1442 : i32 to vector<16xi32>
    %add3A_1444 = arith.addi %add3A_1443, %and3A_1441 : vector<16xi32>
    %lt3A_1445 = arith.constant 0.000000e+00 : f32
    %lt3A_1446 = vector.broadcast %lt3A_1445 : f32 to vector<16xf32>
    %lt3A_1447 = arith.cmpf olt, %sub3A_1421, %lt3A_1446 : vector<16xf32>
    %eq3A_1448 = arith.constant 0.000000e+00 : f32
    %eq3A_1449 = vector.broadcast %eq3A_1448 : f32 to vector<16xf32>
    %eq3A_1450 = arith.cmpf oeq, %sub3A_1421, %eq3A_1449 : vector<16xf32>
    %add3A_1451 = arith.constant 2048 : i32
    %add3A_1452 = vector.broadcast %add3A_1451 : i32 to vector<16xi32>
    %add3A_1453 = arith.addi %convert_element_type3A_1416, %add3A_1452 : vector<16xi32>
    %select_n3A_1454 = arith.select %eq3A_1450, %add3A_1453, %add3A_1444 : vector<16xi1>, vector<16xi32>
    %select_n3A_1455 = arith.select %lt3A_1447, %convert_element_type3A_1416, %select_n3A_1454 : vector<16xi1>, vector<16xi32>
    %gt3A_1456 = arith.constant 0.000000e+00 : f32
    %gt3A_1457 = vector.broadcast %gt3A_1456 : f32 to vector<16xf32>
    %gt3A_1458 = arith.cmpf ogt, %add3A_1427, %gt3A_1457 : vector<16xf32>
    %and3A_1459 = arith.andi %lt3A_1430, %gt3A_1458 : vector<16xi1>
    %eq3A_1460 = arith.constant 0.000000e+00 : f32
    %eq3A_1461 = vector.broadcast %eq3A_1460 : f32 to vector<16xf32>
    %eq3A_1462 = arith.cmpf oeq, %add3A_1427, %eq3A_1461 : vector<16xf32>
    %and3A_1463 = arith.andi %lt3A_1430, %eq3A_1462 : vector<16xi1>
    %add3A_1464 = arith.constant 2048 : i32
    %add3A_1465 = vector.broadcast %add3A_1464 : i32 to vector<16xi32>
    %add3A_1466 = arith.addi %add3A_1433, %add3A_1465 : vector<16xi32>
    %select_n3A_1467 = arith.select %and3A_1463, %add3A_1466, %add3A_1444 : vector<16xi1>, vector<16xi32>
    %select_n3A_1468 = arith.select %and3A_1459, %add3A_1433, %select_n3A_1467 : vector<16xi1>, vector<16xi32>
    %swap3A_1469 = arith.constant 2 : i32
    %swap3A_1470 = arith.index_cast %swap3A_1469 : i32 to index
    %swap3A_1471 = arith.constant 48 : index
    %swap3A_1472 = tpu.vector_load %arg6[%swap3A_1470, %swap3A_1471] {strides = array<i32>} : memref<4x128xi32, #tpu.memory_space<vmem>>, vector<1x16xi32>,
    %swap3A_1473 = vector.shape_cast %swap3A_1472 : vector<1x16xi32> to vector<16xi32>
    %swap3A_1474 = vector.shape_cast %select_n3A_1455 : vector<16xi32> to vector<1x16xi32>
    tpu.vector_store %arg6[%swap3A_1470, %swap3A_1471], %swap3A_1474 {strides = array<i32>} : memref<4x128xi32, #tpu.memory_space<vmem>>, vector<1x16xi32>,
    %swap3A_1475 = arith.constant 2 : i32
    %swap3A_1476 = arith.index_cast %swap3A_1475 : i32 to index
    %swap3A_1477 = arith.constant 48 : index
    %swap3A_1478 = tpu.vector_load %arg7[%swap3A_1476, %swap3A_1477] {strides = array<i32>} : memref<4x128xi32, #tpu.memory_space<vmem>>, vector<1x16xi32>,
    %swap3A_1479 = vector.shape_cast %swap3A_1478 : vector<1x16xi32> to vector<16xi32>
    %swap3A_1480 = vector.shape_cast %select_n3A_1468 : vector<16xi32> to vector<1x16xi32>
    tpu.vector_store %arg7[%swap3A_1476, %swap3A_1477], %swap3A_1480 {strides = array<i32>} : memref<4x128xi32, #tpu.memory_space<vmem>>, vector<1x16xi32>,
    %get3A_1481 = arith.constant 320 : index
    %get3A_1482 = tpu.vector_load %arg5[%get3A_1481] {strides = array<i32>} : memref<512xf32, #tpu.memory_space<vmem>>, vector<16xf32>,
    %get3A_1483 = vector.shape_cast %get3A_1482 : vector<16xf32> to vector<16xf32>
    %mul3A_1484 = arith.constant 1.000000e+03 : f32
    %mul3A_1485 = vector.broadcast %mul3A_1484 : f32 to vector<16xf32>
    %mul3A_1486 = arith.mulf %get3A_1483, %mul3A_1485 : vector<16xf32>
    %convert_element_type3A_1487 = arith.fptosi %mul3A_1486 : vector<16xf32> to vector<16xi32>
    %convert_element_type3A_1488 = arith.sitofp %convert_element_type3A_1487 : vector<16xi32> to vector<16xf32>
    %sub3A_1489 = arith.subf %mul3A_1486, %convert_element_type3A_1488 : vector<16xf32>
    %sub3A_1490 = arith.constant 5.000000e-01 : f32
    %sub3A_1491 = vector.broadcast %sub3A_1490 : f32 to vector<16xf32>
    %sub3A_1492 = arith.subf %sub3A_1489, %sub3A_1491 : vector<16xf32>
    %sub3A_1493 = arith.constant 1.000000e+00 : f32
    %sub3A_1494 = vector.broadcast %sub3A_1493 : f32 to vector<16xf32>
    %sub3A_1495 = arith.subf %sub3A_1489, %sub3A_1494 : vector<16xf32>
    %add3A_1496 = arith.constant 5.000000e-01 : f32
    %add3A_1497 = vector.broadcast %add3A_1496 : f32 to vector<16xf32>
    %add3A_1498 = arith.addf %sub3A_1495, %add3A_1497 : vector<16xf32>
    %lt3A_1499 = arith.constant 999 : i32
    %lt3A_1500 = vector.broadcast %lt3A_1499 : i32 to vector<16xi32>
    %lt3A_1501 = arith.cmpi slt, %convert_element_type3A_1487, %lt3A_1500 : vector<16xi32>
    %add3A_1502 = arith.constant 1 : i32
    %add3A_1503 = vector.broadcast %add3A_1502 : i32 to vector<16xi32>
    %add3A_1504 = arith.addi %convert_element_type3A_1487, %add3A_1503 : vector<16xi32>
    %add3A_1505 = arith.constant 320 : i32
    %add3A_1506 = arith.addi %mul3A_2, %add3A_1505 : i32
    %iota3A_1507 = tpu.iota {dimensions = array<i32: 0>} : vector<16xi32>
    %add3A_1508 = vector.broadcast %add3A_1506 : i32 to vector<16xi32>
    %add3A_1509 = arith.addi %add3A_1508, %iota3A_1507 : vector<16xi32>
    %and3A_1510 = arith.constant 1023 : i32
    %and3A_1511 = vector.broadcast %and3A_1510 : i32 to vector<16xi32>
    %and3A_1512 = arith.andi %add3A_1509, %and3A_1511 : vector<16xi32>
    %add3A_1513 = arith.constant 1000 : i32
    %add3A_1514 = vector.broadcast %add3A_1513 : i32 to vector<16xi32>
    %add3A_1515 = arith.addi %add3A_1514, %and3A_1512 : vector<16xi32>
    %lt3A_1516 = arith.constant 0.000000e+00 : f32
    %lt3A_1517 = vector.broadcast %lt3A_1516 : f32 to vector<16xf32>
    %lt3A_1518 = arith.cmpf olt, %sub3A_1492, %lt3A_1517 : vector<16xf32>
    %eq3A_1519 = arith.constant 0.000000e+00 : f32
    %eq3A_1520 = vector.broadcast %eq3A_1519 : f32 to vector<16xf32>
    %eq3A_1521 = arith.cmpf oeq, %sub3A_1492, %eq3A_1520 : vector<16xf32>
    %add3A_1522 = arith.constant 2048 : i32
    %add3A_1523 = vector.broadcast %add3A_1522 : i32 to vector<16xi32>
    %add3A_1524 = arith.addi %convert_element_type3A_1487, %add3A_1523 : vector<16xi32>
    %select_n3A_1525 = arith.select %eq3A_1521, %add3A_1524, %add3A_1515 : vector<16xi1>, vector<16xi32>
    %select_n3A_1526 = arith.select %lt3A_1518, %convert_element_type3A_1487, %select_n3A_1525 : vector<16xi1>, vector<16xi32>
    %gt3A_1527 = arith.constant 0.000000e+00 : f32
    %gt3A_1528 = vector.broadcast %gt3A_1527 : f32 to vector<16xf32>
    %gt3A_1529 = arith.cmpf ogt, %add3A_1498, %gt3A_1528 : vector<16xf32>
    %and3A_1530 = arith.andi %lt3A_1501, %gt3A_1529 : vector<16xi1>
    %eq3A_1531 = arith.constant 0.000000e+00 : f32
    %eq3A_1532 = vector.broadcast %eq3A_1531 : f32 to vector<16xf32>
    %eq3A_1533 = arith.cmpf oeq, %add3A_1498, %eq3A_1532 : vector<16xf32>
    %and3A_1534 = arith.andi %lt3A_1501, %eq3A_1533 : vector<16xi1>
    %add3A_1535 = arith.constant 2048 : i32
    %add3A_1536 = vector.broadcast %add3A_1535 : i32 to vector<16xi32>
    %add3A_1537 = arith.addi %add3A_1504, %add3A_1536 : vector<16xi32>
    %select_n3A_1538 = arith.select %and3A_1534, %add3A_1537, %add3A_1515 : vector<16xi1>, vector<16xi32>
    %select_n3A_1539 = arith.select %and3A_1530, %add3A_1504, %select_n3A_1538 : vector<16xi1>, vector<16xi32>
    %swap3A_1540 = arith.constant 2 : i32
    %swap3A_1541 = arith.index_cast %swap3A_1540 : i32 to index
    %swap3A_1542 = arith.constant 64 : index
    %swap3A_1543 = tpu.vector_load %arg6[%swap3A_1541, %swap3A_1542] {strides = array<i32>} : memref<4x128xi32, #tpu.memory_space<vmem>>, vector<1x16xi32>,
    %swap3A_1544 = vector.shape_cast %swap3A_1543 : vector<1x16xi32> to vector<16xi32>
    %swap3A_1545 = vector.shape_cast %select_n3A_1526 : vector<16xi32> to vector<1x16xi32>
    tpu.vector_store %arg6[%swap3A_1541, %swap3A_1542], %swap3A_1545 {strides = array<i32>} : memref<4x128xi32, #tpu.memory_space<vmem>>, vector<1x16xi32>,
    %swap3A_1546 = arith.constant 2 : i32
    %swap3A_1547 = arith.index_cast %swap3A_1546 : i32 to index
    %swap3A_1548 = arith.constant 64 : index
    %swap3A_1549 = tpu.vector_load %arg7[%swap3A_1547, %swap3A_1548] {strides = array<i32>} : memref<4x128xi32, #tpu.memory_space<vmem>>, vector<1x16xi32>,
    %swap3A_1550 = vector.shape_cast %swap3A_1549 : vector<1x16xi32> to vector<16xi32>
    %swap3A_1551 = vector.shape_cast %select_n3A_1539 : vector<16xi32> to vector<1x16xi32>
    tpu.vector_store %arg7[%swap3A_1547, %swap3A_1548], %swap3A_1551 {strides = array<i32>} : memref<4x128xi32, #tpu.memory_space<vmem>>, vector<1x16xi32>,
    %get3A_1552 = arith.constant 336 : index
    %get3A_1553 = tpu.vector_load %arg5[%get3A_1552] {strides = array<i32>} : memref<512xf32, #tpu.memory_space<vmem>>, vector<16xf32>,
    %get3A_1554 = vector.shape_cast %get3A_1553 : vector<16xf32> to vector<16xf32>
    %mul3A_1555 = arith.constant 1.000000e+03 : f32
    %mul3A_1556 = vector.broadcast %mul3A_1555 : f32 to vector<16xf32>
    %mul3A_1557 = arith.mulf %get3A_1554, %mul3A_1556 : vector<16xf32>
    %convert_element_type3A_1558 = arith.fptosi %mul3A_1557 : vector<16xf32> to vector<16xi32>
    %convert_element_type3A_1559 = arith.sitofp %convert_element_type3A_1558 : vector<16xi32> to vector<16xf32>
    %sub3A_1560 = arith.subf %mul3A_1557, %convert_element_type3A_1559 : vector<16xf32>
    %sub3A_1561 = arith.constant 5.000000e-01 : f32
    %sub3A_1562 = vector.broadcast %sub3A_1561 : f32 to vector<16xf32>
    %sub3A_1563 = arith.subf %sub3A_1560, %sub3A_1562 : vector<16xf32>
    %sub3A_1564 = arith.constant 1.000000e+00 : f32
    %sub3A_1565 = vector.broadcast %sub3A_1564 : f32 to vector<16xf32>
    %sub3A_1566 = arith.subf %sub3A_1560, %sub3A_1565 : vector<16xf32>
    %add3A_1567 = arith.constant 5.000000e-01 : f32
    %add3A_1568 = vector.broadcast %add3A_1567 : f32 to vector<16xf32>
    %add3A_1569 = arith.addf %sub3A_1566, %add3A_1568 : vector<16xf32>
    %lt3A_1570 = arith.constant 999 : i32
    %lt3A_1571 = vector.broadcast %lt3A_1570 : i32 to vector<16xi32>
    %lt3A_1572 = arith.cmpi slt, %convert_element_type3A_1558, %lt3A_1571 : vector<16xi32>
    %add3A_1573 = arith.constant 1 : i32
    %add3A_1574 = vector.broadcast %add3A_1573 : i32 to vector<16xi32>
    %add3A_1575 = arith.addi %convert_element_type3A_1558, %add3A_1574 : vector<16xi32>
    %add3A_1576 = arith.constant 336 : i32
    %add3A_1577 = arith.addi %mul3A_2, %add3A_1576 : i32
    %iota3A_1578 = tpu.iota {dimensions = array<i32: 0>} : vector<16xi32>
    %add3A_1579 = vector.broadcast %add3A_1577 : i32 to vector<16xi32>
    %add3A_1580 = arith.addi %add3A_1579, %iota3A_1578 : vector<16xi32>
    %and3A_1581 = arith.constant 1023 : i32
    %and3A_1582 = vector.broadcast %and3A_1581 : i32 to vector<16xi32>
    %and3A_1583 = arith.andi %add3A_1580, %and3A_1582 : vector<16xi32>
    %add3A_1584 = arith.constant 1000 : i32
    %add3A_1585 = vector.broadcast %add3A_1584 : i32 to vector<16xi32>
    %add3A_1586 = arith.addi %add3A_1585, %and3A_1583 : vector<16xi32>
    %lt3A_1587 = arith.constant 0.000000e+00 : f32
    %lt3A_1588 = vector.broadcast %lt3A_1587 : f32 to vector<16xf32>
    %lt3A_1589 = arith.cmpf olt, %sub3A_1563, %lt3A_1588 : vector<16xf32>
    %eq3A_1590 = arith.constant 0.000000e+00 : f32
    %eq3A_1591 = vector.broadcast %eq3A_1590 : f32 to vector<16xf32>
    %eq3A_1592 = arith.cmpf oeq, %sub3A_1563, %eq3A_1591 : vector<16xf32>
    %add3A_1593 = arith.constant 2048 : i32
    %add3A_1594 = vector.broadcast %add3A_1593 : i32 to vector<16xi32>
    %add3A_1595 = arith.addi %convert_element_type3A_1558, %add3A_1594 : vector<16xi32>
    %select_n3A_1596 = arith.select %eq3A_1592, %add3A_1595, %add3A_1586 : vector<16xi1>, vector<16xi32>
    %select_n3A_1597 = arith.select %lt3A_1589, %convert_element_type3A_1558, %select_n3A_1596 : vector<16xi1>, vector<16xi32>
    %gt3A_1598 = arith.constant 0.000000e+00 : f32
    %gt3A_1599 = vector.broadcast %gt3A_1598 : f32 to vector<16xf32>
    %gt3A_1600 = arith.cmpf ogt, %add3A_1569, %gt3A_1599 : vector<16xf32>
    %and3A_1601 = arith.andi %lt3A_1572, %gt3A_1600 : vector<16xi1>
    %eq3A_1602 = arith.constant 0.000000e+00 : f32
    %eq3A_1603 = vector.broadcast %eq3A_1602 : f32 to vector<16xf32>
    %eq3A_1604 = arith.cmpf oeq, %add3A_1569, %eq3A_1603 : vector<16xf32>
    %and3A_1605 = arith.andi %lt3A_1572, %eq3A_1604 : vector<16xi1>
    %add3A_1606 = arith.constant 2048 : i32
    %add3A_1607 = vector.broadcast %add3A_1606 : i32 to vector<16xi32>
    %add3A_1608 = arith.addi %add3A_1575, %add3A_1607 : vector<16xi32>
    %select_n3A_1609 = arith.select %and3A_1605, %add3A_1608, %add3A_1586 : vector<16xi1>, vector<16xi32>
    %select_n3A_1610 = arith.select %and3A_1601, %add3A_1575, %select_n3A_1609 : vector<16xi1>, vector<16xi32>
    %swap3A_1611 = arith.constant 2 : i32
    %swap3A_1612 = arith.index_cast %swap3A_1611 : i32 to index
    %swap3A_1613 = arith.constant 80 : index
    %swap3A_1614 = tpu.vector_load %arg6[%swap3A_1612, %swap3A_1613] {strides = array<i32>} : memref<4x128xi32, #tpu.memory_space<vmem>>, vector<1x16xi32>,
    %swap3A_1615 = vector.shape_cast %swap3A_1614 : vector<1x16xi32> to vector<16xi32>
    %swap3A_1616 = vector.shape_cast %select_n3A_1597 : vector<16xi32> to vector<1x16xi32>
    tpu.vector_store %arg6[%swap3A_1612, %swap3A_1613], %swap3A_1616 {strides = array<i32>} : memref<4x128xi32, #tpu.memory_space<vmem>>, vector<1x16xi32>,
    %swap3A_1617 = arith.constant 2 : i32
    %swap3A_1618 = arith.index_cast %swap3A_1617 : i32 to index
    %swap3A_1619 = arith.constant 80 : index
    %swap3A_1620 = tpu.vector_load %arg7[%swap3A_1618, %swap3A_1619] {strides = array<i32>} : memref<4x128xi32, #tpu.memory_space<vmem>>, vector<1x16xi32>,
    %swap3A_1621 = vector.shape_cast %swap3A_1620 : vector<1x16xi32> to vector<16xi32>
    %swap3A_1622 = vector.shape_cast %select_n3A_1610 : vector<16xi32> to vector<1x16xi32>
    tpu.vector_store %arg7[%swap3A_1618, %swap3A_1619], %swap3A_1622 {strides = array<i32>} : memref<4x128xi32, #tpu.memory_space<vmem>>, vector<1x16xi32>,
    %get3A_1623 = arith.constant 352 : index
    %get3A_1624 = tpu.vector_load %arg5[%get3A_1623] {strides = array<i32>} : memref<512xf32, #tpu.memory_space<vmem>>, vector<16xf32>,
    %get3A_1625 = vector.shape_cast %get3A_1624 : vector<16xf32> to vector<16xf32>
    %mul3A_1626 = arith.constant 1.000000e+03 : f32
    %mul3A_1627 = vector.broadcast %mul3A_1626 : f32 to vector<16xf32>
    %mul3A_1628 = arith.mulf %get3A_1625, %mul3A_1627 : vector<16xf32>
    %convert_element_type3A_1629 = arith.fptosi %mul3A_1628 : vector<16xf32> to vector<16xi32>
    %convert_element_type3A_1630 = arith.sitofp %convert_element_type3A_1629 : vector<16xi32> to vector<16xf32>
    %sub3A_1631 = arith.subf %mul3A_1628, %convert_element_type3A_1630 : vector<16xf32>
    %sub3A_1632 = arith.constant 5.000000e-01 : f32
    %sub3A_1633 = vector.broadcast %sub3A_1632 : f32 to vector<16xf32>
    %sub3A_1634 = arith.subf %sub3A_1631, %sub3A_1633 : vector<16xf32>
    %sub3A_1635 = arith.constant 1.000000e+00 : f32
    %sub3A_1636 = vector.broadcast %sub3A_1635 : f32 to vector<16xf32>
    %sub3A_1637 = arith.subf %sub3A_1631, %sub3A_1636 : vector<16xf32>
    %add3A_1638 = arith.constant 5.000000e-01 : f32
    %add3A_1639 = vector.broadcast %add3A_1638 : f32 to vector<16xf32>
    %add3A_1640 = arith.addf %sub3A_1637, %add3A_1639 : vector<16xf32>
    %lt3A_1641 = arith.constant 999 : i32
    %lt3A_1642 = vector.broadcast %lt3A_1641 : i32 to vector<16xi32>
    %lt3A_1643 = arith.cmpi slt, %convert_element_type3A_1629, %lt3A_1642 : vector<16xi32>
    %add3A_1644 = arith.constant 1 : i32
    %add3A_1645 = vector.broadcast %add3A_1644 : i32 to vector<16xi32>
    %add3A_1646 = arith.addi %convert_element_type3A_1629, %add3A_1645 : vector<16xi32>
    %add3A_1647 = arith.constant 352 : i32
    %add3A_1648 = arith.addi %mul3A_2, %add3A_1647 : i32
    %iota3A_1649 = tpu.iota {dimensions = array<i32: 0>} : vector<16xi32>
    %add3A_1650 = vector.broadcast %add3A_1648 : i32 to vector<16xi32>
    %add3A_1651 = arith.addi %add3A_1650, %iota3A_1649 : vector<16xi32>
    %and3A_1652 = arith.constant 1023 : i32
    %and3A_1653 = vector.broadcast %and3A_1652 : i32 to vector<16xi32>
    %and3A_1654 = arith.andi %add3A_1651, %and3A_1653 : vector<16xi32>
    %add3A_1655 = arith.constant 1000 : i32
    %add3A_1656 = vector.broadcast %add3A_1655 : i32 to vector<16xi32>
    %add3A_1657 = arith.addi %add3A_1656, %and3A_1654 : vector<16xi32>
    %lt3A_1658 = arith.constant 0.000000e+00 : f32
    %lt3A_1659 = vector.broadcast %lt3A_1658 : f32 to vector<16xf32>
    %lt3A_1660 = arith.cmpf olt, %sub3A_1634, %lt3A_1659 : vector<16xf32>
    %eq3A_1661 = arith.constant 0.000000e+00 : f32
    %eq3A_1662 = vector.broadcast %eq3A_1661 : f32 to vector<16xf32>
    %eq3A_1663 = arith.cmpf oeq, %sub3A_1634, %eq3A_1662 : vector<16xf32>
    %add3A_1664 = arith.constant 2048 : i32
    %add3A_1665 = vector.broadcast %add3A_1664 : i32 to vector<16xi32>
    %add3A_1666 = arith.addi %convert_element_type3A_1629, %add3A_1665 : vector<16xi32>
    %select_n3A_1667 = arith.select %eq3A_1663, %add3A_1666, %add3A_1657 : vector<16xi1>, vector<16xi32>
    %select_n3A_1668 = arith.select %lt3A_1660, %convert_element_type3A_1629, %select_n3A_1667 : vector<16xi1>, vector<16xi32>
    %gt3A_1669 = arith.constant 0.000000e+00 : f32
    %gt3A_1670 = vector.broadcast %gt3A_1669 : f32 to vector<16xf32>
    %gt3A_1671 = arith.cmpf ogt, %add3A_1640, %gt3A_1670 : vector<16xf32>
    %and3A_1672 = arith.andi %lt3A_1643, %gt3A_1671 : vector<16xi1>
    %eq3A_1673 = arith.constant 0.000000e+00 : f32
    %eq3A_1674 = vector.broadcast %eq3A_1673 : f32 to vector<16xf32>
    %eq3A_1675 = arith.cmpf oeq, %add3A_1640, %eq3A_1674 : vector<16xf32>
    %and3A_1676 = arith.andi %lt3A_1643, %eq3A_1675 : vector<16xi1>
    %add3A_1677 = arith.constant 2048 : i32
    %add3A_1678 = vector.broadcast %add3A_1677 : i32 to vector<16xi32>
    %add3A_1679 = arith.addi %add3A_1646, %add3A_1678 : vector<16xi32>
    %select_n3A_1680 = arith.select %and3A_1676, %add3A_1679, %add3A_1657 : vector<16xi1>, vector<16xi32>
    %select_n3A_1681 = arith.select %and3A_1672, %add3A_1646, %select_n3A_1680 : vector<16xi1>, vector<16xi32>
    %swap3A_1682 = arith.constant 2 : i32
    %swap3A_1683 = arith.index_cast %swap3A_1682 : i32 to index
    %swap3A_1684 = arith.constant 96 : index
    %swap3A_1685 = tpu.vector_load %arg6[%swap3A_1683, %swap3A_1684] {strides = array<i32>} : memref<4x128xi32, #tpu.memory_space<vmem>>, vector<1x16xi32>,
    %swap3A_1686 = vector.shape_cast %swap3A_1685 : vector<1x16xi32> to vector<16xi32>
    %swap3A_1687 = vector.shape_cast %select_n3A_1668 : vector<16xi32> to vector<1x16xi32>
    tpu.vector_store %arg6[%swap3A_1683, %swap3A_1684], %swap3A_1687 {strides = array<i32>} : memref<4x128xi32, #tpu.memory_space<vmem>>, vector<1x16xi32>,
    %swap3A_1688 = arith.constant 2 : i32
    %swap3A_1689 = arith.index_cast %swap3A_1688 : i32 to index
    %swap3A_1690 = arith.constant 96 : index
    %swap3A_1691 = tpu.vector_load %arg7[%swap3A_1689, %swap3A_1690] {strides = array<i32>} : memref<4x128xi32, #tpu.memory_space<vmem>>, vector<1x16xi32>,
    %swap3A_1692 = vector.shape_cast %swap3A_1691 : vector<1x16xi32> to vector<16xi32>
    %swap3A_1693 = vector.shape_cast %select_n3A_1681 : vector<16xi32> to vector<1x16xi32>
    tpu.vector_store %arg7[%swap3A_1689, %swap3A_1690], %swap3A_1693 {strides = array<i32>} : memref<4x128xi32, #tpu.memory_space<vmem>>, vector<1x16xi32>,
    %get3A_1694 = arith.constant 368 : index
    %get3A_1695 = tpu.vector_load %arg5[%get3A_1694] {strides = array<i32>} : memref<512xf32, #tpu.memory_space<vmem>>, vector<16xf32>,
    %get3A_1696 = vector.shape_cast %get3A_1695 : vector<16xf32> to vector<16xf32>
    %mul3A_1697 = arith.constant 1.000000e+03 : f32
    %mul3A_1698 = vector.broadcast %mul3A_1697 : f32 to vector<16xf32>
    %mul3A_1699 = arith.mulf %get3A_1696, %mul3A_1698 : vector<16xf32>
    %convert_element_type3A_1700 = arith.fptosi %mul3A_1699 : vector<16xf32> to vector<16xi32>
    %convert_element_type3A_1701 = arith.sitofp %convert_element_type3A_1700 : vector<16xi32> to vector<16xf32>
    %sub3A_1702 = arith.subf %mul3A_1699, %convert_element_type3A_1701 : vector<16xf32>
    %sub3A_1703 = arith.constant 5.000000e-01 : f32
    %sub3A_1704 = vector.broadcast %sub3A_1703 : f32 to vector<16xf32>
    %sub3A_1705 = arith.subf %sub3A_1702, %sub3A_1704 : vector<16xf32>
    %sub3A_1706 = arith.constant 1.000000e+00 : f32
    %sub3A_1707 = vector.broadcast %sub3A_1706 : f32 to vector<16xf32>
    %sub3A_1708 = arith.subf %sub3A_1702, %sub3A_1707 : vector<16xf32>
    %add3A_1709 = arith.constant 5.000000e-01 : f32
    %add3A_1710 = vector.broadcast %add3A_1709 : f32 to vector<16xf32>
    %add3A_1711 = arith.addf %sub3A_1708, %add3A_1710 : vector<16xf32>
    %lt3A_1712 = arith.constant 999 : i32
    %lt3A_1713 = vector.broadcast %lt3A_1712 : i32 to vector<16xi32>
    %lt3A_1714 = arith.cmpi slt, %convert_element_type3A_1700, %lt3A_1713 : vector<16xi32>
    %add3A_1715 = arith.constant 1 : i32
    %add3A_1716 = vector.broadcast %add3A_1715 : i32 to vector<16xi32>
    %add3A_1717 = arith.addi %convert_element_type3A_1700, %add3A_1716 : vector<16xi32>
    %add3A_1718 = arith.constant 368 : i32
    %add3A_1719 = arith.addi %mul3A_2, %add3A_1718 : i32
    %iota3A_1720 = tpu.iota {dimensions = array<i32: 0>} : vector<16xi32>
    %add3A_1721 = vector.broadcast %add3A_1719 : i32 to vector<16xi32>
    %add3A_1722 = arith.addi %add3A_1721, %iota3A_1720 : vector<16xi32>
    %and3A_1723 = arith.constant 1023 : i32
    %and3A_1724 = vector.broadcast %and3A_1723 : i32 to vector<16xi32>
    %and3A_1725 = arith.andi %add3A_1722, %and3A_1724 : vector<16xi32>
    %add3A_1726 = arith.constant 1000 : i32
    %add3A_1727 = vector.broadcast %add3A_1726 : i32 to vector<16xi32>
    %add3A_1728 = arith.addi %add3A_1727, %and3A_1725 : vector<16xi32>
    %lt3A_1729 = arith.constant 0.000000e+00 : f32
    %lt3A_1730 = vector.broadcast %lt3A_1729 : f32 to vector<16xf32>
    %lt3A_1731 = arith.cmpf olt, %sub3A_1705, %lt3A_1730 : vector<16xf32>
    %eq3A_1732 = arith.constant 0.000000e+00 : f32
    %eq3A_1733 = vector.broadcast %eq3A_1732 : f32 to vector<16xf32>
    %eq3A_1734 = arith.cmpf oeq, %sub3A_1705, %eq3A_1733 : vector<16xf32>
    %add3A_1735 = arith.constant 2048 : i32
    %add3A_1736 = vector.broadcast %add3A_1735 : i32 to vector<16xi32>
    %add3A_1737 = arith.addi %convert_element_type3A_1700, %add3A_1736 : vector<16xi32>
    %select_n3A_1738 = arith.select %eq3A_1734, %add3A_1737, %add3A_1728 : vector<16xi1>, vector<16xi32>
    %select_n3A_1739 = arith.select %lt3A_1731, %convert_element_type3A_1700, %select_n3A_1738 : vector<16xi1>, vector<16xi32>
    %gt3A_1740 = arith.constant 0.000000e+00 : f32
    %gt3A_1741 = vector.broadcast %gt3A_1740 : f32 to vector<16xf32>
    %gt3A_1742 = arith.cmpf ogt, %add3A_1711, %gt3A_1741 : vector<16xf32>
    %and3A_1743 = arith.andi %lt3A_1714, %gt3A_1742 : vector<16xi1>
    %eq3A_1744 = arith.constant 0.000000e+00 : f32
    %eq3A_1745 = vector.broadcast %eq3A_1744 : f32 to vector<16xf32>
    %eq3A_1746 = arith.cmpf oeq, %add3A_1711, %eq3A_1745 : vector<16xf32>
    %and3A_1747 = arith.andi %lt3A_1714, %eq3A_1746 : vector<16xi1>
    %add3A_1748 = arith.constant 2048 : i32
    %add3A_1749 = vector.broadcast %add3A_1748 : i32 to vector<16xi32>
    %add3A_1750 = arith.addi %add3A_1717, %add3A_1749 : vector<16xi32>
    %select_n3A_1751 = arith.select %and3A_1747, %add3A_1750, %add3A_1728 : vector<16xi1>, vector<16xi32>
    %select_n3A_1752 = arith.select %and3A_1743, %add3A_1717, %select_n3A_1751 : vector<16xi1>, vector<16xi32>
    %swap3A_1753 = arith.constant 2 : i32
    %swap3A_1754 = arith.index_cast %swap3A_1753 : i32 to index
    %swap3A_1755 = arith.constant 112 : index
    %swap3A_1756 = tpu.vector_load %arg6[%swap3A_1754, %swap3A_1755] {strides = array<i32>} : memref<4x128xi32, #tpu.memory_space<vmem>>, vector<1x16xi32>,
    %swap3A_1757 = vector.shape_cast %swap3A_1756 : vector<1x16xi32> to vector<16xi32>
    %swap3A_1758 = vector.shape_cast %select_n3A_1739 : vector<16xi32> to vector<1x16xi32>
    tpu.vector_store %arg6[%swap3A_1754, %swap3A_1755], %swap3A_1758 {strides = array<i32>} : memref<4x128xi32, #tpu.memory_space<vmem>>, vector<1x16xi32>,
    %swap3A_1759 = arith.constant 2 : i32
    %swap3A_1760 = arith.index_cast %swap3A_1759 : i32 to index
    %swap3A_1761 = arith.constant 112 : index
    %swap3A_1762 = tpu.vector_load %arg7[%swap3A_1760, %swap3A_1761] {strides = array<i32>} : memref<4x128xi32, #tpu.memory_space<vmem>>, vector<1x16xi32>,
    %swap3A_1763 = vector.shape_cast %swap3A_1762 : vector<1x16xi32> to vector<16xi32>
    %swap3A_1764 = vector.shape_cast %select_n3A_1752 : vector<16xi32> to vector<1x16xi32>
    tpu.vector_store %arg7[%swap3A_1760, %swap3A_1761], %swap3A_1764 {strides = array<i32>} : memref<4x128xi32, #tpu.memory_space<vmem>>, vector<1x16xi32>,
    %dma_start3A_1765 = arith.constant 2 : i32
    %dma_start3A_1766 = arith.constant 256 : i32
    %dma_start3A_1767 = arith.constant 0 : i32
    %dma_start3A_1768 = tpu.memref_slice %arg8[%dma_start3A_1766, %dma_start3A_1767] : memref<512x16xf32, #tpu.memory_space<vmem>> -> memref<128x16xf32, #tpu.memory_space<vmem>>
    %dma_start3A_1769 = arith.constant 0 : i32
    %dma_start3A_1770 = tpu.memref_slice %arg6[%dma_start3A_1765, %dma_start3A_1769] : memref<4x128xi32, #tpu.memory_space<vmem>> -> memref<1x128xi32, #tpu.memory_space<vmem>>
    %dma_start3A_1771 = tpu.memref_squeeze %dma_start3A_1770 : memref<1x128xi32, #tpu.memory_space<vmem>> -> memref<128xi32, #tpu.memory_space<vmem>>
    %dma_start3A_1772 = arith.constant 0 : i32
    %dma_start3A_1773 = arith.constant 0 : i32
    %dma_start3A_1774 = tpu.memref_slice %arg3[%dma_start3A_1772, %dma_start3A_1773] : memref<4096x16xf32, #tpu.memory_space<hbm>> -> memref<4096x16xf32, #tpu.memory_space<hbm>>
    tpu.enqueue_indirect_dma source(%dma_start3A_1774 : memref<4096x16xf32, #tpu.memory_space<hbm>>) target(%dma_start3A_1768 : memref<128x16xf32, #tpu.memory_space<vmem>>) offsets(%dma_start3A_1771 : memref<128xi32, #tpu.memory_space<vmem>>) semaphore(%arg15 : memref<!tpu.dma_semaphore, #tpu.memory_space<semaphore_mem>>)
    %dma_wait3A_1775 = arith.constant 384 : i32
    %dma_wait3A_1776 = tpu.memref_slice %arg5[%dma_wait3A_1775] : memref<512xf32, #tpu.memory_space<vmem>> -> memref<128xf32, #tpu.memory_space<vmem>>
    %dma_wait3A_1777 = tpu.memref_slice %arg2[%add3A_27] : memref<16384xf32, #tpu.memory_space<hbm>> -> memref<128xf32, #tpu.memory_space<hbm>>
    %dma_wait3A_1778 = arith.constant 384 : i32
    %dma_wait3A_1779 = tpu.memref_slice %arg5[%dma_wait3A_1778] : memref<512xf32, #tpu.memory_space<vmem>> -> memref<128xf32, #tpu.memory_space<vmem>>
    %dma_wait3A_1780 = tpu.memref_slice %arg2[%add3A_27] : memref<16384xf32, #tpu.memory_space<hbm>> -> memref<128xf32, #tpu.memory_space<hbm>>
    tpu.wait_dma2 semaphore(%arg12 : memref<!tpu.dma_semaphore, #tpu.memory_space<semaphore_mem>>) src(%dma_wait3A_1780 : memref<128xf32, #tpu.memory_space<hbm>>) dst(%dma_wait3A_1779 : memref<128xf32, #tpu.memory_space<vmem>>)
    %get3A_1781 = arith.constant 384 : index
    %get3A_1782 = tpu.vector_load %arg5[%get3A_1781] {strides = array<i32>} : memref<512xf32, #tpu.memory_space<vmem>>, vector<16xf32>,
    %get3A_1783 = vector.shape_cast %get3A_1782 : vector<16xf32> to vector<16xf32>
    %mul3A_1784 = arith.constant 1.000000e+03 : f32
    %mul3A_1785 = vector.broadcast %mul3A_1784 : f32 to vector<16xf32>
    %mul3A_1786 = arith.mulf %get3A_1783, %mul3A_1785 : vector<16xf32>
    %convert_element_type3A_1787 = arith.fptosi %mul3A_1786 : vector<16xf32> to vector<16xi32>
    %convert_element_type3A_1788 = arith.sitofp %convert_element_type3A_1787 : vector<16xi32> to vector<16xf32>
    %sub3A_1789 = arith.subf %mul3A_1786, %convert_element_type3A_1788 : vector<16xf32>
    %sub3A_1790 = arith.constant 5.000000e-01 : f32
    %sub3A_1791 = vector.broadcast %sub3A_1790 : f32 to vector<16xf32>
    %sub3A_1792 = arith.subf %sub3A_1789, %sub3A_1791 : vector<16xf32>
    %sub3A_1793 = arith.constant 1.000000e+00 : f32
    %sub3A_1794 = vector.broadcast %sub3A_1793 : f32 to vector<16xf32>
    %sub3A_1795 = arith.subf %sub3A_1789, %sub3A_1794 : vector<16xf32>
    %add3A_1796 = arith.constant 5.000000e-01 : f32
    %add3A_1797 = vector.broadcast %add3A_1796 : f32 to vector<16xf32>
    %add3A_1798 = arith.addf %sub3A_1795, %add3A_1797 : vector<16xf32>
    %lt3A_1799 = arith.constant 999 : i32
    %lt3A_1800 = vector.broadcast %lt3A_1799 : i32 to vector<16xi32>
    %lt3A_1801 = arith.cmpi slt, %convert_element_type3A_1787, %lt3A_1800 : vector<16xi32>
    %add3A_1802 = arith.constant 1 : i32
    %add3A_1803 = vector.broadcast %add3A_1802 : i32 to vector<16xi32>
    %add3A_1804 = arith.addi %convert_element_type3A_1787, %add3A_1803 : vector<16xi32>
    %add3A_1805 = arith.constant 384 : i32
    %add3A_1806 = arith.addi %mul3A_2, %add3A_1805 : i32
    %iota3A_1807 = tpu.iota {dimensions = array<i32: 0>} : vector<16xi32>
    %add3A_1808 = vector.broadcast %add3A_1806 : i32 to vector<16xi32>
    %add3A_1809 = arith.addi %add3A_1808, %iota3A_1807 : vector<16xi32>
    %and3A_1810 = arith.constant 1023 : i32
    %and3A_1811 = vector.broadcast %and3A_1810 : i32 to vector<16xi32>
    %and3A_1812 = arith.andi %add3A_1809, %and3A_1811 : vector<16xi32>
    %add3A_1813 = arith.constant 1000 : i32
    %add3A_1814 = vector.broadcast %add3A_1813 : i32 to vector<16xi32>
    %add3A_1815 = arith.addi %add3A_1814, %and3A_1812 : vector<16xi32>
    %lt3A_1816 = arith.constant 0.000000e+00 : f32
    %lt3A_1817 = vector.broadcast %lt3A_1816 : f32 to vector<16xf32>
    %lt3A_1818 = arith.cmpf olt, %sub3A_1792, %lt3A_1817 : vector<16xf32>
    %eq3A_1819 = arith.constant 0.000000e+00 : f32
    %eq3A_1820 = vector.broadcast %eq3A_1819 : f32 to vector<16xf32>
    %eq3A_1821 = arith.cmpf oeq, %sub3A_1792, %eq3A_1820 : vector<16xf32>
    %add3A_1822 = arith.constant 2048 : i32
    %add3A_1823 = vector.broadcast %add3A_1822 : i32 to vector<16xi32>
    %add3A_1824 = arith.addi %convert_element_type3A_1787, %add3A_1823 : vector<16xi32>
    %select_n3A_1825 = arith.select %eq3A_1821, %add3A_1824, %add3A_1815 : vector<16xi1>, vector<16xi32>
    %select_n3A_1826 = arith.select %lt3A_1818, %convert_element_type3A_1787, %select_n3A_1825 : vector<16xi1>, vector<16xi32>
    %gt3A_1827 = arith.constant 0.000000e+00 : f32
    %gt3A_1828 = vector.broadcast %gt3A_1827 : f32 to vector<16xf32>
    %gt3A_1829 = arith.cmpf ogt, %add3A_1798, %gt3A_1828 : vector<16xf32>
    %and3A_1830 = arith.andi %lt3A_1801, %gt3A_1829 : vector<16xi1>
    %eq3A_1831 = arith.constant 0.000000e+00 : f32
    %eq3A_1832 = vector.broadcast %eq3A_1831 : f32 to vector<16xf32>
    %eq3A_1833 = arith.cmpf oeq, %add3A_1798, %eq3A_1832 : vector<16xf32>
    %and3A_1834 = arith.andi %lt3A_1801, %eq3A_1833 : vector<16xi1>
    %add3A_1835 = arith.constant 2048 : i32
    %add3A_1836 = vector.broadcast %add3A_1835 : i32 to vector<16xi32>
    %add3A_1837 = arith.addi %add3A_1804, %add3A_1836 : vector<16xi32>
    %select_n3A_1838 = arith.select %and3A_1834, %add3A_1837, %add3A_1815 : vector<16xi1>, vector<16xi32>
    %select_n3A_1839 = arith.select %and3A_1830, %add3A_1804, %select_n3A_1838 : vector<16xi1>, vector<16xi32>
    %swap3A_1840 = arith.constant 3 : i32
    %swap3A_1841 = arith.index_cast %swap3A_1840 : i32 to index
    %swap3A_1842 = arith.constant 0 : index
    %swap3A_1843 = tpu.vector_load %arg6[%swap3A_1841, %swap3A_1842] {strides = array<i32>} : memref<4x128xi32, #tpu.memory_space<vmem>>, vector<1x16xi32>,
    %swap3A_1844 = vector.shape_cast %swap3A_1843 : vector<1x16xi32> to vector<16xi32>
    %swap3A_1845 = vector.shape_cast %select_n3A_1826 : vector<16xi32> to vector<1x16xi32>
    tpu.vector_store %arg6[%swap3A_1841, %swap3A_1842], %swap3A_1845 {strides = array<i32>} : memref<4x128xi32, #tpu.memory_space<vmem>>, vector<1x16xi32>,
    %swap3A_1846 = arith.constant 3 : i32
    %swap3A_1847 = arith.index_cast %swap3A_1846 : i32 to index
    %swap3A_1848 = arith.constant 0 : index
    %swap3A_1849 = tpu.vector_load %arg7[%swap3A_1847, %swap3A_1848] {strides = array<i32>} : memref<4x128xi32, #tpu.memory_space<vmem>>, vector<1x16xi32>,
    %swap3A_1850 = vector.shape_cast %swap3A_1849 : vector<1x16xi32> to vector<16xi32>
    %swap3A_1851 = vector.shape_cast %select_n3A_1839 : vector<16xi32> to vector<1x16xi32>
    tpu.vector_store %arg7[%swap3A_1847, %swap3A_1848], %swap3A_1851 {strides = array<i32>} : memref<4x128xi32, #tpu.memory_space<vmem>>, vector<1x16xi32>,
    %get3A_1852 = arith.constant 400 : index
    %get3A_1853 = tpu.vector_load %arg5[%get3A_1852] {strides = array<i32>} : memref<512xf32, #tpu.memory_space<vmem>>, vector<16xf32>,
    %get3A_1854 = vector.shape_cast %get3A_1853 : vector<16xf32> to vector<16xf32>
    %mul3A_1855 = arith.constant 1.000000e+03 : f32
    %mul3A_1856 = vector.broadcast %mul3A_1855 : f32 to vector<16xf32>
    %mul3A_1857 = arith.mulf %get3A_1854, %mul3A_1856 : vector<16xf32>
    %convert_element_type3A_1858 = arith.fptosi %mul3A_1857 : vector<16xf32> to vector<16xi32>
    %convert_element_type3A_1859 = arith.sitofp %convert_element_type3A_1858 : vector<16xi32> to vector<16xf32>
    %sub3A_1860 = arith.subf %mul3A_1857, %convert_element_type3A_1859 : vector<16xf32>
    %sub3A_1861 = arith.constant 5.000000e-01 : f32
    %sub3A_1862 = vector.broadcast %sub3A_1861 : f32 to vector<16xf32>
    %sub3A_1863 = arith.subf %sub3A_1860, %sub3A_1862 : vector<16xf32>
    %sub3A_1864 = arith.constant 1.000000e+00 : f32
    %sub3A_1865 = vector.broadcast %sub3A_1864 : f32 to vector<16xf32>
    %sub3A_1866 = arith.subf %sub3A_1860, %sub3A_1865 : vector<16xf32>
    %add3A_1867 = arith.constant 5.000000e-01 : f32
    %add3A_1868 = vector.broadcast %add3A_1867 : f32 to vector<16xf32>
    %add3A_1869 = arith.addf %sub3A_1866, %add3A_1868 : vector<16xf32>
    %lt3A_1870 = arith.constant 999 : i32
    %lt3A_1871 = vector.broadcast %lt3A_1870 : i32 to vector<16xi32>
    %lt3A_1872 = arith.cmpi slt, %convert_element_type3A_1858, %lt3A_1871 : vector<16xi32>
    %add3A_1873 = arith.constant 1 : i32
    %add3A_1874 = vector.broadcast %add3A_1873 : i32 to vector<16xi32>
    %add3A_1875 = arith.addi %convert_element_type3A_1858, %add3A_1874 : vector<16xi32>
    %add3A_1876 = arith.constant 400 : i32
    %add3A_1877 = arith.addi %mul3A_2, %add3A_1876 : i32
    %iota3A_1878 = tpu.iota {dimensions = array<i32: 0>} : vector<16xi32>
    %add3A_1879 = vector.broadcast %add3A_1877 : i32 to vector<16xi32>
    %add3A_1880 = arith.addi %add3A_1879, %iota3A_1878 : vector<16xi32>
    %and3A_1881 = arith.constant 1023 : i32
    %and3A_1882 = vector.broadcast %and3A_1881 : i32 to vector<16xi32>
    %and3A_1883 = arith.andi %add3A_1880, %and3A_1882 : vector<16xi32>
    %add3A_1884 = arith.constant 1000 : i32
    %add3A_1885 = vector.broadcast %add3A_1884 : i32 to vector<16xi32>
    %add3A_1886 = arith.addi %add3A_1885, %and3A_1883 : vector<16xi32>
    %lt3A_1887 = arith.constant 0.000000e+00 : f32
    %lt3A_1888 = vector.broadcast %lt3A_1887 : f32 to vector<16xf32>
    %lt3A_1889 = arith.cmpf olt, %sub3A_1863, %lt3A_1888 : vector<16xf32>
    %eq3A_1890 = arith.constant 0.000000e+00 : f32
    %eq3A_1891 = vector.broadcast %eq3A_1890 : f32 to vector<16xf32>
    %eq3A_1892 = arith.cmpf oeq, %sub3A_1863, %eq3A_1891 : vector<16xf32>
    %add3A_1893 = arith.constant 2048 : i32
    %add3A_1894 = vector.broadcast %add3A_1893 : i32 to vector<16xi32>
    %add3A_1895 = arith.addi %convert_element_type3A_1858, %add3A_1894 : vector<16xi32>
    %select_n3A_1896 = arith.select %eq3A_1892, %add3A_1895, %add3A_1886 : vector<16xi1>, vector<16xi32>
    %select_n3A_1897 = arith.select %lt3A_1889, %convert_element_type3A_1858, %select_n3A_1896 : vector<16xi1>, vector<16xi32>
    %gt3A_1898 = arith.constant 0.000000e+00 : f32
    %gt3A_1899 = vector.broadcast %gt3A_1898 : f32 to vector<16xf32>
    %gt3A_1900 = arith.cmpf ogt, %add3A_1869, %gt3A_1899 : vector<16xf32>
    %and3A_1901 = arith.andi %lt3A_1872, %gt3A_1900 : vector<16xi1>
    %eq3A_1902 = arith.constant 0.000000e+00 : f32
    %eq3A_1903 = vector.broadcast %eq3A_1902 : f32 to vector<16xf32>
    %eq3A_1904 = arith.cmpf oeq, %add3A_1869, %eq3A_1903 : vector<16xf32>
    %and3A_1905 = arith.andi %lt3A_1872, %eq3A_1904 : vector<16xi1>
    %add3A_1906 = arith.constant 2048 : i32
    %add3A_1907 = vector.broadcast %add3A_1906 : i32 to vector<16xi32>
    %add3A_1908 = arith.addi %add3A_1875, %add3A_1907 : vector<16xi32>
    %select_n3A_1909 = arith.select %and3A_1905, %add3A_1908, %add3A_1886 : vector<16xi1>, vector<16xi32>
    %select_n3A_1910 = arith.select %and3A_1901, %add3A_1875, %select_n3A_1909 : vector<16xi1>, vector<16xi32>
    %swap3A_1911 = arith.constant 3 : i32
    %swap3A_1912 = arith.index_cast %swap3A_1911 : i32 to index
    %swap3A_1913 = arith.constant 16 : index
    %swap3A_1914 = tpu.vector_load %arg6[%swap3A_1912, %swap3A_1913] {strides = array<i32>} : memref<4x128xi32, #tpu.memory_space<vmem>>, vector<1x16xi32>,
    %swap3A_1915 = vector.shape_cast %swap3A_1914 : vector<1x16xi32> to vector<16xi32>
    %swap3A_1916 = vector.shape_cast %select_n3A_1897 : vector<16xi32> to vector<1x16xi32>
    tpu.vector_store %arg6[%swap3A_1912, %swap3A_1913], %swap3A_1916 {strides = array<i32>} : memref<4x128xi32, #tpu.memory_space<vmem>>, vector<1x16xi32>,
    %swap3A_1917 = arith.constant 3 : i32
    %swap3A_1918 = arith.index_cast %swap3A_1917 : i32 to index
    %swap3A_1919 = arith.constant 16 : index
    %swap3A_1920 = tpu.vector_load %arg7[%swap3A_1918, %swap3A_1919] {strides = array<i32>} : memref<4x128xi32, #tpu.memory_space<vmem>>, vector<1x16xi32>,
    %swap3A_1921 = vector.shape_cast %swap3A_1920 : vector<1x16xi32> to vector<16xi32>
    %swap3A_1922 = vector.shape_cast %select_n3A_1910 : vector<16xi32> to vector<1x16xi32>
    tpu.vector_store %arg7[%swap3A_1918, %swap3A_1919], %swap3A_1922 {strides = array<i32>} : memref<4x128xi32, #tpu.memory_space<vmem>>, vector<1x16xi32>,
    %get3A_1923 = arith.constant 416 : index
    %get3A_1924 = tpu.vector_load %arg5[%get3A_1923] {strides = array<i32>} : memref<512xf32, #tpu.memory_space<vmem>>, vector<16xf32>,
    %get3A_1925 = vector.shape_cast %get3A_1924 : vector<16xf32> to vector<16xf32>
    %mul3A_1926 = arith.constant 1.000000e+03 : f32
    %mul3A_1927 = vector.broadcast %mul3A_1926 : f32 to vector<16xf32>
    %mul3A_1928 = arith.mulf %get3A_1925, %mul3A_1927 : vector<16xf32>
    %convert_element_type3A_1929 = arith.fptosi %mul3A_1928 : vector<16xf32> to vector<16xi32>
    %convert_element_type3A_1930 = arith.sitofp %convert_element_type3A_1929 : vector<16xi32> to vector<16xf32>
    %sub3A_1931 = arith.subf %mul3A_1928, %convert_element_type3A_1930 : vector<16xf32>
    %sub3A_1932 = arith.constant 5.000000e-01 : f32
    %sub3A_1933 = vector.broadcast %sub3A_1932 : f32 to vector<16xf32>
    %sub3A_1934 = arith.subf %sub3A_1931, %sub3A_1933 : vector<16xf32>
    %sub3A_1935 = arith.constant 1.000000e+00 : f32
    %sub3A_1936 = vector.broadcast %sub3A_1935 : f32 to vector<16xf32>
    %sub3A_1937 = arith.subf %sub3A_1931, %sub3A_1936 : vector<16xf32>
    %add3A_1938 = arith.constant 5.000000e-01 : f32
    %add3A_1939 = vector.broadcast %add3A_1938 : f32 to vector<16xf32>
    %add3A_1940 = arith.addf %sub3A_1937, %add3A_1939 : vector<16xf32>
    %lt3A_1941 = arith.constant 999 : i32
    %lt3A_1942 = vector.broadcast %lt3A_1941 : i32 to vector<16xi32>
    %lt3A_1943 = arith.cmpi slt, %convert_element_type3A_1929, %lt3A_1942 : vector<16xi32>
    %add3A_1944 = arith.constant 1 : i32
    %add3A_1945 = vector.broadcast %add3A_1944 : i32 to vector<16xi32>
    %add3A_1946 = arith.addi %convert_element_type3A_1929, %add3A_1945 : vector<16xi32>
    %add3A_1947 = arith.constant 416 : i32
    %add3A_1948 = arith.addi %mul3A_2, %add3A_1947 : i32
    %iota3A_1949 = tpu.iota {dimensions = array<i32: 0>} : vector<16xi32>
    %add3A_1950 = vector.broadcast %add3A_1948 : i32 to vector<16xi32>
    %add3A_1951 = arith.addi %add3A_1950, %iota3A_1949 : vector<16xi32>
    %and3A_1952 = arith.constant 1023 : i32
    %and3A_1953 = vector.broadcast %and3A_1952 : i32 to vector<16xi32>
    %and3A_1954 = arith.andi %add3A_1951, %and3A_1953 : vector<16xi32>
    %add3A_1955 = arith.constant 1000 : i32
    %add3A_1956 = vector.broadcast %add3A_1955 : i32 to vector<16xi32>
    %add3A_1957 = arith.addi %add3A_1956, %and3A_1954 : vector<16xi32>
    %lt3A_1958 = arith.constant 0.000000e+00 : f32
    %lt3A_1959 = vector.broadcast %lt3A_1958 : f32 to vector<16xf32>
    %lt3A_1960 = arith.cmpf olt, %sub3A_1934, %lt3A_1959 : vector<16xf32>
    %eq3A_1961 = arith.constant 0.000000e+00 : f32
    %eq3A_1962 = vector.broadcast %eq3A_1961 : f32 to vector<16xf32>
    %eq3A_1963 = arith.cmpf oeq, %sub3A_1934, %eq3A_1962 : vector<16xf32>
    %add3A_1964 = arith.constant 2048 : i32
    %add3A_1965 = vector.broadcast %add3A_1964 : i32 to vector<16xi32>
    %add3A_1966 = arith.addi %convert_element_type3A_1929, %add3A_1965 : vector<16xi32>
    %select_n3A_1967 = arith.select %eq3A_1963, %add3A_1966, %add3A_1957 : vector<16xi1>, vector<16xi32>
    %select_n3A_1968 = arith.select %lt3A_1960, %convert_element_type3A_1929, %select_n3A_1967 : vector<16xi1>, vector<16xi32>
    %gt3A_1969 = arith.constant 0.000000e+00 : f32
    %gt3A_1970 = vector.broadcast %gt3A_1969 : f32 to vector<16xf32>
    %gt3A_1971 = arith.cmpf ogt, %add3A_1940, %gt3A_1970 : vector<16xf32>
    %and3A_1972 = arith.andi %lt3A_1943, %gt3A_1971 : vector<16xi1>
    %eq3A_1973 = arith.constant 0.000000e+00 : f32
    %eq3A_1974 = vector.broadcast %eq3A_1973 : f32 to vector<16xf32>
    %eq3A_1975 = arith.cmpf oeq, %add3A_1940, %eq3A_1974 : vector<16xf32>
    %and3A_1976 = arith.andi %lt3A_1943, %eq3A_1975 : vector<16xi1>
    %add3A_1977 = arith.constant 2048 : i32
    %add3A_1978 = vector.broadcast %add3A_1977 : i32 to vector<16xi32>
    %add3A_1979 = arith.addi %add3A_1946, %add3A_1978 : vector<16xi32>
    %select_n3A_1980 = arith.select %and3A_1976, %add3A_1979, %add3A_1957 : vector<16xi1>, vector<16xi32>
    %select_n3A_1981 = arith.select %and3A_1972, %add3A_1946, %select_n3A_1980 : vector<16xi1>, vector<16xi32>
    %swap3A_1982 = arith.constant 3 : i32
    %swap3A_1983 = arith.index_cast %swap3A_1982 : i32 to index
    %swap3A_1984 = arith.constant 32 : index
    %swap3A_1985 = tpu.vector_load %arg6[%swap3A_1983, %swap3A_1984] {strides = array<i32>} : memref<4x128xi32, #tpu.memory_space<vmem>>, vector<1x16xi32>,
    %swap3A_1986 = vector.shape_cast %swap3A_1985 : vector<1x16xi32> to vector<16xi32>
    %swap3A_1987 = vector.shape_cast %select_n3A_1968 : vector<16xi32> to vector<1x16xi32>
    tpu.vector_store %arg6[%swap3A_1983, %swap3A_1984], %swap3A_1987 {strides = array<i32>} : memref<4x128xi32, #tpu.memory_space<vmem>>, vector<1x16xi32>,
    %swap3A_1988 = arith.constant 3 : i32
    %swap3A_1989 = arith.index_cast %swap3A_1988 : i32 to index
    %swap3A_1990 = arith.constant 32 : index
    %swap3A_1991 = tpu.vector_load %arg7[%swap3A_1989, %swap3A_1990] {strides = array<i32>} : memref<4x128xi32, #tpu.memory_space<vmem>>, vector<1x16xi32>,
    %swap3A_1992 = vector.shape_cast %swap3A_1991 : vector<1x16xi32> to vector<16xi32>
    %swap3A_1993 = vector.shape_cast %select_n3A_1981 : vector<16xi32> to vector<1x16xi32>
    tpu.vector_store %arg7[%swap3A_1989, %swap3A_1990], %swap3A_1993 {strides = array<i32>} : memref<4x128xi32, #tpu.memory_space<vmem>>, vector<1x16xi32>,
    %get3A_1994 = arith.constant 432 : index
    %get3A_1995 = tpu.vector_load %arg5[%get3A_1994] {strides = array<i32>} : memref<512xf32, #tpu.memory_space<vmem>>, vector<16xf32>,
    %get3A_1996 = vector.shape_cast %get3A_1995 : vector<16xf32> to vector<16xf32>
    %mul3A_1997 = arith.constant 1.000000e+03 : f32
    %mul3A_1998 = vector.broadcast %mul3A_1997 : f32 to vector<16xf32>
    %mul3A_1999 = arith.mulf %get3A_1996, %mul3A_1998 : vector<16xf32>
    %convert_element_type3A_2000 = arith.fptosi %mul3A_1999 : vector<16xf32> to vector<16xi32>
    %convert_element_type3A_2001 = arith.sitofp %convert_element_type3A_2000 : vector<16xi32> to vector<16xf32>
    %sub3A_2002 = arith.subf %mul3A_1999, %convert_element_type3A_2001 : vector<16xf32>
    %sub3A_2003 = arith.constant 5.000000e-01 : f32
    %sub3A_2004 = vector.broadcast %sub3A_2003 : f32 to vector<16xf32>
    %sub3A_2005 = arith.subf %sub3A_2002, %sub3A_2004 : vector<16xf32>
    %sub3A_2006 = arith.constant 1.000000e+00 : f32
    %sub3A_2007 = vector.broadcast %sub3A_2006 : f32 to vector<16xf32>
    %sub3A_2008 = arith.subf %sub3A_2002, %sub3A_2007 : vector<16xf32>
    %add3A_2009 = arith.constant 5.000000e-01 : f32
    %add3A_2010 = vector.broadcast %add3A_2009 : f32 to vector<16xf32>
    %add3A_2011 = arith.addf %sub3A_2008, %add3A_2010 : vector<16xf32>
    %lt3A_2012 = arith.constant 999 : i32
    %lt3A_2013 = vector.broadcast %lt3A_2012 : i32 to vector<16xi32>
    %lt3A_2014 = arith.cmpi slt, %convert_element_type3A_2000, %lt3A_2013 : vector<16xi32>
    %add3A_2015 = arith.constant 1 : i32
    %add3A_2016 = vector.broadcast %add3A_2015 : i32 to vector<16xi32>
    %add3A_2017 = arith.addi %convert_element_type3A_2000, %add3A_2016 : vector<16xi32>
    %add3A_2018 = arith.constant 432 : i32
    %add3A_2019 = arith.addi %mul3A_2, %add3A_2018 : i32
    %iota3A_2020 = tpu.iota {dimensions = array<i32: 0>} : vector<16xi32>
    %add3A_2021 = vector.broadcast %add3A_2019 : i32 to vector<16xi32>
    %add3A_2022 = arith.addi %add3A_2021, %iota3A_2020 : vector<16xi32>
    %and3A_2023 = arith.constant 1023 : i32
    %and3A_2024 = vector.broadcast %and3A_2023 : i32 to vector<16xi32>
    %and3A_2025 = arith.andi %add3A_2022, %and3A_2024 : vector<16xi32>
    %add3A_2026 = arith.constant 1000 : i32
    %add3A_2027 = vector.broadcast %add3A_2026 : i32 to vector<16xi32>
    %add3A_2028 = arith.addi %add3A_2027, %and3A_2025 : vector<16xi32>
    %lt3A_2029 = arith.constant 0.000000e+00 : f32
    %lt3A_2030 = vector.broadcast %lt3A_2029 : f32 to vector<16xf32>
    %lt3A_2031 = arith.cmpf olt, %sub3A_2005, %lt3A_2030 : vector<16xf32>
    %eq3A_2032 = arith.constant 0.000000e+00 : f32
    %eq3A_2033 = vector.broadcast %eq3A_2032 : f32 to vector<16xf32>
    %eq3A_2034 = arith.cmpf oeq, %sub3A_2005, %eq3A_2033 : vector<16xf32>
    %add3A_2035 = arith.constant 2048 : i32
    %add3A_2036 = vector.broadcast %add3A_2035 : i32 to vector<16xi32>
    %add3A_2037 = arith.addi %convert_element_type3A_2000, %add3A_2036 : vector<16xi32>
    %select_n3A_2038 = arith.select %eq3A_2034, %add3A_2037, %add3A_2028 : vector<16xi1>, vector<16xi32>
    %select_n3A_2039 = arith.select %lt3A_2031, %convert_element_type3A_2000, %select_n3A_2038 : vector<16xi1>, vector<16xi32>
    %gt3A_2040 = arith.constant 0.000000e+00 : f32
    %gt3A_2041 = vector.broadcast %gt3A_2040 : f32 to vector<16xf32>
    %gt3A_2042 = arith.cmpf ogt, %add3A_2011, %gt3A_2041 : vector<16xf32>
    %and3A_2043 = arith.andi %lt3A_2014, %gt3A_2042 : vector<16xi1>
    %eq3A_2044 = arith.constant 0.000000e+00 : f32
    %eq3A_2045 = vector.broadcast %eq3A_2044 : f32 to vector<16xf32>
    %eq3A_2046 = arith.cmpf oeq, %add3A_2011, %eq3A_2045 : vector<16xf32>
    %and3A_2047 = arith.andi %lt3A_2014, %eq3A_2046 : vector<16xi1>
    %add3A_2048 = arith.constant 2048 : i32
    %add3A_2049 = vector.broadcast %add3A_2048 : i32 to vector<16xi32>
    %add3A_2050 = arith.addi %add3A_2017, %add3A_2049 : vector<16xi32>
    %select_n3A_2051 = arith.select %and3A_2047, %add3A_2050, %add3A_2028 : vector<16xi1>, vector<16xi32>
    %select_n3A_2052 = arith.select %and3A_2043, %add3A_2017, %select_n3A_2051 : vector<16xi1>, vector<16xi32>
    %swap3A_2053 = arith.constant 3 : i32
    %swap3A_2054 = arith.index_cast %swap3A_2053 : i32 to index
    %swap3A_2055 = arith.constant 48 : index
    %swap3A_2056 = tpu.vector_load %arg6[%swap3A_2054, %swap3A_2055] {strides = array<i32>} : memref<4x128xi32, #tpu.memory_space<vmem>>, vector<1x16xi32>,
    %swap3A_2057 = vector.shape_cast %swap3A_2056 : vector<1x16xi32> to vector<16xi32>
    %swap3A_2058 = vector.shape_cast %select_n3A_2039 : vector<16xi32> to vector<1x16xi32>
    tpu.vector_store %arg6[%swap3A_2054, %swap3A_2055], %swap3A_2058 {strides = array<i32>} : memref<4x128xi32, #tpu.memory_space<vmem>>, vector<1x16xi32>,
    %swap3A_2059 = arith.constant 3 : i32
    %swap3A_2060 = arith.index_cast %swap3A_2059 : i32 to index
    %swap3A_2061 = arith.constant 48 : index
    %swap3A_2062 = tpu.vector_load %arg7[%swap3A_2060, %swap3A_2061] {strides = array<i32>} : memref<4x128xi32, #tpu.memory_space<vmem>>, vector<1x16xi32>,
    %swap3A_2063 = vector.shape_cast %swap3A_2062 : vector<1x16xi32> to vector<16xi32>
    %swap3A_2064 = vector.shape_cast %select_n3A_2052 : vector<16xi32> to vector<1x16xi32>
    tpu.vector_store %arg7[%swap3A_2060, %swap3A_2061], %swap3A_2064 {strides = array<i32>} : memref<4x128xi32, #tpu.memory_space<vmem>>, vector<1x16xi32>,
    %get3A_2065 = arith.constant 448 : index
    %get3A_2066 = tpu.vector_load %arg5[%get3A_2065] {strides = array<i32>} : memref<512xf32, #tpu.memory_space<vmem>>, vector<16xf32>,
    %get3A_2067 = vector.shape_cast %get3A_2066 : vector<16xf32> to vector<16xf32>
    %mul3A_2068 = arith.constant 1.000000e+03 : f32
    %mul3A_2069 = vector.broadcast %mul3A_2068 : f32 to vector<16xf32>
    %mul3A_2070 = arith.mulf %get3A_2067, %mul3A_2069 : vector<16xf32>
    %convert_element_type3A_2071 = arith.fptosi %mul3A_2070 : vector<16xf32> to vector<16xi32>
    %convert_element_type3A_2072 = arith.sitofp %convert_element_type3A_2071 : vector<16xi32> to vector<16xf32>
    %sub3A_2073 = arith.subf %mul3A_2070, %convert_element_type3A_2072 : vector<16xf32>
    %sub3A_2074 = arith.constant 5.000000e-01 : f32
    %sub3A_2075 = vector.broadcast %sub3A_2074 : f32 to vector<16xf32>
    %sub3A_2076 = arith.subf %sub3A_2073, %sub3A_2075 : vector<16xf32>
    %sub3A_2077 = arith.constant 1.000000e+00 : f32
    %sub3A_2078 = vector.broadcast %sub3A_2077 : f32 to vector<16xf32>
    %sub3A_2079 = arith.subf %sub3A_2073, %sub3A_2078 : vector<16xf32>
    %add3A_2080 = arith.constant 5.000000e-01 : f32
    %add3A_2081 = vector.broadcast %add3A_2080 : f32 to vector<16xf32>
    %add3A_2082 = arith.addf %sub3A_2079, %add3A_2081 : vector<16xf32>
    %lt3A_2083 = arith.constant 999 : i32
    %lt3A_2084 = vector.broadcast %lt3A_2083 : i32 to vector<16xi32>
    %lt3A_2085 = arith.cmpi slt, %convert_element_type3A_2071, %lt3A_2084 : vector<16xi32>
    %add3A_2086 = arith.constant 1 : i32
    %add3A_2087 = vector.broadcast %add3A_2086 : i32 to vector<16xi32>
    %add3A_2088 = arith.addi %convert_element_type3A_2071, %add3A_2087 : vector<16xi32>
    %add3A_2089 = arith.constant 448 : i32
    %add3A_2090 = arith.addi %mul3A_2, %add3A_2089 : i32
    %iota3A_2091 = tpu.iota {dimensions = array<i32: 0>} : vector<16xi32>
    %add3A_2092 = vector.broadcast %add3A_2090 : i32 to vector<16xi32>
    %add3A_2093 = arith.addi %add3A_2092, %iota3A_2091 : vector<16xi32>
    %and3A_2094 = arith.constant 1023 : i32
    %and3A_2095 = vector.broadcast %and3A_2094 : i32 to vector<16xi32>
    %and3A_2096 = arith.andi %add3A_2093, %and3A_2095 : vector<16xi32>
    %add3A_2097 = arith.constant 1000 : i32
    %add3A_2098 = vector.broadcast %add3A_2097 : i32 to vector<16xi32>
    %add3A_2099 = arith.addi %add3A_2098, %and3A_2096 : vector<16xi32>
    %lt3A_2100 = arith.constant 0.000000e+00 : f32
    %lt3A_2101 = vector.broadcast %lt3A_2100 : f32 to vector<16xf32>
    %lt3A_2102 = arith.cmpf olt, %sub3A_2076, %lt3A_2101 : vector<16xf32>
    %eq3A_2103 = arith.constant 0.000000e+00 : f32
    %eq3A_2104 = vector.broadcast %eq3A_2103 : f32 to vector<16xf32>
    %eq3A_2105 = arith.cmpf oeq, %sub3A_2076, %eq3A_2104 : vector<16xf32>
    %add3A_2106 = arith.constant 2048 : i32
    %add3A_2107 = vector.broadcast %add3A_2106 : i32 to vector<16xi32>
    %add3A_2108 = arith.addi %convert_element_type3A_2071, %add3A_2107 : vector<16xi32>
    %select_n3A_2109 = arith.select %eq3A_2105, %add3A_2108, %add3A_2099 : vector<16xi1>, vector<16xi32>
    %select_n3A_2110 = arith.select %lt3A_2102, %convert_element_type3A_2071, %select_n3A_2109 : vector<16xi1>, vector<16xi32>
    %gt3A_2111 = arith.constant 0.000000e+00 : f32
    %gt3A_2112 = vector.broadcast %gt3A_2111 : f32 to vector<16xf32>
    %gt3A_2113 = arith.cmpf ogt, %add3A_2082, %gt3A_2112 : vector<16xf32>
    %and3A_2114 = arith.andi %lt3A_2085, %gt3A_2113 : vector<16xi1>
    %eq3A_2115 = arith.constant 0.000000e+00 : f32
    %eq3A_2116 = vector.broadcast %eq3A_2115 : f32 to vector<16xf32>
    %eq3A_2117 = arith.cmpf oeq, %add3A_2082, %eq3A_2116 : vector<16xf32>
    %and3A_2118 = arith.andi %lt3A_2085, %eq3A_2117 : vector<16xi1>
    %add3A_2119 = arith.constant 2048 : i32
    %add3A_2120 = vector.broadcast %add3A_2119 : i32 to vector<16xi32>
    %add3A_2121 = arith.addi %add3A_2088, %add3A_2120 : vector<16xi32>
    %select_n3A_2122 = arith.select %and3A_2118, %add3A_2121, %add3A_2099 : vector<16xi1>, vector<16xi32>
    %select_n3A_2123 = arith.select %and3A_2114, %add3A_2088, %select_n3A_2122 : vector<16xi1>, vector<16xi32>
    %swap3A_2124 = arith.constant 3 : i32
    %swap3A_2125 = arith.index_cast %swap3A_2124 : i32 to index
    %swap3A_2126 = arith.constant 64 : index
    %swap3A_2127 = tpu.vector_load %arg6[%swap3A_2125, %swap3A_2126] {strides = array<i32>} : memref<4x128xi32, #tpu.memory_space<vmem>>, vector<1x16xi32>,
    %swap3A_2128 = vector.shape_cast %swap3A_2127 : vector<1x16xi32> to vector<16xi32>
    %swap3A_2129 = vector.shape_cast %select_n3A_2110 : vector<16xi32> to vector<1x16xi32>
    tpu.vector_store %arg6[%swap3A_2125, %swap3A_2126], %swap3A_2129 {strides = array<i32>} : memref<4x128xi32, #tpu.memory_space<vmem>>, vector<1x16xi32>,
    %swap3A_2130 = arith.constant 3 : i32
    %swap3A_2131 = arith.index_cast %swap3A_2130 : i32 to index
    %swap3A_2132 = arith.constant 64 : index
    %swap3A_2133 = tpu.vector_load %arg7[%swap3A_2131, %swap3A_2132] {strides = array<i32>} : memref<4x128xi32, #tpu.memory_space<vmem>>, vector<1x16xi32>,
    %swap3A_2134 = vector.shape_cast %swap3A_2133 : vector<1x16xi32> to vector<16xi32>
    %swap3A_2135 = vector.shape_cast %select_n3A_2123 : vector<16xi32> to vector<1x16xi32>
    tpu.vector_store %arg7[%swap3A_2131, %swap3A_2132], %swap3A_2135 {strides = array<i32>} : memref<4x128xi32, #tpu.memory_space<vmem>>, vector<1x16xi32>,
    %get3A_2136 = arith.constant 464 : index
    %get3A_2137 = tpu.vector_load %arg5[%get3A_2136] {strides = array<i32>} : memref<512xf32, #tpu.memory_space<vmem>>, vector<16xf32>,
    %get3A_2138 = vector.shape_cast %get3A_2137 : vector<16xf32> to vector<16xf32>
    %mul3A_2139 = arith.constant 1.000000e+03 : f32
    %mul3A_2140 = vector.broadcast %mul3A_2139 : f32 to vector<16xf32>
    %mul3A_2141 = arith.mulf %get3A_2138, %mul3A_2140 : vector<16xf32>
    %convert_element_type3A_2142 = arith.fptosi %mul3A_2141 : vector<16xf32> to vector<16xi32>
    %convert_element_type3A_2143 = arith.sitofp %convert_element_type3A_2142 : vector<16xi32> to vector<16xf32>
    %sub3A_2144 = arith.subf %mul3A_2141, %convert_element_type3A_2143 : vector<16xf32>
    %sub3A_2145 = arith.constant 5.000000e-01 : f32
    %sub3A_2146 = vector.broadcast %sub3A_2145 : f32 to vector<16xf32>
    %sub3A_2147 = arith.subf %sub3A_2144, %sub3A_2146 : vector<16xf32>
    %sub3A_2148 = arith.constant 1.000000e+00 : f32
    %sub3A_2149 = vector.broadcast %sub3A_2148 : f32 to vector<16xf32>
    %sub3A_2150 = arith.subf %sub3A_2144, %sub3A_2149 : vector<16xf32>
    %add3A_2151 = arith.constant 5.000000e-01 : f32
    %add3A_2152 = vector.broadcast %add3A_2151 : f32 to vector<16xf32>
    %add3A_2153 = arith.addf %sub3A_2150, %add3A_2152 : vector<16xf32>
    %lt3A_2154 = arith.constant 999 : i32
    %lt3A_2155 = vector.broadcast %lt3A_2154 : i32 to vector<16xi32>
    %lt3A_2156 = arith.cmpi slt, %convert_element_type3A_2142, %lt3A_2155 : vector<16xi32>
    %add3A_2157 = arith.constant 1 : i32
    %add3A_2158 = vector.broadcast %add3A_2157 : i32 to vector<16xi32>
    %add3A_2159 = arith.addi %convert_element_type3A_2142, %add3A_2158 : vector<16xi32>
    %add3A_2160 = arith.constant 464 : i32
    %add3A_2161 = arith.addi %mul3A_2, %add3A_2160 : i32
    %iota3A_2162 = tpu.iota {dimensions = array<i32: 0>} : vector<16xi32>
    %add3A_2163 = vector.broadcast %add3A_2161 : i32 to vector<16xi32>
    %add3A_2164 = arith.addi %add3A_2163, %iota3A_2162 : vector<16xi32>
    %and3A_2165 = arith.constant 1023 : i32
    %and3A_2166 = vector.broadcast %and3A_2165 : i32 to vector<16xi32>
    %and3A_2167 = arith.andi %add3A_2164, %and3A_2166 : vector<16xi32>
    %add3A_2168 = arith.constant 1000 : i32
    %add3A_2169 = vector.broadcast %add3A_2168 : i32 to vector<16xi32>
    %add3A_2170 = arith.addi %add3A_2169, %and3A_2167 : vector<16xi32>
    %lt3A_2171 = arith.constant 0.000000e+00 : f32
    %lt3A_2172 = vector.broadcast %lt3A_2171 : f32 to vector<16xf32>
    %lt3A_2173 = arith.cmpf olt, %sub3A_2147, %lt3A_2172 : vector<16xf32>
    %eq3A_2174 = arith.constant 0.000000e+00 : f32
    %eq3A_2175 = vector.broadcast %eq3A_2174 : f32 to vector<16xf32>
    %eq3A_2176 = arith.cmpf oeq, %sub3A_2147, %eq3A_2175 : vector<16xf32>
    %add3A_2177 = arith.constant 2048 : i32
    %add3A_2178 = vector.broadcast %add3A_2177 : i32 to vector<16xi32>
    %add3A_2179 = arith.addi %convert_element_type3A_2142, %add3A_2178 : vector<16xi32>
    %select_n3A_2180 = arith.select %eq3A_2176, %add3A_2179, %add3A_2170 : vector<16xi1>, vector<16xi32>
    %select_n3A_2181 = arith.select %lt3A_2173, %convert_element_type3A_2142, %select_n3A_2180 : vector<16xi1>, vector<16xi32>
    %gt3A_2182 = arith.constant 0.000000e+00 : f32
    %gt3A_2183 = vector.broadcast %gt3A_2182 : f32 to vector<16xf32>
    %gt3A_2184 = arith.cmpf ogt, %add3A_2153, %gt3A_2183 : vector<16xf32>
    %and3A_2185 = arith.andi %lt3A_2156, %gt3A_2184 : vector<16xi1>
    %eq3A_2186 = arith.constant 0.000000e+00 : f32
    %eq3A_2187 = vector.broadcast %eq3A_2186 : f32 to vector<16xf32>
    %eq3A_2188 = arith.cmpf oeq, %add3A_2153, %eq3A_2187 : vector<16xf32>
    %and3A_2189 = arith.andi %lt3A_2156, %eq3A_2188 : vector<16xi1>
    %add3A_2190 = arith.constant 2048 : i32
    %add3A_2191 = vector.broadcast %add3A_2190 : i32 to vector<16xi32>
    %add3A_2192 = arith.addi %add3A_2159, %add3A_2191 : vector<16xi32>
    %select_n3A_2193 = arith.select %and3A_2189, %add3A_2192, %add3A_2170 : vector<16xi1>, vector<16xi32>
    %select_n3A_2194 = arith.select %and3A_2185, %add3A_2159, %select_n3A_2193 : vector<16xi1>, vector<16xi32>
    %swap3A_2195 = arith.constant 3 : i32
    %swap3A_2196 = arith.index_cast %swap3A_2195 : i32 to index
    %swap3A_2197 = arith.constant 80 : index
    %swap3A_2198 = tpu.vector_load %arg6[%swap3A_2196, %swap3A_2197] {strides = array<i32>} : memref<4x128xi32, #tpu.memory_space<vmem>>, vector<1x16xi32>,
    %swap3A_2199 = vector.shape_cast %swap3A_2198 : vector<1x16xi32> to vector<16xi32>
    %swap3A_2200 = vector.shape_cast %select_n3A_2181 : vector<16xi32> to vector<1x16xi32>
    tpu.vector_store %arg6[%swap3A_2196, %swap3A_2197], %swap3A_2200 {strides = array<i32>} : memref<4x128xi32, #tpu.memory_space<vmem>>, vector<1x16xi32>,
    %swap3A_2201 = arith.constant 3 : i32
    %swap3A_2202 = arith.index_cast %swap3A_2201 : i32 to index
    %swap3A_2203 = arith.constant 80 : index
    %swap3A_2204 = tpu.vector_load %arg7[%swap3A_2202, %swap3A_2203] {strides = array<i32>} : memref<4x128xi32, #tpu.memory_space<vmem>>, vector<1x16xi32>,
    %swap3A_2205 = vector.shape_cast %swap3A_2204 : vector<1x16xi32> to vector<16xi32>
    %swap3A_2206 = vector.shape_cast %select_n3A_2194 : vector<16xi32> to vector<1x16xi32>
    tpu.vector_store %arg7[%swap3A_2202, %swap3A_2203], %swap3A_2206 {strides = array<i32>} : memref<4x128xi32, #tpu.memory_space<vmem>>, vector<1x16xi32>,
    %get3A_2207 = arith.constant 480 : index
    %get3A_2208 = tpu.vector_load %arg5[%get3A_2207] {strides = array<i32>} : memref<512xf32, #tpu.memory_space<vmem>>, vector<16xf32>,
    %get3A_2209 = vector.shape_cast %get3A_2208 : vector<16xf32> to vector<16xf32>
    %mul3A_2210 = arith.constant 1.000000e+03 : f32
    %mul3A_2211 = vector.broadcast %mul3A_2210 : f32 to vector<16xf32>
    %mul3A_2212 = arith.mulf %get3A_2209, %mul3A_2211 : vector<16xf32>
    %convert_element_type3A_2213 = arith.fptosi %mul3A_2212 : vector<16xf32> to vector<16xi32>
    %convert_element_type3A_2214 = arith.sitofp %convert_element_type3A_2213 : vector<16xi32> to vector<16xf32>
    %sub3A_2215 = arith.subf %mul3A_2212, %convert_element_type3A_2214 : vector<16xf32>
    %sub3A_2216 = arith.constant 5.000000e-01 : f32
    %sub3A_2217 = vector.broadcast %sub3A_2216 : f32 to vector<16xf32>
    %sub3A_2218 = arith.subf %sub3A_2215, %sub3A_2217 : vector<16xf32>
    %sub3A_2219 = arith.constant 1.000000e+00 : f32
    %sub3A_2220 = vector.broadcast %sub3A_2219 : f32 to vector<16xf32>
    %sub3A_2221 = arith.subf %sub3A_2215, %sub3A_2220 : vector<16xf32>
    %add3A_2222 = arith.constant 5.000000e-01 : f32
    %add3A_2223 = vector.broadcast %add3A_2222 : f32 to vector<16xf32>
    %add3A_2224 = arith.addf %sub3A_2221, %add3A_2223 : vector<16xf32>
    %lt3A_2225 = arith.constant 999 : i32
    %lt3A_2226 = vector.broadcast %lt3A_2225 : i32 to vector<16xi32>
    %lt3A_2227 = arith.cmpi slt, %convert_element_type3A_2213, %lt3A_2226 : vector<16xi32>
    %add3A_2228 = arith.constant 1 : i32
    %add3A_2229 = vector.broadcast %add3A_2228 : i32 to vector<16xi32>
    %add3A_2230 = arith.addi %convert_element_type3A_2213, %add3A_2229 : vector<16xi32>
    %add3A_2231 = arith.constant 480 : i32
    %add3A_2232 = arith.addi %mul3A_2, %add3A_2231 : i32
    %iota3A_2233 = tpu.iota {dimensions = array<i32: 0>} : vector<16xi32>
    %add3A_2234 = vector.broadcast %add3A_2232 : i32 to vector<16xi32>
    %add3A_2235 = arith.addi %add3A_2234, %iota3A_2233 : vector<16xi32>
    %and3A_2236 = arith.constant 1023 : i32
    %and3A_2237 = vector.broadcast %and3A_2236 : i32 to vector<16xi32>
    %and3A_2238 = arith.andi %add3A_2235, %and3A_2237 : vector<16xi32>
    %add3A_2239 = arith.constant 1000 : i32
    %add3A_2240 = vector.broadcast %add3A_2239 : i32 to vector<16xi32>
    %add3A_2241 = arith.addi %add3A_2240, %and3A_2238 : vector<16xi32>
    %lt3A_2242 = arith.constant 0.000000e+00 : f32
    %lt3A_2243 = vector.broadcast %lt3A_2242 : f32 to vector<16xf32>
    %lt3A_2244 = arith.cmpf olt, %sub3A_2218, %lt3A_2243 : vector<16xf32>
    %eq3A_2245 = arith.constant 0.000000e+00 : f32
    %eq3A_2246 = vector.broadcast %eq3A_2245 : f32 to vector<16xf32>
    %eq3A_2247 = arith.cmpf oeq, %sub3A_2218, %eq3A_2246 : vector<16xf32>
    %add3A_2248 = arith.constant 2048 : i32
    %add3A_2249 = vector.broadcast %add3A_2248 : i32 to vector<16xi32>
    %add3A_2250 = arith.addi %convert_element_type3A_2213, %add3A_2249 : vector<16xi32>
    %select_n3A_2251 = arith.select %eq3A_2247, %add3A_2250, %add3A_2241 : vector<16xi1>, vector<16xi32>
    %select_n3A_2252 = arith.select %lt3A_2244, %convert_element_type3A_2213, %select_n3A_2251 : vector<16xi1>, vector<16xi32>
    %gt3A_2253 = arith.constant 0.000000e+00 : f32
    %gt3A_2254 = vector.broadcast %gt3A_2253 : f32 to vector<16xf32>
    %gt3A_2255 = arith.cmpf ogt, %add3A_2224, %gt3A_2254 : vector<16xf32>
    %and3A_2256 = arith.andi %lt3A_2227, %gt3A_2255 : vector<16xi1>
    %eq3A_2257 = arith.constant 0.000000e+00 : f32
    %eq3A_2258 = vector.broadcast %eq3A_2257 : f32 to vector<16xf32>
    %eq3A_2259 = arith.cmpf oeq, %add3A_2224, %eq3A_2258 : vector<16xf32>
    %and3A_2260 = arith.andi %lt3A_2227, %eq3A_2259 : vector<16xi1>
    %add3A_2261 = arith.constant 2048 : i32
    %add3A_2262 = vector.broadcast %add3A_2261 : i32 to vector<16xi32>
    %add3A_2263 = arith.addi %add3A_2230, %add3A_2262 : vector<16xi32>
    %select_n3A_2264 = arith.select %and3A_2260, %add3A_2263, %add3A_2241 : vector<16xi1>, vector<16xi32>
    %select_n3A_2265 = arith.select %and3A_2256, %add3A_2230, %select_n3A_2264 : vector<16xi1>, vector<16xi32>
    %swap3A_2266 = arith.constant 3 : i32
    %swap3A_2267 = arith.index_cast %swap3A_2266 : i32 to index
    %swap3A_2268 = arith.constant 96 : index
    %swap3A_2269 = tpu.vector_load %arg6[%swap3A_2267, %swap3A_2268] {strides = array<i32>} : memref<4x128xi32, #tpu.memory_space<vmem>>, vector<1x16xi32>,
    %swap3A_2270 = vector.shape_cast %swap3A_2269 : vector<1x16xi32> to vector<16xi32>
    %swap3A_2271 = vector.shape_cast %select_n3A_2252 : vector<16xi32> to vector<1x16xi32>
    tpu.vector_store %arg6[%swap3A_2267, %swap3A_2268], %swap3A_2271 {strides = array<i32>} : memref<4x128xi32, #tpu.memory_space<vmem>>, vector<1x16xi32>,
    %swap3A_2272 = arith.constant 3 : i32
    %swap3A_2273 = arith.index_cast %swap3A_2272 : i32 to index
    %swap3A_2274 = arith.constant 96 : index
    %swap3A_2275 = tpu.vector_load %arg7[%swap3A_2273, %swap3A_2274] {strides = array<i32>} : memref<4x128xi32, #tpu.memory_space<vmem>>, vector<1x16xi32>,
    %swap3A_2276 = vector.shape_cast %swap3A_2275 : vector<1x16xi32> to vector<16xi32>
    %swap3A_2277 = vector.shape_cast %select_n3A_2265 : vector<16xi32> to vector<1x16xi32>
    tpu.vector_store %arg7[%swap3A_2273, %swap3A_2274], %swap3A_2277 {strides = array<i32>} : memref<4x128xi32, #tpu.memory_space<vmem>>, vector<1x16xi32>,
    %get3A_2278 = arith.constant 496 : index
    %get3A_2279 = tpu.vector_load %arg5[%get3A_2278] {strides = array<i32>} : memref<512xf32, #tpu.memory_space<vmem>>, vector<16xf32>,
    %get3A_2280 = vector.shape_cast %get3A_2279 : vector<16xf32> to vector<16xf32>
    %mul3A_2281 = arith.constant 1.000000e+03 : f32
    %mul3A_2282 = vector.broadcast %mul3A_2281 : f32 to vector<16xf32>
    %mul3A_2283 = arith.mulf %get3A_2280, %mul3A_2282 : vector<16xf32>
    %convert_element_type3A_2284 = arith.fptosi %mul3A_2283 : vector<16xf32> to vector<16xi32>
    %convert_element_type3A_2285 = arith.sitofp %convert_element_type3A_2284 : vector<16xi32> to vector<16xf32>
    %sub3A_2286 = arith.subf %mul3A_2283, %convert_element_type3A_2285 : vector<16xf32>
    %sub3A_2287 = arith.constant 5.000000e-01 : f32
    %sub3A_2288 = vector.broadcast %sub3A_2287 : f32 to vector<16xf32>
    %sub3A_2289 = arith.subf %sub3A_2286, %sub3A_2288 : vector<16xf32>
    %sub3A_2290 = arith.constant 1.000000e+00 : f32
    %sub3A_2291 = vector.broadcast %sub3A_2290 : f32 to vector<16xf32>
    %sub3A_2292 = arith.subf %sub3A_2286, %sub3A_2291 : vector<16xf32>
    %add3A_2293 = arith.constant 5.000000e-01 : f32
    %add3A_2294 = vector.broadcast %add3A_2293 : f32 to vector<16xf32>
    %add3A_2295 = arith.addf %sub3A_2292, %add3A_2294 : vector<16xf32>
    %lt3A_2296 = arith.constant 999 : i32
    %lt3A_2297 = vector.broadcast %lt3A_2296 : i32 to vector<16xi32>
    %lt3A_2298 = arith.cmpi slt, %convert_element_type3A_2284, %lt3A_2297 : vector<16xi32>
    %add3A_2299 = arith.constant 1 : i32
    %add3A_2300 = vector.broadcast %add3A_2299 : i32 to vector<16xi32>
    %add3A_2301 = arith.addi %convert_element_type3A_2284, %add3A_2300 : vector<16xi32>
    %add3A_2302 = arith.constant 496 : i32
    %add3A_2303 = arith.addi %mul3A_2, %add3A_2302 : i32
    %iota3A_2304 = tpu.iota {dimensions = array<i32: 0>} : vector<16xi32>
    %add3A_2305 = vector.broadcast %add3A_2303 : i32 to vector<16xi32>
    %add3A_2306 = arith.addi %add3A_2305, %iota3A_2304 : vector<16xi32>
    %and3A_2307 = arith.constant 1023 : i32
    %and3A_2308 = vector.broadcast %and3A_2307 : i32 to vector<16xi32>
    %and3A_2309 = arith.andi %add3A_2306, %and3A_2308 : vector<16xi32>
    %add3A_2310 = arith.constant 1000 : i32
    %add3A_2311 = vector.broadcast %add3A_2310 : i32 to vector<16xi32>
    %add3A_2312 = arith.addi %add3A_2311, %and3A_2309 : vector<16xi32>
    %lt3A_2313 = arith.constant 0.000000e+00 : f32
    %lt3A_2314 = vector.broadcast %lt3A_2313 : f32 to vector<16xf32>
    %lt3A_2315 = arith.cmpf olt, %sub3A_2289, %lt3A_2314 : vector<16xf32>
    %eq3A_2316 = arith.constant 0.000000e+00 : f32
    %eq3A_2317 = vector.broadcast %eq3A_2316 : f32 to vector<16xf32>
    %eq3A_2318 = arith.cmpf oeq, %sub3A_2289, %eq3A_2317 : vector<16xf32>
    %add3A_2319 = arith.constant 2048 : i32
    %add3A_2320 = vector.broadcast %add3A_2319 : i32 to vector<16xi32>
    %add3A_2321 = arith.addi %convert_element_type3A_2284, %add3A_2320 : vector<16xi32>
    %select_n3A_2322 = arith.select %eq3A_2318, %add3A_2321, %add3A_2312 : vector<16xi1>, vector<16xi32>
    %select_n3A_2323 = arith.select %lt3A_2315, %convert_element_type3A_2284, %select_n3A_2322 : vector<16xi1>, vector<16xi32>
    %gt3A_2324 = arith.constant 0.000000e+00 : f32
    %gt3A_2325 = vector.broadcast %gt3A_2324 : f32 to vector<16xf32>
    %gt3A_2326 = arith.cmpf ogt, %add3A_2295, %gt3A_2325 : vector<16xf32>
    %and3A_2327 = arith.andi %lt3A_2298, %gt3A_2326 : vector<16xi1>
    %eq3A_2328 = arith.constant 0.000000e+00 : f32
    %eq3A_2329 = vector.broadcast %eq3A_2328 : f32 to vector<16xf32>
    %eq3A_2330 = arith.cmpf oeq, %add3A_2295, %eq3A_2329 : vector<16xf32>
    %and3A_2331 = arith.andi %lt3A_2298, %eq3A_2330 : vector<16xi1>
    %add3A_2332 = arith.constant 2048 : i32
    %add3A_2333 = vector.broadcast %add3A_2332 : i32 to vector<16xi32>
    %add3A_2334 = arith.addi %add3A_2301, %add3A_2333 : vector<16xi32>
    %select_n3A_2335 = arith.select %and3A_2331, %add3A_2334, %add3A_2312 : vector<16xi1>, vector<16xi32>
    %select_n3A_2336 = arith.select %and3A_2327, %add3A_2301, %select_n3A_2335 : vector<16xi1>, vector<16xi32>
    %swap3A_2337 = arith.constant 3 : i32
    %swap3A_2338 = arith.index_cast %swap3A_2337 : i32 to index
    %swap3A_2339 = arith.constant 112 : index
    %swap3A_2340 = tpu.vector_load %arg6[%swap3A_2338, %swap3A_2339] {strides = array<i32>} : memref<4x128xi32, #tpu.memory_space<vmem>>, vector<1x16xi32>,
    %swap3A_2341 = vector.shape_cast %swap3A_2340 : vector<1x16xi32> to vector<16xi32>
    %swap3A_2342 = vector.shape_cast %select_n3A_2323 : vector<16xi32> to vector<1x16xi32>
    tpu.vector_store %arg6[%swap3A_2338, %swap3A_2339], %swap3A_2342 {strides = array<i32>} : memref<4x128xi32, #tpu.memory_space<vmem>>, vector<1x16xi32>,
    %swap3A_2343 = arith.constant 3 : i32
    %swap3A_2344 = arith.index_cast %swap3A_2343 : i32 to index
    %swap3A_2345 = arith.constant 112 : index
    %swap3A_2346 = tpu.vector_load %arg7[%swap3A_2344, %swap3A_2345] {strides = array<i32>} : memref<4x128xi32, #tpu.memory_space<vmem>>, vector<1x16xi32>,
    %swap3A_2347 = vector.shape_cast %swap3A_2346 : vector<1x16xi32> to vector<16xi32>
    %swap3A_2348 = vector.shape_cast %select_n3A_2336 : vector<16xi32> to vector<1x16xi32>
    tpu.vector_store %arg7[%swap3A_2344, %swap3A_2345], %swap3A_2348 {strides = array<i32>} : memref<4x128xi32, #tpu.memory_space<vmem>>, vector<1x16xi32>,
    %dma_start3A_2349 = arith.constant 3 : i32
    %dma_start3A_2350 = arith.constant 384 : i32
    %dma_start3A_2351 = arith.constant 0 : i32
    %dma_start3A_2352 = tpu.memref_slice %arg8[%dma_start3A_2350, %dma_start3A_2351] : memref<512x16xf32, #tpu.memory_space<vmem>> -> memref<128x16xf32, #tpu.memory_space<vmem>>
    %dma_start3A_2353 = arith.constant 0 : i32
    %dma_start3A_2354 = tpu.memref_slice %arg6[%dma_start3A_2349, %dma_start3A_2353] : memref<4x128xi32, #tpu.memory_space<vmem>> -> memref<1x128xi32, #tpu.memory_space<vmem>>
    %dma_start3A_2355 = tpu.memref_squeeze %dma_start3A_2354 : memref<1x128xi32, #tpu.memory_space<vmem>> -> memref<128xi32, #tpu.memory_space<vmem>>
    %dma_start3A_2356 = arith.constant 0 : i32
    %dma_start3A_2357 = arith.constant 0 : i32
    %dma_start3A_2358 = tpu.memref_slice %arg3[%dma_start3A_2356, %dma_start3A_2357] : memref<4096x16xf32, #tpu.memory_space<hbm>> -> memref<4096x16xf32, #tpu.memory_space<hbm>>
    tpu.enqueue_indirect_dma source(%dma_start3A_2358 : memref<4096x16xf32, #tpu.memory_space<hbm>>) target(%dma_start3A_2352 : memref<128x16xf32, #tpu.memory_space<vmem>>) offsets(%dma_start3A_2355 : memref<128xi32, #tpu.memory_space<vmem>>) semaphore(%arg16 : memref<!tpu.dma_semaphore, #tpu.memory_space<semaphore_mem>>)
    %dma_wait3A_2359 = arith.constant 0 : i32
    %dma_wait3A_2360 = arith.constant 0 : i32
    %dma_wait3A_2361 = arith.constant 0 : i32
    %dma_wait3A_2362 = tpu.memref_slice %arg8[%dma_wait3A_2360, %dma_wait3A_2361] : memref<512x16xf32, #tpu.memory_space<vmem>> -> memref<128x16xf32, #tpu.memory_space<vmem>>
    %dma_wait3A_2363 = arith.constant 0 : i32
    %dma_wait3A_2364 = tpu.memref_slice %arg6[%dma_wait3A_2359, %dma_wait3A_2363] : memref<4x128xi32, #tpu.memory_space<vmem>> -> memref<1x128xi32, #tpu.memory_space<vmem>>
    %dma_wait3A_2365 = tpu.memref_squeeze %dma_wait3A_2364 : memref<1x128xi32, #tpu.memory_space<vmem>> -> memref<128xi32, #tpu.memory_space<vmem>>
    %dma_wait3A_2366 = arith.constant 0 : i32
    %dma_wait3A_2367 = arith.constant 0 : i32
    %dma_wait3A_2368 = tpu.memref_slice %arg3[%dma_wait3A_2366, %dma_wait3A_2367] : memref<4096x16xf32, #tpu.memory_space<hbm>> -> memref<4096x16xf32, #tpu.memory_space<hbm>>
    tpu.wait_indirect_dma semaphore(%arg13 : memref<!tpu.dma_semaphore, #tpu.memory_space<semaphore_mem>>) src(%dma_wait3A_2368 : memref<4096x16xf32, #tpu.memory_space<hbm>>) dst(%dma_wait3A_2362 : memref<128x16xf32, #tpu.memory_space<vmem>>)
    %dma_start3A_2369 = arith.constant 0 : i32
    %dma_start3A_2370 = arith.constant 0 : i32
    %dma_start3A_2371 = arith.constant 0 : i32
    %dma_start3A_2372 = tpu.memref_slice %arg8[%dma_start3A_2370, %dma_start3A_2371] : memref<512x16xf32, #tpu.memory_space<vmem>> -> memref<128x16xf32, #tpu.memory_space<vmem>>
    %dma_start3A_2373 = arith.constant 0 : i32
    %dma_start3A_2374 = tpu.memref_slice %arg7[%dma_start3A_2369, %dma_start3A_2373] : memref<4x128xi32, #tpu.memory_space<vmem>> -> memref<1x128xi32, #tpu.memory_space<vmem>>
    %dma_start3A_2375 = tpu.memref_squeeze %dma_start3A_2374 : memref<1x128xi32, #tpu.memory_space<vmem>> -> memref<128xi32, #tpu.memory_space<vmem>>
    %dma_start3A_2376 = arith.constant 0 : i32
    %dma_start3A_2377 = arith.constant 0 : i32
    %dma_start3A_2378 = tpu.memref_slice %arg3[%dma_start3A_2376, %dma_start3A_2377] : memref<4096x16xf32, #tpu.memory_space<hbm>> -> memref<4096x16xf32, #tpu.memory_space<hbm>>
    tpu.enqueue_indirect_dma source(%dma_start3A_2378 : memref<4096x16xf32, #tpu.memory_space<hbm>>) target(%dma_start3A_2372 : memref<128x16xf32, #tpu.memory_space<vmem>>) offsets(%dma_start3A_2375 : memref<128xi32, #tpu.memory_space<vmem>>) semaphore(%arg17 : memref<!tpu.dma_semaphore, #tpu.memory_space<semaphore_mem>>) {add = true}
    %dma_wait3A_2379 = arith.constant 1 : i32
    %dma_wait3A_2380 = arith.constant 128 : i32
    %dma_wait3A_2381 = arith.constant 0 : i32
    %dma_wait3A_2382 = tpu.memref_slice %arg8[%dma_wait3A_2380, %dma_wait3A_2381] : memref<512x16xf32, #tpu.memory_space<vmem>> -> memref<128x16xf32, #tpu.memory_space<vmem>>
    %dma_wait3A_2383 = arith.constant 0 : i32
    %dma_wait3A_2384 = tpu.memref_slice %arg6[%dma_wait3A_2379, %dma_wait3A_2383] : memref<4x128xi32, #tpu.memory_space<vmem>> -> memref<1x128xi32, #tpu.memory_space<vmem>>
    %dma_wait3A_2385 = tpu.memref_squeeze %dma_wait3A_2384 : memref<1x128xi32, #tpu.memory_space<vmem>> -> memref<128xi32, #tpu.memory_space<vmem>>
    %dma_wait3A_2386 = arith.constant 0 : i32
    %dma_wait3A_2387 = arith.constant 0 : i32
    %dma_wait3A_2388 = tpu.memref_slice %arg3[%dma_wait3A_2386, %dma_wait3A_2387] : memref<4096x16xf32, #tpu.memory_space<hbm>> -> memref<4096x16xf32, #tpu.memory_space<hbm>>
    tpu.wait_indirect_dma semaphore(%arg14 : memref<!tpu.dma_semaphore, #tpu.memory_space<semaphore_mem>>) src(%dma_wait3A_2388 : memref<4096x16xf32, #tpu.memory_space<hbm>>) dst(%dma_wait3A_2382 : memref<128x16xf32, #tpu.memory_space<vmem>>)
    %dma_start3A_2389 = arith.constant 1 : i32
    %dma_start3A_2390 = arith.constant 128 : i32
    %dma_start3A_2391 = arith.constant 0 : i32
    %dma_start3A_2392 = tpu.memref_slice %arg8[%dma_start3A_2390, %dma_start3A_2391] : memref<512x16xf32, #tpu.memory_space<vmem>> -> memref<128x16xf32, #tpu.memory_space<vmem>>
    %dma_start3A_2393 = arith.constant 0 : i32
    %dma_start3A_2394 = tpu.memref_slice %arg7[%dma_start3A_2389, %dma_start3A_2393] : memref<4x128xi32, #tpu.memory_space<vmem>> -> memref<1x128xi32, #tpu.memory_space<vmem>>
    %dma_start3A_2395 = tpu.memref_squeeze %dma_start3A_2394 : memref<1x128xi32, #tpu.memory_space<vmem>> -> memref<128xi32, #tpu.memory_space<vmem>>
    %dma_start3A_2396 = arith.constant 0 : i32
    %dma_start3A_2397 = arith.constant 0 : i32
    %dma_start3A_2398 = tpu.memref_slice %arg3[%dma_start3A_2396, %dma_start3A_2397] : memref<4096x16xf32, #tpu.memory_space<hbm>> -> memref<4096x16xf32, #tpu.memory_space<hbm>>
    tpu.enqueue_indirect_dma source(%dma_start3A_2398 : memref<4096x16xf32, #tpu.memory_space<hbm>>) target(%dma_start3A_2392 : memref<128x16xf32, #tpu.memory_space<vmem>>) offsets(%dma_start3A_2395 : memref<128xi32, #tpu.memory_space<vmem>>) semaphore(%arg18 : memref<!tpu.dma_semaphore, #tpu.memory_space<semaphore_mem>>) {add = true}
    %dma_wait3A_2399 = arith.constant 2 : i32
    %dma_wait3A_2400 = arith.constant 256 : i32
    %dma_wait3A_2401 = arith.constant 0 : i32
    %dma_wait3A_2402 = tpu.memref_slice %arg8[%dma_wait3A_2400, %dma_wait3A_2401] : memref<512x16xf32, #tpu.memory_space<vmem>> -> memref<128x16xf32, #tpu.memory_space<vmem>>
    %dma_wait3A_2403 = arith.constant 0 : i32
    %dma_wait3A_2404 = tpu.memref_slice %arg6[%dma_wait3A_2399, %dma_wait3A_2403] : memref<4x128xi32, #tpu.memory_space<vmem>> -> memref<1x128xi32, #tpu.memory_space<vmem>>
    %dma_wait3A_2405 = tpu.memref_squeeze %dma_wait3A_2404 : memref<1x128xi32, #tpu.memory_space<vmem>> -> memref<128xi32, #tpu.memory_space<vmem>>
    %dma_wait3A_2406 = arith.constant 0 : i32
    %dma_wait3A_2407 = arith.constant 0 : i32
    %dma_wait3A_2408 = tpu.memref_slice %arg3[%dma_wait3A_2406, %dma_wait3A_2407] : memref<4096x16xf32, #tpu.memory_space<hbm>> -> memref<4096x16xf32, #tpu.memory_space<hbm>>
    tpu.wait_indirect_dma semaphore(%arg15 : memref<!tpu.dma_semaphore, #tpu.memory_space<semaphore_mem>>) src(%dma_wait3A_2408 : memref<4096x16xf32, #tpu.memory_space<hbm>>) dst(%dma_wait3A_2402 : memref<128x16xf32, #tpu.memory_space<vmem>>)
    %dma_start3A_2409 = arith.constant 2 : i32
    %dma_start3A_2410 = arith.constant 256 : i32
    %dma_start3A_2411 = arith.constant 0 : i32
    %dma_start3A_2412 = tpu.memref_slice %arg8[%dma_start3A_2410, %dma_start3A_2411] : memref<512x16xf32, #tpu.memory_space<vmem>> -> memref<128x16xf32, #tpu.memory_space<vmem>>
    %dma_start3A_2413 = arith.constant 0 : i32
    %dma_start3A_2414 = tpu.memref_slice %arg7[%dma_start3A_2409, %dma_start3A_2413] : memref<4x128xi32, #tpu.memory_space<vmem>> -> memref<1x128xi32, #tpu.memory_space<vmem>>
    %dma_start3A_2415 = tpu.memref_squeeze %dma_start3A_2414 : memref<1x128xi32, #tpu.memory_space<vmem>> -> memref<128xi32, #tpu.memory_space<vmem>>
    %dma_start3A_2416 = arith.constant 0 : i32
    %dma_start3A_2417 = arith.constant 0 : i32
    %dma_start3A_2418 = tpu.memref_slice %arg3[%dma_start3A_2416, %dma_start3A_2417] : memref<4096x16xf32, #tpu.memory_space<hbm>> -> memref<4096x16xf32, #tpu.memory_space<hbm>>
    tpu.enqueue_indirect_dma source(%dma_start3A_2418 : memref<4096x16xf32, #tpu.memory_space<hbm>>) target(%dma_start3A_2412 : memref<128x16xf32, #tpu.memory_space<vmem>>) offsets(%dma_start3A_2415 : memref<128xi32, #tpu.memory_space<vmem>>) semaphore(%arg19 : memref<!tpu.dma_semaphore, #tpu.memory_space<semaphore_mem>>) {add = true}
    %dma_wait3A_2419 = arith.constant 3 : i32
    %dma_wait3A_2420 = arith.constant 384 : i32
    %dma_wait3A_2421 = arith.constant 0 : i32
    %dma_wait3A_2422 = tpu.memref_slice %arg8[%dma_wait3A_2420, %dma_wait3A_2421] : memref<512x16xf32, #tpu.memory_space<vmem>> -> memref<128x16xf32, #tpu.memory_space<vmem>>
    %dma_wait3A_2423 = arith.constant 0 : i32
    %dma_wait3A_2424 = tpu.memref_slice %arg6[%dma_wait3A_2419, %dma_wait3A_2423] : memref<4x128xi32, #tpu.memory_space<vmem>> -> memref<1x128xi32, #tpu.memory_space<vmem>>
    %dma_wait3A_2425 = tpu.memref_squeeze %dma_wait3A_2424 : memref<1x128xi32, #tpu.memory_space<vmem>> -> memref<128xi32, #tpu.memory_space<vmem>>
    %dma_wait3A_2426 = arith.constant 0 : i32
    %dma_wait3A_2427 = arith.constant 0 : i32
    %dma_wait3A_2428 = tpu.memref_slice %arg3[%dma_wait3A_2426, %dma_wait3A_2427] : memref<4096x16xf32, #tpu.memory_space<hbm>> -> memref<4096x16xf32, #tpu.memory_space<hbm>>
    tpu.wait_indirect_dma semaphore(%arg16 : memref<!tpu.dma_semaphore, #tpu.memory_space<semaphore_mem>>) src(%dma_wait3A_2428 : memref<4096x16xf32, #tpu.memory_space<hbm>>) dst(%dma_wait3A_2422 : memref<128x16xf32, #tpu.memory_space<vmem>>)
    %dma_start3A_2429 = arith.constant 3 : i32
    %dma_start3A_2430 = arith.constant 384 : i32
    %dma_start3A_2431 = arith.constant 0 : i32
    %dma_start3A_2432 = tpu.memref_slice %arg8[%dma_start3A_2430, %dma_start3A_2431] : memref<512x16xf32, #tpu.memory_space<vmem>> -> memref<128x16xf32, #tpu.memory_space<vmem>>
    %dma_start3A_2433 = arith.constant 0 : i32
    %dma_start3A_2434 = tpu.memref_slice %arg7[%dma_start3A_2429, %dma_start3A_2433] : memref<4x128xi32, #tpu.memory_space<vmem>> -> memref<1x128xi32, #tpu.memory_space<vmem>>
    %dma_start3A_2435 = tpu.memref_squeeze %dma_start3A_2434 : memref<1x128xi32, #tpu.memory_space<vmem>> -> memref<128xi32, #tpu.memory_space<vmem>>
    %dma_start3A_2436 = arith.constant 0 : i32
    %dma_start3A_2437 = arith.constant 0 : i32
    %dma_start3A_2438 = tpu.memref_slice %arg3[%dma_start3A_2436, %dma_start3A_2437] : memref<4096x16xf32, #tpu.memory_space<hbm>> -> memref<4096x16xf32, #tpu.memory_space<hbm>>
    tpu.enqueue_indirect_dma source(%dma_start3A_2438 : memref<4096x16xf32, #tpu.memory_space<hbm>>) target(%dma_start3A_2432 : memref<128x16xf32, #tpu.memory_space<vmem>>) offsets(%dma_start3A_2435 : memref<128xi32, #tpu.memory_space<vmem>>) semaphore(%arg20 : memref<!tpu.dma_semaphore, #tpu.memory_space<semaphore_mem>>) {add = true}
    %dma_wait3A_2439 = arith.constant 0 : i32
    %dma_wait3A_2440 = arith.constant 0 : i32
    %dma_wait3A_2441 = arith.constant 0 : i32
    %dma_wait3A_2442 = tpu.memref_slice %arg8[%dma_wait3A_2440, %dma_wait3A_2441] : memref<512x16xf32, #tpu.memory_space<vmem>> -> memref<128x16xf32, #tpu.memory_space<vmem>>
    %dma_wait3A_2443 = arith.constant 0 : i32
    %dma_wait3A_2444 = tpu.memref_slice %arg7[%dma_wait3A_2439, %dma_wait3A_2443] : memref<4x128xi32, #tpu.memory_space<vmem>> -> memref<1x128xi32, #tpu.memory_space<vmem>>
    %dma_wait3A_2445 = tpu.memref_squeeze %dma_wait3A_2444 : memref<1x128xi32, #tpu.memory_space<vmem>> -> memref<128xi32, #tpu.memory_space<vmem>>
    %dma_wait3A_2446 = arith.constant 0 : i32
    %dma_wait3A_2447 = arith.constant 0 : i32
    %dma_wait3A_2448 = tpu.memref_slice %arg3[%dma_wait3A_2446, %dma_wait3A_2447] : memref<4096x16xf32, #tpu.memory_space<hbm>> -> memref<4096x16xf32, #tpu.memory_space<hbm>>
    tpu.wait_indirect_dma semaphore(%arg17 : memref<!tpu.dma_semaphore, #tpu.memory_space<semaphore_mem>>) src(%dma_wait3A_2448 : memref<4096x16xf32, #tpu.memory_space<hbm>>) dst(%dma_wait3A_2442 : memref<128x16xf32, #tpu.memory_space<vmem>>)
    %add3A_2449 = arith.constant 0 : i32
    %add3A_2450 = arith.addi %mul3A_2, %add3A_2449 : i32
    %dma_start3A_2451 = arith.constant 0 : i32
    %dma_start3A_2452 = arith.constant 0 : i32
    %dma_start3A_2453 = tpu.memref_slice %arg8[%dma_start3A_2451, %dma_start3A_2452] : memref<512x16xf32, #tpu.memory_space<vmem>> -> memref<128x16xf32, #tpu.memory_space<vmem>>
    %dma_start3A_2454 = arith.constant 0 : i32
    %dma_start3A_2455 = tpu.memref_slice %arg4[%add3A_2450, %dma_start3A_2454] : memref<16384x16xf32, #tpu.memory_space<hbm>> -> memref<128x16xf32, #tpu.memory_space<hbm>>
    %dma_start3A_2456 = arith.constant 0 : i32
    %dma_start3A_2457 = tpu.memref_slice %arg4[%add3A_2450, %dma_start3A_2456] : memref<16384x16xf32, #tpu.memory_space<hbm>> -> memref<128x16xf32, #tpu.memory_space<hbm>>
    %dma_start3A_2458 = arith.constant 0 : i32
    %dma_start3A_2459 = arith.constant 0 : i32
    %dma_start3A_2460 = tpu.memref_slice %arg8[%dma_start3A_2458, %dma_start3A_2459] : memref<512x16xf32, #tpu.memory_space<vmem>> -> memref<128x16xf32, #tpu.memory_space<vmem>>
    tpu.enqueue_dma source(%dma_start3A_2460 : memref<128x16xf32, #tpu.memory_space<vmem>>) target(%dma_start3A_2457 : memref<128x16xf32, #tpu.memory_space<hbm>>) target_semaphore(%arg21 : memref<!tpu.dma_semaphore, #tpu.memory_space<semaphore_mem>>)
    %dma_wait3A_2461 = arith.constant 1 : i32
    %dma_wait3A_2462 = arith.constant 128 : i32
    %dma_wait3A_2463 = arith.constant 0 : i32
    %dma_wait3A_2464 = tpu.memref_slice %arg8[%dma_wait3A_2462, %dma_wait3A_2463] : memref<512x16xf32, #tpu.memory_space<vmem>> -> memref<128x16xf32, #tpu.memory_space<vmem>>
    %dma_wait3A_2465 = arith.constant 0 : i32
    %dma_wait3A_2466 = tpu.memref_slice %arg7[%dma_wait3A_2461, %dma_wait3A_2465] : memref<4x128xi32, #tpu.memory_space<vmem>> -> memref<1x128xi32, #tpu.memory_space<vmem>>
    %dma_wait3A_2467 = tpu.memref_squeeze %dma_wait3A_2466 : memref<1x128xi32, #tpu.memory_space<vmem>> -> memref<128xi32, #tpu.memory_space<vmem>>
    %dma_wait3A_2468 = arith.constant 0 : i32
    %dma_wait3A_2469 = arith.constant 0 : i32
    %dma_wait3A_2470 = tpu.memref_slice %arg3[%dma_wait3A_2468, %dma_wait3A_2469] : memref<4096x16xf32, #tpu.memory_space<hbm>> -> memref<4096x16xf32, #tpu.memory_space<hbm>>
    tpu.wait_indirect_dma semaphore(%arg18 : memref<!tpu.dma_semaphore, #tpu.memory_space<semaphore_mem>>) src(%dma_wait3A_2470 : memref<4096x16xf32, #tpu.memory_space<hbm>>) dst(%dma_wait3A_2464 : memref<128x16xf32, #tpu.memory_space<vmem>>)
    %add3A_2471 = arith.constant 128 : i32
    %add3A_2472 = arith.addi %mul3A_2, %add3A_2471 : i32
    %dma_start3A_2473 = arith.constant 128 : i32
    %dma_start3A_2474 = arith.constant 0 : i32
    %dma_start3A_2475 = tpu.memref_slice %arg8[%dma_start3A_2473, %dma_start3A_2474] : memref<512x16xf32, #tpu.memory_space<vmem>> -> memref<128x16xf32, #tpu.memory_space<vmem>>
    %dma_start3A_2476 = arith.constant 0 : i32
    %dma_start3A_2477 = tpu.memref_slice %arg4[%add3A_2472, %dma_start3A_2476] : memref<16384x16xf32, #tpu.memory_space<hbm>> -> memref<128x16xf32, #tpu.memory_space<hbm>>
    %dma_start3A_2478 = arith.constant 0 : i32
    %dma_start3A_2479 = tpu.memref_slice %arg4[%add3A_2472, %dma_start3A_2478] : memref<16384x16xf32, #tpu.memory_space<hbm>> -> memref<128x16xf32, #tpu.memory_space<hbm>>
    %dma_start3A_2480 = arith.constant 128 : i32
    %dma_start3A_2481 = arith.constant 0 : i32
    %dma_start3A_2482 = tpu.memref_slice %arg8[%dma_start3A_2480, %dma_start3A_2481] : memref<512x16xf32, #tpu.memory_space<vmem>> -> memref<128x16xf32, #tpu.memory_space<vmem>>
    tpu.enqueue_dma source(%dma_start3A_2482 : memref<128x16xf32, #tpu.memory_space<vmem>>) target(%dma_start3A_2479 : memref<128x16xf32, #tpu.memory_space<hbm>>) target_semaphore(%arg21 : memref<!tpu.dma_semaphore, #tpu.memory_space<semaphore_mem>>)
    %dma_wait3A_2483 = arith.constant 2 : i32
    %dma_wait3A_2484 = arith.constant 256 : i32
    %dma_wait3A_2485 = arith.constant 0 : i32
    %dma_wait3A_2486 = tpu.memref_slice %arg8[%dma_wait3A_2484, %dma_wait3A_2485] : memref<512x16xf32, #tpu.memory_space<vmem>> -> memref<128x16xf32, #tpu.memory_space<vmem>>
    %dma_wait3A_2487 = arith.constant 0 : i32
    %dma_wait3A_2488 = tpu.memref_slice %arg7[%dma_wait3A_2483, %dma_wait3A_2487] : memref<4x128xi32, #tpu.memory_space<vmem>> -> memref<1x128xi32, #tpu.memory_space<vmem>>
    %dma_wait3A_2489 = tpu.memref_squeeze %dma_wait3A_2488 : memref<1x128xi32, #tpu.memory_space<vmem>> -> memref<128xi32, #tpu.memory_space<vmem>>
    %dma_wait3A_2490 = arith.constant 0 : i32
    %dma_wait3A_2491 = arith.constant 0 : i32
    %dma_wait3A_2492 = tpu.memref_slice %arg3[%dma_wait3A_2490, %dma_wait3A_2491] : memref<4096x16xf32, #tpu.memory_space<hbm>> -> memref<4096x16xf32, #tpu.memory_space<hbm>>
    tpu.wait_indirect_dma semaphore(%arg19 : memref<!tpu.dma_semaphore, #tpu.memory_space<semaphore_mem>>) src(%dma_wait3A_2492 : memref<4096x16xf32, #tpu.memory_space<hbm>>) dst(%dma_wait3A_2486 : memref<128x16xf32, #tpu.memory_space<vmem>>)
    %add3A_2493 = arith.constant 256 : i32
    %add3A_2494 = arith.addi %mul3A_2, %add3A_2493 : i32
    %dma_start3A_2495 = arith.constant 256 : i32
    %dma_start3A_2496 = arith.constant 0 : i32
    %dma_start3A_2497 = tpu.memref_slice %arg8[%dma_start3A_2495, %dma_start3A_2496] : memref<512x16xf32, #tpu.memory_space<vmem>> -> memref<128x16xf32, #tpu.memory_space<vmem>>
    %dma_start3A_2498 = arith.constant 0 : i32
    %dma_start3A_2499 = tpu.memref_slice %arg4[%add3A_2494, %dma_start3A_2498] : memref<16384x16xf32, #tpu.memory_space<hbm>> -> memref<128x16xf32, #tpu.memory_space<hbm>>
    %dma_start3A_2500 = arith.constant 0 : i32
    %dma_start3A_2501 = tpu.memref_slice %arg4[%add3A_2494, %dma_start3A_2500] : memref<16384x16xf32, #tpu.memory_space<hbm>> -> memref<128x16xf32, #tpu.memory_space<hbm>>
    %dma_start3A_2502 = arith.constant 256 : i32
    %dma_start3A_2503 = arith.constant 0 : i32
    %dma_start3A_2504 = tpu.memref_slice %arg8[%dma_start3A_2502, %dma_start3A_2503] : memref<512x16xf32, #tpu.memory_space<vmem>> -> memref<128x16xf32, #tpu.memory_space<vmem>>
    tpu.enqueue_dma source(%dma_start3A_2504 : memref<128x16xf32, #tpu.memory_space<vmem>>) target(%dma_start3A_2501 : memref<128x16xf32, #tpu.memory_space<hbm>>) target_semaphore(%arg21 : memref<!tpu.dma_semaphore, #tpu.memory_space<semaphore_mem>>)
    %dma_wait3A_2505 = arith.constant 3 : i32
    %dma_wait3A_2506 = arith.constant 384 : i32
    %dma_wait3A_2507 = arith.constant 0 : i32
    %dma_wait3A_2508 = tpu.memref_slice %arg8[%dma_wait3A_2506, %dma_wait3A_2507] : memref<512x16xf32, #tpu.memory_space<vmem>> -> memref<128x16xf32, #tpu.memory_space<vmem>>
    %dma_wait3A_2509 = arith.constant 0 : i32
    %dma_wait3A_2510 = tpu.memref_slice %arg7[%dma_wait3A_2505, %dma_wait3A_2509] : memref<4x128xi32, #tpu.memory_space<vmem>> -> memref<1x128xi32, #tpu.memory_space<vmem>>
    %dma_wait3A_2511 = tpu.memref_squeeze %dma_wait3A_2510 : memref<1x128xi32, #tpu.memory_space<vmem>> -> memref<128xi32, #tpu.memory_space<vmem>>
    %dma_wait3A_2512 = arith.constant 0 : i32
    %dma_wait3A_2513 = arith.constant 0 : i32
    %dma_wait3A_2514 = tpu.memref_slice %arg3[%dma_wait3A_2512, %dma_wait3A_2513] : memref<4096x16xf32, #tpu.memory_space<hbm>> -> memref<4096x16xf32, #tpu.memory_space<hbm>>
    tpu.wait_indirect_dma semaphore(%arg20 : memref<!tpu.dma_semaphore, #tpu.memory_space<semaphore_mem>>) src(%dma_wait3A_2514 : memref<4096x16xf32, #tpu.memory_space<hbm>>) dst(%dma_wait3A_2508 : memref<128x16xf32, #tpu.memory_space<vmem>>)
    %add3A_2515 = arith.constant 384 : i32
    %add3A_2516 = arith.addi %mul3A_2, %add3A_2515 : i32
    %dma_start3A_2517 = arith.constant 384 : i32
    %dma_start3A_2518 = arith.constant 0 : i32
    %dma_start3A_2519 = tpu.memref_slice %arg8[%dma_start3A_2517, %dma_start3A_2518] : memref<512x16xf32, #tpu.memory_space<vmem>> -> memref<128x16xf32, #tpu.memory_space<vmem>>
    %dma_start3A_2520 = arith.constant 0 : i32
    %dma_start3A_2521 = tpu.memref_slice %arg4[%add3A_2516, %dma_start3A_2520] : memref<16384x16xf32, #tpu.memory_space<hbm>> -> memref<128x16xf32, #tpu.memory_space<hbm>>
    %dma_start3A_2522 = arith.constant 0 : i32
    %dma_start3A_2523 = tpu.memref_slice %arg4[%add3A_2516, %dma_start3A_2522] : memref<16384x16xf32, #tpu.memory_space<hbm>> -> memref<128x16xf32, #tpu.memory_space<hbm>>
    %dma_start3A_2524 = arith.constant 384 : i32
    %dma_start3A_2525 = arith.constant 0 : i32
    %dma_start3A_2526 = tpu.memref_slice %arg8[%dma_start3A_2524, %dma_start3A_2525] : memref<512x16xf32, #tpu.memory_space<vmem>> -> memref<128x16xf32, #tpu.memory_space<vmem>>
    tpu.enqueue_dma source(%dma_start3A_2526 : memref<128x16xf32, #tpu.memory_space<vmem>>) target(%dma_start3A_2523 : memref<128x16xf32, #tpu.memory_space<hbm>>) target_semaphore(%arg21 : memref<!tpu.dma_semaphore, #tpu.memory_space<semaphore_mem>>)
    %dma_wait3A_2527 = arith.constant 0 : i32
    %dma_wait3A_2528 = arith.constant 0 : i32
    %dma_wait3A_2529 = tpu.memref_slice %arg8[%dma_wait3A_2527, %dma_wait3A_2528] : memref<512x16xf32, #tpu.memory_space<vmem>> -> memref<128x16xf32, #tpu.memory_space<vmem>>
    %dma_wait3A_2530 = arith.constant 0 : i32
    %dma_wait3A_2531 = tpu.memref_slice %arg4[%add3A_2450, %dma_wait3A_2530] : memref<16384x16xf32, #tpu.memory_space<hbm>> -> memref<128x16xf32, #tpu.memory_space<hbm>>
    %dma_wait3A_2532 = arith.constant 0 : i32
    %dma_wait3A_2533 = tpu.memref_slice %arg4[%add3A_2450, %dma_wait3A_2532] : memref<16384x16xf32, #tpu.memory_space<hbm>> -> memref<128x16xf32, #tpu.memory_space<hbm>>
    %dma_wait3A_2534 = arith.constant 0 : i32
    %dma_wait3A_2535 = arith.constant 0 : i32
    %dma_wait3A_2536 = tpu.memref_slice %arg8[%dma_wait3A_2534, %dma_wait3A_2535] : memref<512x16xf32, #tpu.memory_space<vmem>> -> memref<128x16xf32, #tpu.memory_space<vmem>>
    tpu.wait_dma2 semaphore(%arg21 : memref<!tpu.dma_semaphore, #tpu.memory_space<semaphore_mem>>) src(%dma_wait3A_2536 : memref<128x16xf32, #tpu.memory_space<vmem>>) dst(%dma_wait3A_2533 : memref<128x16xf32, #tpu.memory_space<hbm>>)
    %dma_wait3A_2537 = arith.constant 128 : i32
    %dma_wait3A_2538 = arith.constant 0 : i32
    %dma_wait3A_2539 = tpu.memref_slice %arg8[%dma_wait3A_2537, %dma_wait3A_2538] : memref<512x16xf32, #tpu.memory_space<vmem>> -> memref<128x16xf32, #tpu.memory_space<vmem>>
    %dma_wait3A_2540 = arith.constant 0 : i32
    %dma_wait3A_2541 = tpu.memref_slice %arg4[%add3A_2472, %dma_wait3A_2540] : memref<16384x16xf32, #tpu.memory_space<hbm>> -> memref<128x16xf32, #tpu.memory_space<hbm>>
    %dma_wait3A_2542 = arith.constant 0 : i32
    %dma_wait3A_2543 = tpu.memref_slice %arg4[%add3A_2472, %dma_wait3A_2542] : memref<16384x16xf32, #tpu.memory_space<hbm>> -> memref<128x16xf32, #tpu.memory_space<hbm>>
    %dma_wait3A_2544 = arith.constant 128 : i32
    %dma_wait3A_2545 = arith.constant 0 : i32
    %dma_wait3A_2546 = tpu.memref_slice %arg8[%dma_wait3A_2544, %dma_wait3A_2545] : memref<512x16xf32, #tpu.memory_space<vmem>> -> memref<128x16xf32, #tpu.memory_space<vmem>>
    tpu.wait_dma2 semaphore(%arg21 : memref<!tpu.dma_semaphore, #tpu.memory_space<semaphore_mem>>) src(%dma_wait3A_2546 : memref<128x16xf32, #tpu.memory_space<vmem>>) dst(%dma_wait3A_2543 : memref<128x16xf32, #tpu.memory_space<hbm>>)
    %dma_wait3A_2547 = arith.constant 256 : i32
    %dma_wait3A_2548 = arith.constant 0 : i32
    %dma_wait3A_2549 = tpu.memref_slice %arg8[%dma_wait3A_2547, %dma_wait3A_2548] : memref<512x16xf32, #tpu.memory_space<vmem>> -> memref<128x16xf32, #tpu.memory_space<vmem>>
    %dma_wait3A_2550 = arith.constant 0 : i32
    %dma_wait3A_2551 = tpu.memref_slice %arg4[%add3A_2494, %dma_wait3A_2550] : memref<16384x16xf32, #tpu.memory_space<hbm>> -> memref<128x16xf32, #tpu.memory_space<hbm>>
    %dma_wait3A_2552 = arith.constant 0 : i32
    %dma_wait3A_2553 = tpu.memref_slice %arg4[%add3A_2494, %dma_wait3A_2552] : memref<16384x16xf32, #tpu.memory_space<hbm>> -> memref<128x16xf32, #tpu.memory_space<hbm>>
    %dma_wait3A_2554 = arith.constant 256 : i32
    %dma_wait3A_2555 = arith.constant 0 : i32
    %dma_wait3A_2556 = tpu.memref_slice %arg8[%dma_wait3A_2554, %dma_wait3A_2555] : memref<512x16xf32, #tpu.memory_space<vmem>> -> memref<128x16xf32, #tpu.memory_space<vmem>>
    tpu.wait_dma2 semaphore(%arg21 : memref<!tpu.dma_semaphore, #tpu.memory_space<semaphore_mem>>) src(%dma_wait3A_2556 : memref<128x16xf32, #tpu.memory_space<vmem>>) dst(%dma_wait3A_2553 : memref<128x16xf32, #tpu.memory_space<hbm>>)
    %dma_wait3A_2557 = arith.constant 384 : i32
    %dma_wait3A_2558 = arith.constant 0 : i32
    %dma_wait3A_2559 = tpu.memref_slice %arg8[%dma_wait3A_2557, %dma_wait3A_2558] : memref<512x16xf32, #tpu.memory_space<vmem>> -> memref<128x16xf32, #tpu.memory_space<vmem>>
    %dma_wait3A_2560 = arith.constant 0 : i32
    %dma_wait3A_2561 = tpu.memref_slice %arg4[%add3A_2516, %dma_wait3A_2560] : memref<16384x16xf32, #tpu.memory_space<hbm>> -> memref<128x16xf32, #tpu.memory_space<hbm>>
    %dma_wait3A_2562 = arith.constant 0 : i32
    %dma_wait3A_2563 = tpu.memref_slice %arg4[%add3A_2516, %dma_wait3A_2562] : memref<16384x16xf32, #tpu.memory_space<hbm>> -> memref<128x16xf32, #tpu.memory_space<hbm>>
    %dma_wait3A_2564 = arith.constant 384 : i32
    %dma_wait3A_2565 = arith.constant 0 : i32
    %dma_wait3A_2566 = tpu.memref_slice %arg8[%dma_wait3A_2564, %dma_wait3A_2565] : memref<512x16xf32, #tpu.memory_space<vmem>> -> memref<128x16xf32, #tpu.memory_space<vmem>>
    tpu.wait_dma2 semaphore(%arg21 : memref<!tpu.dma_semaphore, #tpu.memory_space<semaphore_mem>>) src(%dma_wait3A_2566 : memref<128x16xf32, #tpu.memory_space<vmem>>) dst(%dma_wait3A_2563 : memref<128x16xf32, #tpu.memory_space<hbm>>)
    return
  }
}

</mosaic_0001>

<sc_bundles>
// kernel: kernel.3.cloned.1.call-start
scs
__scs_entry_jumppad:
0x0: {  	(pc) =	sbr.rel $0x88, $3  }
0x1: {  	(tag) =	ssettag $0x0;
	lr =	simm.s32 $0x1  }
0x2: {  	[smem:$0x3F9F] =	sst lr;
	_ =	strace $0xD0000000  }
0x3: {  	_ = 	snop  }
0x4: {  	_ = 	snop  }
0x5: {  	_ = 	snop  }
0x6: {  	_ = 	snop  }
0x7: {  	_ = 	snop  }
__scs_overlays_trampoline_lowered:
0x8: {  	[smem:$0x3FAE] =	sst s0  }
0x9: {  	[smem:$0x3FAF] =	sst s1  }
0xa: {  	[smem:$0x3FB0] =	sst s2  }
0xb: {  	[smem:$0x3FB1] =	sst s3  }
0xc: {  	[smem:$0x3FB2] =	sst s4  }
0xd: {  	[smem:$0x3FB3] =	sst s5  }
0xe: {  	[smem:$0x3FB4] =	sst s6  }
0xf: {  	[smem:$0x3FB5] =	sst s7  }
0x10: {  	[smem:$0x3FB6] =	sst s8  }
0x11: {  	[smem:$0x3FB7] =	sst s9;
	s0 =	simm.s32 @!p0 $0x0  }
0x12: {  	s1 =	sld [smem:$0x3F9D];
	s0 =	simm.s32 @p0 $0x1  }
0x13: {  	[smem:$0x3FB8] =	sst s0;
	s0 =	simm.s32 @!p1 $0x0  }
0x14: {  	s2 =	sld [smem:$0x3F9C];
	s0 =	simm.s32 @p1 $0x1  }
0x15: {  	[smem:$0x3FB9] =	sst s0;
	s0 =	simm.s32 @!p2 $0x0  }
0x16: {  	s3 =	sld [smem:$0x3FDB];
	s0 =	simm.s32 @p2 $0x1  }
0x17: {  	s4 =	simm.s32 $0x1BF5;
	[smem:$0x3FBB] =	sst s0  }
0x18: {  	s0 =	sld [smem:$0x3F9E];
	_ =	swait.ge [sflag:s4], $0x0  }
0x19: {  	s7 =	sld [smem:$0x3F9F]  }
0x1a: {  	s8 =	sadd.s32 $0xFFFFE003, lr  }
0x1b: {  	s9 =	sadd.s32 $0xFFFFFEF7, lr;
	s5 =	simm.s32 $0xFFFFFFFF;
	p2 =	slt.u32 s8, $0xFFFFF086  }
0x1c: {  	p1 =	slt.u32 s9, $0xF7A;
	s5 =	simm.s32 @!p2 $0x0  }
0x1d: {  	s5 =	simm.s32 @p1 $0x1;
	p0 =	seq.s32 s7, s2  }
0x1e: {  	s7 =	smul.u32 @!p0 $0xF7A, s2;
	p2 =	seq.s32 @!p0 s5, $0x0  }
0x1f: {  	s9 =	smul.u32 $0xF7A, s1;
	s8 =	simm.s32 @!p0 $0x1BF5;
	p2 =	por !p2, p0  }
0x20: {  	[sflag:s8] =	ssyncset.s32 @!p0 $0xFFFFF086;
	s6 =	sadd.s32 @!p0 s3, s7;
	s7 =	simm.s32 @!p0 $0x108  }
0x21: {  	s3 =	sadd.s32 s3, s9;
	s6 =	sadd.s32 @!p0 $0x88, s6;
	s7 =	simm.s32 @p2 $0x1082  }
0x22: {  	[simem:s7], [sflag:s8] =	dma.local @!p0 [hbm:s6], $0xF7A  }
0x23: {  	s9 =	sor.u32 $0xD0000000, s2;
	s6 =	simm.s32 $0x108;
	_ =	swait.ge @!p0 [sflag:s8], $0x0  }
0x24: {  	s3 =	sadd.s32 $0x88, s3;
	s6 =	simm.s32 @!p1 $0x1082;
	[sflag:s4] =	ssyncset.s32 $0xFFFFF086  }
0x25: {  	[simem:s6], [sflag:s4] =	dma.local [hbm:s3], $0xF7A  }
0x26: {  	[smem:$0x3F9F] =	sst s1;
	(tag) =	ssettag s2;
	_ =	strace s9  }
0x27: {  	s1 =	sld [smem:$0x3FAF]  }
0x28: {  	s2 =	sld [smem:$0x3FB0]  }
0x29: {  	s4 =	sld [smem:$0x3FB2]  }
0x2a: {  	p0 =	seq.s32 s5, $0x0;
	s5 =	sld [smem:$0x3FB3]  }
0x2b: {  	s6 =	sld [smem:$0x3FB4]  }
0x2c: {  	s7 =	sld [smem:$0x3FB5]  }
0x2d: {  	s3 =	simm.s32 $0x108;
	s8 =	sld [smem:$0x3FB6]  }
0x2e: {  	s3 =	simm.s32 @!p0 $0x1082;
	s9 =	sld [smem:$0x3FB7]  }
0x2f: {  	lr =	sadd.s32 s0, s3;
	s0 =	sld [smem:$0x3FAE]  }
0x30: {  	s3 =	sld [smem:$0x3FB1]  }
0x31: {  	[smem:$0x3FBA] =	sst s10  }
0x32: {  	s10 =	sld [smem:$0x3FB8];
	_ =	sdelay $0x3  }
0x33: {  	p0 =	seq.s32 s10, $0x1;
	s10 =	sld [smem:$0x3FBA];
	_ =	sdelay $0x3  }
0x34: {  	[smem:$0x3FBA] =	sst s10  }
0x35: {  	s10 =	sld [smem:$0x3FB9];
	_ =	sdelay $0x3  }
0x36: {  	p1 =	seq.s32 s10, $0x1;
	s10 =	sld [smem:$0x3FBA];
	_ =	sdelay $0x3  }
0x37: {  	[smem:$0x3FBA] =	sst s10  }
0x38: {  	s10 =	sld [smem:$0x3FBB]  }
0x39: {  	_ = 	snop;
	(pc) =	sbr.ind lr, $3  }
0x3a: {  	_ = 	snop  }
0x3b: {  	_ = 	snop  }
0x3c: {  	p2 =	seq.s32 s10, $0x1;
	s10 =	sld [smem:$0x3FBA]  }
0x3d: {  	_ =	shalt  }
0x3e: {  	_ =	shalt  }
0x3f: {  	_ =	shalt  }
0x40: {  	_ =	shalt  }
0x41: {  	_ =	shalt  }
0x42: {  	_ =	shalt  }
0x43: {  	_ =	shalt  }
0x44: {  	_ =	shalt  }
0x45: {  	_ =	shalt  }
0x46: {  	_ =	shalt  }
0x47: {  	_ =	shalt  }
0x48: {  	_ =	shalt  }
0x49: {  	_ =	shalt  }
0x4a: {  	_ =	shalt  }
0x4b: {  	_ =	shalt  }
0x4c: {  	_ =	shalt  }
0x4d: {  	_ =	shalt  }
0x4e: {  	_ =	shalt  }
0x4f: {  	_ =	shalt  }
0x50: {  	_ =	shalt  }
0x51: {  	_ =	shalt  }
0x52: {  	_ =	shalt  }
0x53: {  	_ =	shalt  }
0x54: {  	_ =	shalt  }
0x55: {  	_ =	shalt  }
0x56: {  	_ =	shalt  }
0x57: {  	_ =	shalt  }
0x58: {  	_ =	shalt  }
0x59: {  	_ =	shalt  }
0x5a: {  	_ =	shalt  }
0x5b: {  	_ =	shalt  }
0x5c: {  	_ =	shalt  }
0x5d: {  	_ =	shalt  }
0x5e: {  	_ =	shalt  }
0x5f: {  	_ =	shalt  }
0x60: {  	_ =	shalt  }
0x61: {  	_ =	shalt  }
0x62: {  	_ =	shalt  }
0x63: {  	_ =	shalt  }
0x64: {  	_ =	shalt  }
0x65: {  	_ =	shalt  }
0x66: {  	_ =	shalt  }
0x67: {  	_ =	shalt  }
0x68: {  	_ =	shalt  }
0x69: {  	_ =	shalt  }
0x6a: {  	_ =	shalt  }
0x6b: {  	_ =	shalt  }
0x6c: {  	_ =	shalt  }
0x6d: {  	_ =	shalt  }
0x6e: {  	_ =	shalt  }
0x6f: {  	_ =	shalt  }
0x70: {  	_ =	shalt  }
0x71: {  	_ =	shalt  }
0x72: {  	_ =	shalt  }
0x73: {  	_ =	shalt  }
0x74: {  	_ =	shalt  }
0x75: {  	_ =	shalt  }
0x76: {  	_ =	shalt  }
0x77: {  	_ =	shalt  }
0x78: {  	_ =	shalt  }
0x79: {  	_ =	shalt  }
0x7a: {  	_ =	shalt  }
0x7b: {  	_ =	shalt  }
0x7c: {  	_ =	shalt  }
0x7d: {  	_ =	shalt  }
0x7e: {  	_ =	shalt  }
0x7f: {  	_ =	shalt  }
0x80: {  	_ =	shalt  }
0x81: {  	_ =	shalt  }
0x82: {  	_ =	shalt  }
0x83: {  	_ =	shalt  }
0x84: {  	_ =	shalt  }
0x85: {  	_ =	shalt  }
0x86: {  	_ =	shalt  }
0x87: {  	_ =	shalt  }
.Lfunc_end0:
.L_simem_size_0:
called_computation_lowered:
.L_overlay_start_0:
0x88: {  	s2 =	sld [smem:$0x3FD9]  }
0x89: {  	s3 =	sld [smem:$0x3FFE];
	_ =	sdelay $0x1  }
0x8a: {  	s1 =	srdreg.scid  }
0x8b: {  	s0 =	sand.u32 $0x1, s1  }
0x8c: {  	s17 =	sshll.u32 s0, $0xA;
	s2 =	sadd.s32 s3, s2  }
0x8d: {  	s2 =	sadd.s32 s2, s17  }
0x8e: {  	[smem:$0x3FC6] =	sst s2  }
0x8f: {  	_ = 	snop  }
0x90: {  	s2 =	sld [smem:$0x3FC9]  }
0x91: {  	s18 =	sld [smem:$0x3FD0];
	(tm) =	ssettm $0x1  }
0x92: {  	s4 =	sld [smem:$0x3FFB];
	_ =	sdelay $0x3  }
0x93: {  	_ =	strace s4  }
0x94: {  	s4 =	sld [smem:$0x3FFC];
	_ =	sdelay $0x3  }
0x95: {  	_ =	strace s4  }
0x96: {  	s4 =	sld [smem:$0x3FFD];
	_ =	sdelay $0x3  }
0x97: {  	_ =	strace s4  }
0x98: {  	_ =	strace $0x8FFFFFFF  }
0x99: {  	s19 =	sld [smem:$0x3FDB];
	_ =	sdelay $0x1  }
0x9a: {  	s5 =	simm.s32 $_scs_section_size  }
0x9b: {  	s6 =	simm.s32 $_size__tile_overlayer_lowered;
	s7 =	simm.s32 $_tile_overlayer_lowered  }
0x9c: {  	s22 =	simm.s32 $0x1BFF;
	s21 =	sshll.u32 s7, $0x1;
	s4 =	sadd.s32 s5, s19  }
0x9d: {  	s8 =	simm.s32 $0x0;
	s20 =	sshll.u32 s6, $0x1;
	s6 =	sadd.s32 s21, s4  }
0x9e: {  	[timem:s8], [sflag:s22] =	dma.local [hbm:s6], s20  }
0x9f: {  	_ =	swait.ge [sflag:s22], s20  }
0xa0: {  	s5 =	ssub.s32 $0x0, s20;
	[sflag:s22] =	ssyncset.done $0x0  }
0xa1: {  	[sflag:s22] =	ssyncadd.s32 s5;
	_ =	sdelay $0x1  }
0xa2: {  	s23 =	simm.s32 $0x1B8B  }
0xa3: {  	_ =	swait.ge [sflag:s23], $0x1  }
0xa4: {  	[sflag:s23] =	ssyncset.done $0x0  }
0xa5: {  	s25 =	simm.s32 $0x1B8E;
	s24 =	sld [smem:$0x3FFE];
	[sflag:s23] =	ssyncadd.s32 $0xFFFFFFFF  }
0xa6: {  	s26 =	simm.s32 $execute0_lowered;
	[smem:$0x3FD2] =	sst s25  }
0xa7: {  	s6 =	sshll.u32 s26, $0x1;
	_ =	strace $0x80000046;
	[dreg:$0x1] =	wrdreg $0xFFFFFFFF  }
0xa8: {  	s28 =	simm.s32 $_size_execute0_lowered;
	s4 =	sadd.s32 s4, s6;
	[dreg:$0x0] =	wrdreg $0x0  }
0xa9: {  	s6 =	sshll.u32 s28, $0x1;
	[dreg:$0x2] =	wrdreg s4  }
0xaa: {  	[dreg:$0x3] =	wrdreg s6  }
0xab: {  	[dreg:$0x4] =	wrdreg $0xC0  }
0xac: {  	_ =	task [dreg:s8], $0x5FFFF  }
0xad: {  	[dreg:$0x1] =	wrdreg $0xFFFFFFFF  }
0xae: {  	[dreg:$0x0] =	wrdreg $0x60  }
0xaf: {  	[dreg:$0x2] =	wrdreg s2  }
0xb0: {  	[dreg:$0x3] =	wrdreg s24  }
0xb1: {  	[dreg:$0x4] =	wrdreg s18  }
0xb2: {  	[dreg:$0x5] =	wrdreg $0x9  }
0xb3: {  	_ =	task.clear_ibuf [dreg:s8], $0x6FFFF;
	_ =	strace $0x90000046  }
0xb4: {  	s29 =	simm.s32 $0x9;
	_ =	strace $0x80000048  }
0xb5: {  	_ =	swait.ge [sflag:s29], $0x1  }
0xb6: {  	[sflag:s29] =	ssyncadd.s32 $0xFFFFFFFF  }
0xb7: {  	_ =	strace $0x90000048  }
0xb8: {  	_ =	sfence  }
0xb9: {  	s30 =	sld [smem:$0x0];
	_ =	sdelay $0x2  }
0xba: {  	s31 =	sshll.u32 s1, $0xD;
	s1 =	sshrl.u32 s1, $0x2  }
0xbb: {  	s3 =	sand.u32 $0x4000, s31;
	s1 =	sadd.s32 s1, s30  }
0xbc: {  	s0 =	sor.u32 s3, s0;
	s1 =	sshll.u32 s1, $0x11  }
0xbd: {  	s0 =	sor.u32 s1, s0  }
0xbe: {  	s0 =	sadd.s32 $0x8F2B, s0  }
0xbf: {  	[sflag:s0] =	ssyncadd.remote.s32 $0x1  }
0xc0: {  	_ =	sfence.sel $0xFFFF  }
0xc1: {  	[dreg:$0x0] =	wrdreg $0xFFFFFFFF;
	(pc) =	sbr.abs _section_cstart, $3  }
0xc2: {  	[dreg:$0x1] =	wrdreg $0xFFFFFFFF  }
0xc3: {  	_ =	task.clear_ibuf [dreg:s8], $0x2FFFF;
	_ =	strace $0x9FFFFFFF  }
0xc4: {  	(tm) =	ssettm $0x7FFFFFFF  }
0xc5: {  	_ =	shalt  }
tec
execute0_lowered:
.L_overlay_start_1:
0x0: {  	(tag) =	ssettag $0x1  }
0x1: {  	s1 =	srdreg.scid  }
0x2: {  	s0 =	stileid.u32;
	s6 =	sand.u32 $0x1, s1  }
0x3: {  	s23 =	sshll.u32 s0, $0xA;
	s2 =	sshll.u32 s6, $0x9  }
0x4: {  	v29 =	vlaneseq.u32;
	s1 =	sor.u32 s2, s23  }
0x5: {  	s0 =	ssub.s32 $0x2, s6;
	s2 =	sor.u32 $0x10, s1;
	v0 =	vor.u32 s1, v29  }
0x6: {  	s5 =	sor.u32 $0x20, s1;
	s7 =	sor.u32 $0x30, s1;
	s9 =	sor.u32 $0x40, s1;
	v1 =	vor.u32 s2, v29;
	v0 =	vand.u32 $0x20F, v0  }
0x7: {  	s25 =	sor.u32 $0x50, s1;
	s26 =	sor.u32 $0x60, s1;
	s10 =	sor.u32 $0x70, s1;
	v2 =	vor.u32 s5, v29;
	v3 =	vor.u32 s7, v29;
	v4 =	vor.u32 s9, v29  }
0x8: {  	s17 =	sor.u32 $0x90, s1;
	s18 =	sor.u32 $0xA0, s1;
	s21 =	sor.u32 $0xB0, s1;
	v5 =	vor.u32 s25, v29;
	v6 =	vor.u32 s26, v29;
	v7 =	vor.u32 s10, v29  }
0x9: {  	s6 =	sor.u32 $0x180, s1;
	s22 =	sor.u32 $0xC0, s1;
	s14 =	sor.u32 $0xD0, s1;
	v9 =	vor.u32 s17, v29;
	v10 =	vor.u32 s18, v29;
	v11 =	vor.u32 s21, v29  }
0xa: {  	s8 =	rddreg [dreg:$0x0];
	v12 =	vor.u32 s22, v29;
	v13 =	vor.u32 s14, v29;
	v24 =	vor.u32 s6, v29  }
0xb: {  	s3 =	rddreg [dreg:$0x1];
	v1 =	vand.u32 $0x21F, v1;
	v0 =	vadd.s32 $0x3E8, v0;
	v2 =	vand.u32 $0x22F, v2  }
0xc: {  	s4 =	rddreg [dreg:$0x2];
	s5 =	sor.u32 $0x80, s1;
	v3 =	vand.u32 $0x23F, v3;
	v4 =	vand.u32 $0x24F, v4;
	v5 =	vand.u32 $0x25F, v5  }
0xd: {  	s28 =	simm.s32 $0x9;
	s29 =	simm.s32 $0xA;
	s24 =	sshrl.u32 s1, $0x3;
	v6 =	vand.u32 $0x26F, v6;
	v7 =	vand.u32 $0x27F, v7;
	v8 =	vor.u32 s5, v29  }
0xe: {  	s30 =	simm.s32 $0xB;
	s11 =	sadd.s32 s8, s24;
	s24 =	sor.u32 $0xE0, s1;
	v9 =	vand.u32 $0x29F, v9;
	v10 =	vand.u32 $0x2AF, v10;
	v11 =	vand.u32 $0x2BF, v11  }
0xf: {  	s7 =	sor.u32 $0x100, s1;
	s25 =	sor.u32 $0xF0, s1;
	s26 =	sor.u32 $0x110, s1;
	v12 =	vand.u32 $0x2CF, v12;
	v13 =	vand.u32 $0x2DF, v13;
	v14 =	vor.u32 s24, v29  }
0x10: {  	s14 =	sor.u32 $0x140, s1;
	s21 =	sor.u32 $0x160, s1;
	s22 =	sor.u32 $0x170, s1;
	v15 =	vor.u32 s25, v29;
	v16 =	vor.u32 s7, v29;
	v17 =	vor.u32 s26, v29  }
0x11: {  	s31 =	simm.s32 $0xC;
	s17 =	sor.u32 $0x1A0, s1;
	s18 =	sor.u32 $0x1B0, s1;
	v20 =	vor.u32 s14, v29;
	v22 =	vor.u32 s21, v29;
	v23 =	vor.u32 s22, v29  }
0x12: {  	s3 =	sadd.s32 $0x400, s3;
	s15 =	sshrl.u32 s0, $0x1;
	s2 =	simm.s32 $0x0;
	v24 =	vand.u32 $0x38F, v24;
	v26 =	vor.u32 s17, v29;
	v27 =	vor.u32 s18, v29  }
0x13: {  	s20 =	sshrl.u32 s6, $0x3;
	s9 =	simm.s32 $0x600;
	s10 =	simm.s32 $0x2;
	v1 =	vadd.s32 $0x3E8, v1;
	v2 =	vadd.s32 $0x3E8, v2;
	v3 =	vadd.s32 $0x3E8, v3  }
0x14: {  	[smem:$0x7FF] =	sst s2;
	s16 =	sshrl.u32 s5, $0x3;
	s13 =	sshrl.u32 s7, $0x3;
	v4 =	vadd.s32 $0x3E8, v4;
	v5 =	vadd.s32 $0x3E8, v5;
	v6 =	vadd.s32 $0x3E8, v6  }
0x15: {  	s23 =	sadd.s32 s8, s20;
	s20 =	sor.u32 $0x1C0, s1;
	s5 =	sshll.u32 s5, $0x1;
	v7 =	vadd.s32 $0x3E8, v7;
	v8 =	vand.u32 $0x28F, v8;
	v9 =	vadd.s32 $0x3E8, v9  }
0x16: {  	s7 =	sshll.u32 s7, $0x1;
	s25 =	sshll.u32 s6, $0x1;
	s26 =	simm.s32 $0x100;
	v10 =	vadd.s32 $0x3E8, v10;
	v11 =	vadd.s32 $0x3E8, v11;
	v12 =	vadd.s32 $0x3E8, v12  }
0x17: {  	s14 =	simm.s32 $0x300;
	s17 =	simm.s32 $0x380;
	s18 =	simm.s32 $0x1E00;
	v13 =	vadd.s32 $0x3E8, v13;
	v14 =	vand.u32 $0x2EF, v14;
	v15 =	vand.u32 $0x2FF, v15  }
0x18: {  	s21 =	simm.s32 $0x6;
	s22 =	simm.s32 $0x480;
	_ =	strace $0x80000047;
	v16 =	vand.u32 $0x30F, v16;
	v17 =	vand.u32 $0x31F, v17;
	v20 =	vand.u32 $0x34F, v20  }
0x19: {  	[dreg:$0x4] =	wrdreg s11;
	s12 =	sadd.s32 s8, s16;
	s19 =	sadd.s32 s8, s13;
	v22 =	vand.u32 $0x36F, v22;
	v23 =	vand.u32 $0x37F, v23;
	v24 =	vadd.s32 $0x3E8, v24  }
0x1a: {  	s8 =	ssub.s32 s0, s15;
	[dreg:$0x7] =	wrdreg s23;
	s0 =	sor.u32 $0x120, s1;
	v28 =	vor.u32 s20, v29;
	v26 =	vand.u32 $0x3AF, v26;
	v27 =	vand.u32 $0x3BF, v27  }
0x1b: {  	s13 =	sor.u32 $0x130, s1;
	s15 =	sor.u32 $0x150, s1;
	[dreg:$0xc] =	wrdreg s26;
	v8 =	vadd.s32 $0x3E8, v8;
	v14 =	vadd.s32 $0x3E8, v14;
	v15 =	vadd.s32 $0x3E8, v15  }
0x1c: {  	s16 =	sor.u32 $0x190, s1;
	s5 =	sadd.s32 s4, s5;
	[dreg:$0x5] =	wrdreg s12;
	v16 =	vadd.s32 $0x3E8, v16;
	v18 =	vor.u32 s0, v29;
	v19 =	vor.u32 s13, v29  }
0x1d: {  	s24 =	sadd.s32 s4, s7;
	s7 =	simm.s32 $0x1;
	[dreg:$0x6] =	wrdreg s19;
	v17 =	vadd.s32 $0x3E8, v17;
	v21 =	vor.u32 s15, v29;
	v20 =	vadd.s32 $0x3E8, v20  }
0x1e: {  	s11 =	simm.s32 $0x280;
	s20 =	simm.s32 $0x400;
	[dreg:$0x9] =	wrdreg s5;
	v22 =	vadd.s32 $0x3E8, v22;
	v25 =	vor.u32 s16, v29;
	v23 =	vadd.s32 $0x3E8, v23  }
0x1f: {  	s26 =	simm.s32 $0x580;
	s19 =	sshll.u32 s1, $0x1;
	[dreg:$0xa] =	wrdreg s24;
	v28 =	vand.u32 $0x3CF, v28;
	v26 =	vadd.s32 $0x3E8, v26;
	v27 =	vadd.s32 $0x3E8, v27  }
0x20: {  	s24 =	sor.u32 $0x1E0, s1;
	s5 =	simm.s32 $0x80;
	s12 =	simm.s32 $0xE00;
	v18 =	vand.u32 $0x32F, v18;
	v19 =	vand.u32 $0x33F, v19;
	v21 =	vand.u32 $0x35F, v21  }
0x21: {  	s13 =	simm.s32 $0x3;
	s15 =	simm.s32 $0x1600;
	s23 =	sadd.s32 s4, s19;
	v25 =	vand.u32 $0x39F, v25;
	v28 =	vadd.s32 $0x3E8, v28;
	v31 =	vor.u32 s24, v29  }
0x22: {  	[dreg:$0x8] =	wrdreg s23;
	v18 =	vadd.s32 $0x3E8, v18;
	v19 =	vadd.s32 $0x3E8, v19;
	s23 =	sor.u32 $0x1D0, s1;
	s1 =	sor.u32 $0x1F0, s1;
	v21 =	vadd.s32 $0x3E8, v21  }
0x23: {  	s16 =	simm.s32 $0x4;
	s4 =	sadd.s32 s4, s25;
	s19 =	simm.s32 $0x5;
	v25 =	vadd.s32 $0x3E8, v25;
	v30 =	vor.u32 s23, v29;
	v29 =	vor.u32 s1, v29  }
0x24: {  	s24 =	simm.s32 $0x500;
	s25 =	simm.s32 $0x8;
	[dreg:$0xb] =	wrdreg s4;
	v31 =	vand.u32 $0x3EF, v31;
	v30 =	vand.u32 $0x3DF, v30;
	v32 =	vand.u32 $0x3FF, v29  }
0x25: {  	s4 =	smax.u32 s8, $0x1;
	s23 =	simm.s32 $0x7;
	s1 =	simm.s32 $0xD;
	v29 =	vadd.s32 $0x3E8, v30;
	v30 =	vadd.s32 $0x3E8, v31;
	v31 =	vadd.s32 $0x3E8, v32  }
.LBB2_1:
0x26: {  	s0 =	rddreg [dreg:$0x4]  }
0x27: {  	s6 =	rddreg [dreg:$0x6]  }
0x28: {  	[tilespmem:s2], [sflag:$0x1] =	stream.linear.gather [hbm4b:s0+s2], $0x80, $0x38;
	[tilespmem:$0x2600] =	vst v63  }
0x29: {  	s0 =	rddreg [dreg:$0x5]  }
0x2a: {  	[tilespmem:s5], [sflag:$0x2] =	stream.linear.gather [hbm4b:s0+s2], $0x80, $0x38;
	[tilespmem:$0x2600] =	vst v63  }
0x2b: {  	s8 =	rddreg [dreg:$0xc]  }
0x2c: {  	[tilespmem:s8], [sflag:$0x3] =	stream.linear.gather [hbm4b:s6+s2], $0x80, $0x38;
	[tilespmem:$0x2600] =	vst v63  }
0x2d: {  	s0 =	rddreg [dreg:$0x7];
	s8 =	simm.s32 $0x180  }
0x2e: {  	[tilespmem:s8], [sflag:$0x4] =	stream.linear.gather [hbm4b:s0+s2], $0x80, $0x38;
	[tilespmem:$0x2600] =	vst v63  }
0x2f: {  	_ =	swait.ge [sflag:s7], $0x80  }
0x30: {  	[sflag:s7] =	ssyncset.done $0x0  }
0x31: {  	[sflag:s7] =	ssyncadd.s32 $0xFFFFFF80  }
0x32: {  	v32 =	vld [tilespmem:$0x0]  }
0x33: {  	v34 =	vld [tilespmem:$0x10]  }
0x34: {  	v37 =	vld [tilespmem:$0x20]  }
0x35: {  	v49 =	vld [tilespmem:$0x30]  }
0x36: {  	v54 =	vld [tilespmem:$0x40]  }
0x37: {  	v44 =	vld [tilespmem:$0x50];
	_ =	sdelay $0x1  }
0x38: {  	v32 =	vmul.f32 $1.000000000e+03, v32  }
0x39: {  	v34 =	vmul.f32 $1.000000000e+03, v34;
	v46 =	vmul.f32 $1.000000000e+03, v37  }
0x3a: {  	v52 =	vmul.f32 $1.000000000e+03, v49;
	v58 =	vmul.f32 $1.000000000e+03, v54  }
0x3b: {  	v63 =	vmul.f32 $1.000000000e+03, v44;
	v33 =	vtrunc.f32 v32  }
0x3c: {  	v36 =	vtrunc.f32 v34;
	v33 =	vcvt.f32.s32 v33  }
0x3d: {  	v48 =	vtrunc.f32 v46;
	v36 =	vcvt.f32.s32 v36  }
0x3e: {  	v60 =	vtrunc.f32 v58;
	v35 =	vcvt.s32.f32 v33  }
0x3f: {  	vm0 =	vlt.s32 v33, $0x3E7;
	v38 =	vadd.s32 $0x1, v33;
	v40 =	vcvt.s32.f32 v36  }
0x40: {  	v39 =	vadd.s32 $0x800, v33;
	vm5 =	vlt.s32 v36, $0x3E7;
	v32 =	vsub.f32 v32, v35  }
0x41: {  	v50 =	vadd.s32 $0x800, v36;
	v34 =	vsub.f32 v34, v40;
	v40 =	vtrunc.f32 v52  }
0x42: {  	v40 =	vcvt.f32.s32 v40;
	v35 =	vadd.f32 $-1.000000000e+00, v32;
	v32 =	vadd.f32 $-5.000000000e-01, v32  }
0x43: {  	v42 =	vadd.s32 $0x1, v36;
	v47 =	vadd.f32 $-1.000000000e+00, v34;
	v34 =	vadd.f32 $-5.000000000e-01, v34  }
0x44: {  	v57 =	vcvt.s32.f32 v40;
	v61 =	vadd.s32 $0x1, v40;
	v35 =	vadd.f32 $5.000000000e-01, v35  }
0x45: {  	vm1 =	veq.f32 v32, $0.0e+00;
	vm2 =	vlt.f32 v32, $0.0e+00;
	v37 =	vadd.f32 $5.000000000e-01, v47  }
0x46: {  	vm6 =	veq.f32 v34, $0.0e+00;
	vm7 =	vlt.f32 v34, $0.0e+00;
	v45 =	vsel vm1, v39, v0  }
0x47: {  	v39 =	vcvt.f32.s32 v48;
	v51 =	vsel vm6, v50, v1;
	vm15 =	vgt.f32 v35, $0.0e+00  }
0x48: {  	vm3 =	veq.f32 v35, $0.0e+00;
	v32 =	vsel vm2, v33, v45;
	v33 =	vadd.s32 $0x801, v33  }
0x49: {  	v34 =	vsel vm7, v36, v51;
	vm8 =	vgt.f32 v37, $0.0e+00;
	vm9 =	veq.f32 v37, $0.0e+00  }
0x4a: {  	v36 =	vadd.s32 $0x801, v36;
	v37 =	vsub.f32 v52, v57;
	v45 =	vadd.s32 $0x800, v40  }
0x4b: {  	vm1 =	vmand vm0, vm15;
	vm0 =	vmand vm0, vm3;
	v41 =	vcvt.s32.f32 v39  }
0x4c: {  	vm10 =	vlt.s32 v39, $0x3E7;
	v55 =	vadd.s32 $0x800, v39;
	v43 =	vadd.s32 $0x1, v39  }
0x4d: {  	vm15 =	vlt.s32 v40, $0x3E7;
	v33 =	vsel vm0, v33, v0;
	vm0 =	vmand vm5, vm9  }
0x4e: {  	v59 =	vadd.f32 $-1.000000000e+00, v37;
	v37 =	vadd.f32 $-5.000000000e-01, v37;
	v33 =	vsel vm1, v38, v33  }
0x4f: {  	v35 =	vsub.f32 v46, v41;
	vm1 =	vmand vm5, vm8;
	v36 =	vsel vm0, v36, v1  }
0x50: {  	v36 =	vsel vm1, v42, v36;
	v42 =	vcvt.f32.s32 v60;
	v41 =	vadd.f32 $5.000000000e-01, v59  }
0x51: {  	vm5 =	veq.f32 v37, $0.0e+00;
	vm6 =	vlt.f32 v37, $0.0e+00;
	v53 =	vadd.f32 $-1.000000000e+00, v35  }
0x52: {  	v35 =	vadd.f32 $-5.000000000e-01, v35;
	v62 =	vsel vm5, v45, v3;
	v46 =	vcvt.s32.f32 v42  }
0x53: {  	v54 =	vld [tilespmem:$0x60];
	vm7 =	vgt.f32 v41, $0.0e+00;
	vm8 =	veq.f32 v41, $0.0e+00;
	v37 =	vsel vm6, v40, v62  }
0x54: {  	v60 =	vld [tilespmem:$0x70];
	v40 =	vadd.s32 $0x801, v40;
	vm9 =	vlt.s32 v42, $0x3E7;
	v48 =	vadd.s32 $0x1, v42  }
0x55: {  	v38 =	vadd.f32 $5.000000000e-01, v53;
	vm11 =	veq.f32 v35, $0.0e+00;
	v53 =	vtrunc.f32 v63  }
0x56: {  	vm12 =	vlt.f32 v35, $0.0e+00;
	v56 =	vsel vm11, v55, v2;
	v45 =	vcvt.f32.s32 v53  }
0x57: {  	v35 =	vsel vm12, v39, v56;
	vm13 =	vgt.f32 v38, $0.0e+00;
	vm14 =	veq.f32 v38, $0.0e+00  }
0x58: {  	v39 =	vadd.s32 $0x801, v39;
	v38 =	vsub.f32 v58, v46;
	v56 =	vadd.s32 $0x800, v42  }
0x59: {  	v58 =	vmul.f32 $1.000000000e+03, v54;
	v46 =	vmul.f32 $1.000000000e+03, v60;
	vm1 =	vmand vm10, vm13  }
0x5a: {  	vm0 =	vmand vm10, vm14;
	v47 =	vcvt.s32.f32 v45;
	vm14 =	vlt.s32 v45, $0x3E7  }
0x5b: {  	v62 =	vadd.s32 $0x1, v45;
	v39 =	vsel vm0, v39, v2;
	vm0 =	vmand vm15, vm8  }
0x5c: {  	v52 =	vadd.f32 $-1.000000000e+00, v38;
	v38 =	vadd.f32 $-5.000000000e-01, v38;
	v53 =	vtrunc.f32 v46  }
0x5d: {  	v39 =	vsel vm1, v43, v39;
	vm1 =	vmand vm15, vm7;
	v40 =	vsel vm0, v40, v3  }
0x5e: {  	v41 =	vsub.f32 v63, v47;
	v63 =	vadd.s32 $0x800, v45;
	v40 =	vsel vm1, v61, v40  }
0x5f: {  	v55 =	vadd.f32 $5.000000000e-01, v52;
	vm10 =	veq.f32 v38, $0.0e+00;
	vm11 =	vlt.f32 v38, $0.0e+00  }
0x60: {  	v61 =	vtrunc.f32 v58;
	v52 =	vadd.s32 $0x801, v45;
	v57 =	vsel vm10, v56, v4  }
0x61: {  	v59 =	vadd.f32 $-1.000000000e+00, v41;
	v41 =	vadd.f32 $-5.000000000e-01, v41;
	v47 =	vcvt.f32.s32 v61  }
0x62: {  	v38 =	vsel vm11, v42, v57;
	vm12 =	vgt.f32 v55, $0.0e+00;
	vm13 =	veq.f32 v55, $0.0e+00  }
0x63: {  	v42 =	vadd.s32 $0x801, v42;
	vm1 =	vmand vm9, vm12;
	vm0 =	vmand vm9, vm13  }
0x64: {  	v44 =	vadd.f32 $5.000000000e-01, v59;
	vm15 =	vlt.f32 v41, $0.0e+00;
	vm5 =	veq.f32 v41, $0.0e+00  }
0x65: {  	v49 =	vcvt.s32.f32 v47;
	vm8 =	vlt.s32 v47, $0x3E7;
	v42 =	vsel vm0, v42, v4  }
0x66: {  	v59 =	vadd.s32 $0x800, v47;
	v41 =	vsel vm5, v63, v5;
	v42 =	vsel vm1, v48, v42  }
0x67: {  	[tilespmem:$0x200] =	vst v32;
	vm6 =	vgt.f32 v44, $0.0e+00;
	vm7 =	veq.f32 v44, $0.0e+00;
	v43 =	vsub.f32 v58, v49  }
0x68: {  	[tilespmem:$0x210] =	vst v34;
	v44 =	vcvt.f32.s32 v53;
	v55 =	vsel vm15, v45, v41;
	vm0 =	vmand vm14, vm7  }
0x69: {  	[tilespmem:$0x400] =	vst v33;
	v58 =	vadd.s32 $0x1, v47;
	vm2 =	vmand vm14, vm6;
	v32 =	vsel vm0, v52, v5  }
0x6a: {  	[tilespmem:$0x410] =	vst v36;
	v54 =	vadd.f32 $-1.000000000e+00, v43;
	v56 =	vadd.f32 $-5.000000000e-01, v43;
	v57 =	vcvt.s32.f32 v44  }
0x6b: {  	[tilespmem:$0x440] =	vst v42;
	vm13 =	vlt.s32 v44, $0x3E7;
	v41 =	vadd.s32 $0x1, v44;
	v42 =	vadd.s32 $0x800, v44  }
0x6c: {  	[tilespmem:$0x230] =	vst v37;
	v45 =	vadd.s32 $0x801, v44;
	v32 =	vsel vm2, v62, v32;
	v36 =	vsub.f32 v46, v57  }
0x6d: {  	[tilespmem:$0x220] =	vst v35;
	v62 =	vadd.s32 $0x801, v47;
	v33 =	vadd.f32 $5.000000000e-01, v54;
	vm9 =	veq.f32 v56, $0.0e+00  }
0x6e: {  	[tilespmem:$0x420] =	vst v39;
	vm10 =	vlt.f32 v56, $0.0e+00;
	v60 =	vsel vm9, v59, v6;
	v63 =	vadd.f32 $-1.000000000e+00, v36  }
0x6f: {  	[tilespmem:$0x430] =	vst v40;
	v61 =	vsel vm10, v47, v60;
	vm12 =	veq.f32 v33, $0.0e+00;
	v36 =	vadd.f32 $-5.000000000e-01, v36  }
0x70: {  	[tilespmem:$0x240] =	vst v38;
	vm11 =	vgt.f32 v33, $0.0e+00;
	vm2 =	vmand vm8, vm12;
	v40 =	vadd.f32 $5.000000000e-01, v63  }
0x71: {  	[tilespmem:$0x250] =	vst v55;
	vm0 =	vmand vm8, vm11;
	v33 =	vsel vm2, v62, v6;
	vm14 =	veq.f32 v36, $0.0e+00  }
0x72: {  	[tilespmem:$0x450] =	vst v32;
	vm15 =	vlt.f32 v36, $0.0e+00;
	v33 =	vsel vm0, v58, v33;
	vm6 =	veq.f32 v40, $0.0e+00  }
0x73: {  	[tilespmem:$0x260] =	vst v61;
	v43 =	vsel vm14, v42, v7;
	vm7 =	vgt.f32 v40, $0.0e+00;
	vm1 =	vmand vm13, vm6  }
0x74: {  	[tilespmem:$0x460] =	vst v33;
	v32 =	vsel vm15, v44, v43;
	vm0 =	vmand vm13, vm7;
	v46 =	vsel vm1, v45, v7  }
0x75: {  	[tilespmem:$0x270] =	vst v32;
	v33 =	vsel vm0, v41, v46  }
0x76: {  	s8 =	simm.s32 $0x200;
	[tilespmem:$0x470] =	vst v33  }
0x77: {  	[tilespmem:s9], [sflag:$0x5] =	stream.indirect.gather [hbm4b:s3+s5], $0x10, s8, s5, $0xb8;
	[tilespmem:$0x2600] =	vst v63  }
0x78: {  	_ =	swait.ge [sflag:s10], $0x80  }
0x79: {  	[sflag:s10] =	ssyncset.done $0x0  }
0x7a: {  	[sflag:s10] =	ssyncadd.s32 $0xFFFFFF80  }
0x7b: {  	v47 =	vld [tilespmem:$0x80]  }
0x7c: {  	v49 =	vld [tilespmem:$0x90]  }
0x7d: {  	v52 =	vld [tilespmem:$0xA0]  }
0x7e: {  	v60 =	vld [tilespmem:$0xB0];
	_ =	sdelay $0x2  }
0x7f: {  	v32 =	vmul.f32 $1.000000000e+03, v47  }
0x80: {  	v34 =	vmul.f32 $1.000000000e+03, v49;
	v57 =	vmul.f32 $1.000000000e+03, v52  }
0x81: {  	v45 =	vmul.f32 $1.000000000e+03, v60;
	v48 =	vtrunc.f32 v32  }
0x82: {  	v51 =	vtrunc.f32 v34;
	v59 =	vtrunc.f32 v57  }
0x83: {  	v40 =	vtrunc.f32 v45;
	v33 =	vcvt.f32.s32 v48  }
0x84: {  	v36 =	vcvt.f32.s32 v51;
	v39 =	vcvt.f32.s32 v59  }
0x85: {  	v40 =	vcvt.f32.s32 v40;
	v50 =	vcvt.s32.f32 v33  }
0x86: {  	v47 =	vld [tilespmem:$0xC0];
	vm8 =	vlt.s32 v33, $0x3E7;
	v53 =	vadd.s32 $0x1, v33;
	v54 =	vadd.s32 $0x800, v33  }
0x87: {  	v55 =	vcvt.s32.f32 v36;
	vm13 =	vlt.s32 v36, $0x3E7;
	v61 =	vadd.s32 $0x800, v36  }
0x88: {  	v62 =	vcvt.s32.f32 v39;
	v63 =	vadd.s32 $0x1, v36;
	v32 =	vsub.f32 v32, v50  }
0x89: {  	vm6 =	vlt.s32 v39, $0x3E7;
	v48 =	vadd.s32 $0x800, v39;
	v34 =	vsub.f32 v34, v55  }
0x8a: {  	v51 =	vadd.s32 $0x1, v39;
	v55 =	vld [tilespmem:$0xD0];
	v35 =	vadd.f32 $-1.000000000e+00, v32;
	v32 =	vadd.f32 $-5.000000000e-01, v32  }
0x8b: {  	v52 =	vmul.f32 $1.000000000e+03, v47;
	v58 =	vadd.f32 $-1.000000000e+00, v34;
	v34 =	vadd.f32 $-5.000000000e-01, v34  }
0x8c: {  	v50 =	vcvt.s32.f32 v40;
	v35 =	vadd.f32 $5.000000000e-01, v35;
	vm9 =	veq.f32 v32, $0.0e+00  }
0x8d: {  	vm10 =	vlt.f32 v32, $0.0e+00;
	v37 =	vadd.f32 $5.000000000e-01, v58;
	vm14 =	veq.f32 v34, $0.0e+00  }
0x8e: {  	vm15 =	vlt.f32 v34, $0.0e+00;
	v56 =	vsel vm9, v54, v8;
	v44 =	vsel vm14, v61, v9  }
0x8f: {  	v54 =	vtrunc.f32 v52;
	v60 =	vmul.f32 $1.000000000e+03, v55;
	vm11 =	vgt.f32 v35, $0.0e+00  }
0x90: {  	vm12 =	veq.f32 v35, $0.0e+00;
	v32 =	vsel vm10, v33, v56;
	v33 =	vadd.s32 $0x801, v33  }
0x91: {  	v34 =	vsel vm15, v36, v44;
	vm4 =	vgt.f32 v37, $0.0e+00;
	v35 =	vsub.f32 v57, v62  }
0x92: {  	vm5 =	veq.f32 v37, $0.0e+00;
	v36 =	vadd.s32 $0x801, v36;
	v37 =	vsub.f32 v45, v50  }
0x93: {  	v42 =	vcvt.f32.s32 v54;
	v56 =	vadd.s32 $0x1, v40;
	v57 =	vadd.s32 $0x800, v40  }
0x94: {  	vm1 =	vmand vm8, vm11;
	vm0 =	vmand vm8, vm12;
	vm11 =	vlt.s32 v40, $0x3E7  }
0x95: {  	v62 =	vtrunc.f32 v60;
	v33 =	vsel vm0, v33, v8;
	vm0 =	vmand vm13, vm5  }
0x96: {  	v46 =	vadd.f32 $-1.000000000e+00, v35;
	v35 =	vadd.f32 $-5.000000000e-01, v35;
	v58 =	vcvt.s32.f32 v42  }
0x97: {  	v45 =	vcvt.f32.s32 v62;
	v55 =	vadd.s32 $0x1, v42;
	v33 =	vsel vm1, v53, v33  }
0x98: {  	vm1 =	vmand vm13, vm4;
	v36 =	vsel vm0, v36, v9;
	v53 =	vadd.f32 $-1.000000000e+00, v37  }
0x99: {  	v37 =	vadd.f32 $-5.000000000e-01, v37;
	v36 =	vsel vm1, v63, v36;
	v38 =	vadd.f32 $5.000000000e-01, v46  }
0x9a: {  	vm7 =	veq.f32 v35, $0.0e+00;
	vm8 =	vlt.f32 v35, $0.0e+00;
	v54 =	vcvt.s32.f32 v45  }
0x9b: {  	v62 =	vadd.s32 $0x800, v45;
	v49 =	vsel vm7, v48, v10;
	v41 =	vadd.f32 $5.000000000e-01, v53  }
0x9c: {  	vm12 =	veq.f32 v37, $0.0e+00;
	vm13 =	vlt.f32 v37, $0.0e+00;
	v53 =	vadd.s32 $0x800, v42  }
0x9d: {  	v35 =	vsel vm8, v39, v49;
	vm9 =	vgt.f32 v38, $0.0e+00;
	vm10 =	veq.f32 v38, $0.0e+00  }
0x9e: {  	v39 =	vadd.s32 $0x801, v39;
	v59 =	vsel vm12, v57, v11;
	v38 =	vsub.f32 v52, v58  }
0x9f: {  	v63 =	vld [tilespmem:$0xE0];
	v49 =	vadd.s32 $0x801, v45;
	vm1 =	vmand vm6, vm9;
	vm0 =	vmand vm6, vm10  }
0xa0: {  	vm14 =	vgt.f32 v41, $0.0e+00;
	vm15 =	veq.f32 v41, $0.0e+00;
	v37 =	vsel vm13, v40, v59  }
0xa1: {  	v40 =	vadd.s32 $0x801, v40;
	vm6 =	vlt.s32 v42, $0x3E7;
	v41 =	vsub.f32 v60, v54  }
0xa2: {  	v39 =	vsel vm0, v39, v10;
	vm0 =	vmand vm11, vm15;
	v61 =	vadd.f32 $-1.000000000e+00, v38  }
0xa3: {  	v38 =	vadd.f32 $-5.000000000e-01, v38;
	v39 =	vsel vm1, v51, v39;
	vm1 =	vmand vm11, vm14  }
0xa4: {  	v40 =	vsel vm0, v40, v11;
	v57 =	vmul.f32 $1.000000000e+03, v63;
	v58 =	vadd.f32 $-1.000000000e+00, v41  }
0xa5: {  	v41 =	vadd.f32 $-5.000000000e-01, v41;
	vm11 =	vlt.s32 v45, $0x3E7;
	v40 =	vsel vm1, v56, v40  }
0xa6: {  	v59 =	vld [tilespmem:$0xF0];
	v52 =	vadd.f32 $5.000000000e-01, v61;
	vm7 =	veq.f32 v38, $0.0e+00;
	vm8 =	vlt.f32 v38, $0.0e+00  }
0xa7: {  	v61 =	vadd.s32 $0x1, v45;
	v56 =	vsel vm7, v53, v12;
	v60 =	vtrunc.f32 v57  }
0xa8: {  	v44 =	vadd.f32 $5.000000000e-01, v58;
	vm12 =	vlt.f32 v41, $0.0e+00;
	vm13 =	veq.f32 v41, $0.0e+00  }
0xa9: {  	v38 =	vsel vm8, v42, v56;
	vm9 =	vgt.f32 v52, $0.0e+00;
	vm10 =	veq.f32 v52, $0.0e+00  }
0xaa: {  	v42 =	vadd.s32 $0x801, v42;
	v47 =	vcvt.f32.s32 v60;
	v41 =	vsel vm13, v62, v13  }
0xab: {  	v46 =	vmul.f32 $1.000000000e+03, v59;
	vm1 =	vmand vm6, vm9;
	vm0 =	vmand vm6, vm10  }
0xac: {  	vm14 =	vgt.f32 v44, $0.0e+00;
	vm15 =	veq.f32 v44, $0.0e+00;
	v52 =	vsel vm12, v45, v41  }
0xad: {  	v42 =	vsel vm0, v42, v12;
	v63 =	vcvt.s32.f32 v47;
	vm2 =	vmand vm11, vm14  }
0xae: {  	[tilespmem:$0x280] =	vst v32;
	vm0 =	vmand vm11, vm15;
	v50 =	vtrunc.f32 v46;
	vm5 =	vlt.s32 v47, $0x3E7  }
0xaf: {  	[tilespmem:$0x290] =	vst v34;
	v56 =	vadd.s32 $0x800, v47;
	v59 =	vadd.s32 $0x801, v47;
	v44 =	vcvt.f32.s32 v50  }
0xb0: {  	[tilespmem:$0x480] =	vst v33;
	v42 =	vsel vm1, v55, v42;
	v32 =	vsel vm0, v49, v13;
	v43 =	vsub.f32 v57, v63  }
0xb1: {  	[tilespmem:$0x490] =	vst v36;
	v55 =	vadd.s32 $0x1, v47;
	v32 =	vsel vm2, v61, v32;
	v54 =	vcvt.s32.f32 v44  }
0xb2: {  	[tilespmem:$0x2A0] =	vst v35;
	vm10 =	vlt.s32 v44, $0x3E7;
	v51 =	vadd.f32 $-1.000000000e+00, v43;
	v53 =	vadd.f32 $-5.000000000e-01, v43  }
0xb3: {  	[tilespmem:$0x2B0] =	vst v37;
	v62 =	vadd.s32 $0x1, v44;
	v63 =	vadd.s32 $0x800, v44;
	v36 =	vsub.f32 v46, v54  }
0xb4: {  	[tilespmem:$0x4A0] =	vst v39;
	v39 =	vadd.s32 $0x801, v44;
	v33 =	vadd.f32 $5.000000000e-01, v51;
	vm6 =	veq.f32 v53, $0.0e+00  }
0xb5: {  	[tilespmem:$0x4B0] =	vst v40;
	vm7 =	vlt.f32 v53, $0.0e+00;
	v57 =	vsel vm6, v56, v14;
	v60 =	vadd.f32 $-1.000000000e+00, v36  }
0xb6: {  	[tilespmem:$0x2C0] =	vst v38;
	v36 =	vadd.f32 $-5.000000000e-01, v36;
	v58 =	vsel vm7, v47, v57;
	vm9 =	veq.f32 v33, $0.0e+00  }
0xb7: {  	[tilespmem:$0x2D0] =	vst v52;
	vm8 =	vgt.f32 v33, $0.0e+00;
	vm2 =	vmand vm5, vm9;
	v61 =	vadd.f32 $5.000000000e-01, v60  }
0xb8: {  	[tilespmem:$0x4C0] =	vst v42;
	vm0 =	vmand vm5, vm8;
	vm11 =	veq.f32 v36, $0.0e+00;
	vm12 =	vlt.f32 v36, $0.0e+00  }
0xb9: {  	[tilespmem:$0x4D0] =	vst v32;
	v33 =	vsel vm2, v59, v14;
	v38 =	vsel vm11, v63, v15;
	vm13 =	veq.f32 v61, $0.0e+00  }
0xba: {  	[tilespmem:$0x2E0] =	vst v58;
	v33 =	vsel vm0, v55, v33;
	vm14 =	vgt.f32 v61, $0.0e+00;
	vm1 =	vmand vm10, vm13  }
0xbb: {  	v32 =	vsel vm12, v44, v38;
	[tilespmem:$0x4E0] =	vst v33;
	vm0 =	vmand vm10, vm14;
	v40 =	vsel vm1, v39, v15  }
0xbc: {  	[tilespmem:$0x2F0] =	vst v32;
	v33 =	vsel vm0, v62, v40  }
0xbd: {  	[tilespmem:$0x4F0] =	vst v33  }
0xbe: {  	[tilespmem:s12], [sflag:$0x6] =	stream.indirect.gather [hbm4b:s3+s5], $0x10, s11, s5, $0xb8;
	[tilespmem:$0x2600] =	vst v63  }
0xbf: {  	_ =	swait.ge [sflag:s13], $0x80  }
0xc0: {  	[sflag:s13] =	ssyncset.done $0x0  }
0xc1: {  	[sflag:s13] =	ssyncadd.s32 $0xFFFFFF80  }
0xc2: {  	v41 =	vld [tilespmem:$0x100]  }
0xc3: {  	v43 =	vld [tilespmem:$0x110]  }
0xc4: {  	v46 =	vld [tilespmem:$0x120]  }
0xc5: {  	v54 =	vld [tilespmem:$0x130]  }
0xc6: {  	v61 =	vld [tilespmem:$0x140];
	_ =	sdelay $0x2  }
0xc7: {  	v32 =	vmul.f32 $1.000000000e+03, v41  }
0xc8: {  	v34 =	vmul.f32 $1.000000000e+03, v43;
	v51 =	vmul.f32 $1.000000000e+03, v46  }
0xc9: {  	v59 =	vmul.f32 $1.000000000e+03, v54;
	v40 =	vmul.f32 $1.000000000e+03, v61  }
0xca: {  	v42 =	vtrunc.f32 v32;
	v45 =	vtrunc.f32 v34  }
0xcb: {  	v53 =	vtrunc.f32 v51;
	v62 =	vtrunc.f32 v59  }
0xcc: {  	v33 =	vcvt.f32.s32 v42;
	v36 =	vcvt.f32.s32 v45  }
0xcd: {  	v39 =	vcvt.f32.s32 v53;
	v41 =	vcvt.f32.s32 v62  }
0xce: {  	v44 =	vcvt.s32.f32 v33;
	vm15 =	vlt.s32 v33, $0x3E7;
	v47 =	vadd.s32 $0x1, v33  }
0xcf: {  	v48 =	vadd.s32 $0x800, v33;
	v49 =	vcvt.s32.f32 v36;
	vm9 =	vlt.s32 v36, $0x3E7  }
0xd0: {  	v55 =	vadd.s32 $0x800, v36;
	v56 =	vcvt.s32.f32 v39;
	v32 =	vsub.f32 v32, v44  }
0xd1: {  	v57 =	vadd.s32 $0x1, v36;
	vm14 =	vlt.s32 v39, $0x3E7;
	v34 =	vsub.f32 v34, v49  }
0xd2: {  	v63 =	vadd.s32 $0x1, v39;
	v35 =	vadd.f32 $-1.000000000e+00, v32;
	v32 =	vadd.f32 $-5.000000000e-01, v32  }
0xd3: {  	v49 =	vadd.s32 $0x801, v39;
	v52 =	vadd.f32 $-1.000000000e+00, v34;
	v34 =	vadd.f32 $-5.000000000e-01, v34  }
0xd4: {  	v35 =	vadd.f32 $5.000000000e-01, v35;
	vm5 =	veq.f32 v32, $0.0e+00;
	vm6 =	vlt.f32 v32, $0.0e+00  }
0xd5: {  	v37 =	vadd.f32 $5.000000000e-01, v52;
	vm10 =	veq.f32 v34, $0.0e+00;
	vm11 =	vlt.f32 v34, $0.0e+00  }
0xd6: {  	v50 =	vsel vm5, v48, v16;
	v58 =	vsel vm10, v55, v17;
	v48 =	vcvt.s32.f32 v41  }
0xd7: {  	v55 =	vadd.s32 $0x1, v41;
	vm7 =	vgt.f32 v35, $0.0e+00;
	vm8 =	veq.f32 v35, $0.0e+00  }
0xd8: {  	v32 =	vsel vm6, v33, v50;
	v33 =	vadd.s32 $0x801, v33;
	v34 =	vsel vm11, v36, v58  }
0xd9: {  	vm12 =	vgt.f32 v37, $0.0e+00;
	v35 =	vsub.f32 v51, v56;
	vm13 =	veq.f32 v37, $0.0e+00  }
0xda: {  	v36 =	vadd.s32 $0x801, v36;
	v50 =	vtrunc.f32 v40;
	v56 =	vadd.s32 $0x800, v41  }
0xdb: {  	v52 =	vld [tilespmem:$0x150];
	vm1 =	vmand vm15, vm7;
	vm0 =	vmand vm15, vm8;
	v37 =	vsub.f32 v59, v48  }
0xdc: {  	v43 =	vcvt.f32.s32 v50;
	vm8 =	vlt.s32 v41, $0x3E7;
	v33 =	vsel vm0, v33, v16  }
0xdd: {  	vm0 =	vmand vm9, vm13;
	v60 =	vadd.f32 $-1.000000000e+00, v35;
	v35 =	vadd.f32 $-5.000000000e-01, v35  }
0xde: {  	v33 =	vsel vm1, v47, v33;
	vm1 =	vmand vm9, vm12;
	v36 =	vsel vm0, v36, v17  }
0xdf: {  	v47 =	vadd.s32 $0x800, v39;
	v51 =	vadd.f32 $-1.000000000e+00, v37;
	v37 =	vadd.f32 $-5.000000000e-01, v37  }
0xe0: {  	v54 =	vcvt.s32.f32 v43;
	v58 =	vmul.f32 $1.000000000e+03, v52;
	vm13 =	vlt.s32 v43, $0x3E7  }
0xe1: {  	v61 =	vadd.s32 $0x800, v43;
	v36 =	vsel vm1, v57, v36;
	vm5 =	veq.f32 v35, $0.0e+00  }
0xe2: {  	v38 =	vadd.f32 $5.000000000e-01, v60;
	vm15 =	vlt.f32 v35, $0.0e+00;
	v35 =	vsel vm5, v47, v18  }
0xe3: {  	v53 =	vadd.f32 $5.000000000e-01, v51;
	vm9 =	veq.f32 v37, $0.0e+00;
	vm10 =	vlt.f32 v37, $0.0e+00  }
0xe4: {  	v40 =	vsub.f32 v40, v54;
	v45 =	vtrunc.f32 v58;
	v54 =	vadd.s32 $0x801, v43  }
0xe5: {  	vm6 =	vgt.f32 v38, $0.0e+00;
	vm7 =	veq.f32 v38, $0.0e+00;
	v35 =	vsel vm15, v39, v35  }
0xe6: {  	v57 =	vsel vm9, v56, v19;
	v45 =	vcvt.f32.s32 v45;
	vm2 =	vmand vm14, vm6  }
0xe7: {  	v60 =	vld [tilespmem:$0x160];
	vm0 =	vmand vm14, vm7;
	v37 =	vsel vm10, v41, v57;
	vm11 =	vgt.f32 v53, $0.0e+00  }
0xe8: {  	vm12 =	veq.f32 v53, $0.0e+00;
	v59 =	vadd.f32 $-1.000000000e+00, v40;
	v40 =	vadd.f32 $-5.000000000e-01, v40  }
0xe9: {  	v41 =	vadd.s32 $0x801, v41;
	v38 =	vsel vm0, v49, v18;
	vm1 =	vmand vm8, vm11  }
0xea: {  	vm0 =	vmand vm8, vm12;
	v62 =	vcvt.s32.f32 v45;
	vm12 =	vlt.s32 v45, $0x3E7  }
0xeb: {  	v38 =	vsel vm2, v63, v38;
	v39 =	vadd.f32 $5.000000000e-01, v59;
	v41 =	vsel vm0, v41, v19  }
0xec: {  	vm14 =	veq.f32 v40, $0.0e+00;
	v53 =	vmul.f32 $1.000000000e+03, v60;
	vm8 =	vlt.f32 v40, $0.0e+00  }
0xed: {  	v57 =	vld [tilespmem:$0x170];
	v60 =	vadd.s32 $0x800, v45;
	v41 =	vsel vm1, v55, v41;
	v63 =	vsel vm14, v61, v20  }
0xee: {  	v52 =	vsub.f32 v58, v62;
	v58 =	vadd.s32 $0x1, v43;
	vm15 =	vgt.f32 v39, $0.0e+00  }
0xef: {  	vm7 =	veq.f32 v39, $0.0e+00;
	v56 =	vtrunc.f32 v53;
	v43 =	vsel vm8, v43, v63  }
0xf0: {  	vm6 =	vmand vm13, vm15;
	vm0 =	vmand vm13, vm7;
	v55 =	vadd.f32 $-1.000000000e+00, v52  }
0xf1: {  	v39 =	vadd.f32 $-5.000000000e-01, v52;
	v47 =	vcvt.f32.s32 v56;
	v40 =	vsel vm0, v54, v20  }
0xf2: {  	v63 =	vmul.f32 $1.000000000e+03, v57;
	v52 =	vadd.s32 $0x1, v45;
	v40 =	vsel vm6, v58, v40  }
0xf3: {  	v59 =	vadd.f32 $5.000000000e-01, v55;
	vm9 =	veq.f32 v39, $0.0e+00;
	v61 =	vcvt.s32.f32 v47  }
0xf4: {  	vm13 =	vlt.f32 v39, $0.0e+00;
	v54 =	vtrunc.f32 v63;
	vm14 =	vlt.s32 v47, $0x3E7  }
0xf5: {  	v58 =	vadd.s32 $0x800, v47;
	v62 =	vsel vm9, v60, v21;
	v39 =	vcvt.f32.s32 v54  }
0xf6: {  	[tilespmem:$0x300] =	vst v32;
	vm10 =	vgt.f32 v59, $0.0e+00;
	vm11 =	veq.f32 v59, $0.0e+00;
	v42 =	vsub.f32 v53, v61  }
0xf7: {  	[tilespmem:$0x310] =	vst v34;
	v53 =	vadd.s32 $0x801, v45;
	v56 =	vsel vm13, v45, v62;
	v59 =	vadd.s32 $0x801, v47  }
0xf8: {  	[tilespmem:$0x500] =	vst v33;
	v61 =	vadd.s32 $0x1, v47;
	vm1 =	vmand vm12, vm10;
	vm0 =	vmand vm12, vm11  }
0xf9: {  	[tilespmem:$0x510] =	vst v36;
	v57 =	vcvt.s32.f32 v39;
	v62 =	vadd.s32 $0x800, v39;
	vm9 =	vlt.s32 v39, $0x3E7  }
0xfa: {  	[tilespmem:$0x520] =	vst v38;
	v38 =	vadd.s32 $0x801, v39;
	v55 =	vadd.f32 $-1.000000000e+00, v42;
	v42 =	vadd.f32 $-5.000000000e-01, v42  }
0xfb: {  	[tilespmem:$0x540] =	vst v40;
	v40 =	vadd.s32 $0x1, v39;
	v32 =	vsel vm0, v53, v21;
	v36 =	vsub.f32 v63, v57  }
0xfc: {  	[tilespmem:$0x320] =	vst v35;
	v33 =	vadd.f32 $5.000000000e-01, v55;
	vm15 =	vlt.f32 v42, $0.0e+00;
	vm4 =	veq.f32 v42, $0.0e+00  }
0xfd: {  	[tilespmem:$0x330] =	vst v37;
	v35 =	vsel vm4, v58, v22;
	v60 =	vadd.f32 $-5.000000000e-01, v36;
	v36 =	vadd.f32 $-1.000000000e+00, v36  }
0xfe: {  	[tilespmem:$0x530] =	vst v41;
	v32 =	vsel vm1, v52, v32;
	vm5 =	veq.f32 v33, $0.0e+00;
	v35 =	vsel vm15, v47, v35  }
0xff: {  	[tilespmem:$0x340] =	vst v43;
	vm6 =	vgt.f32 v33, $0.0e+00;
	vm2 =	vmand vm14, vm5;
	v36 =	vadd.f32 $5.000000000e-01, v36  }
0x100: {  	[tilespmem:$0x350] =	vst v56;
	vm0 =	vmand vm14, vm6;
	vm7 =	veq.f32 v60, $0.0e+00;
	vm8 =	vlt.f32 v60, $0.0e+00  }
0x101: {  	[tilespmem:$0x550] =	vst v32;
	v33 =	vsel vm2, v59, v22;
	v63 =	vsel vm7, v62, v23;
	vm10 =	veq.f32 v36, $0.0e+00  }
0x102: {  	[tilespmem:$0x360] =	vst v35;
	v33 =	vsel vm0, v61, v33;
	vm11 =	vgt.f32 v36, $0.0e+00;
	vm0 =	vmand vm9, vm10  }
0x103: {  	v37 =	vsel vm8, v39, v63;
	[tilespmem:$0x560] =	vst v33;
	vm1 =	vmand vm9, vm11;
	v34 =	vsel vm0, v38, v23  }
0x104: {  	[tilespmem:$0x370] =	vst v37;
	v33 =	vsel vm1, v40, v34  }
0x105: {  	[tilespmem:$0x570] =	vst v33  }
0x106: {  	[tilespmem:s15], [sflag:$0x7] =	stream.indirect.gather [hbm4b:s3+s5], $0x10, s14, s5, $0xb8;
	[tilespmem:$0x2600] =	vst v63  }
0x107: {  	_ =	swait.ge [sflag:s16], $0x80  }
0x108: {  	[sflag:s16] =	ssyncset.done $0x0  }
0x109: {  	[sflag:s16] =	ssyncadd.s32 $0xFFFFFF80  }
0x10a: {  	v41 =	vld [tilespmem:$0x180]  }
0x10b: {  	v43 =	vld [tilespmem:$0x190]  }
0x10c: {  	v46 =	vld [tilespmem:$0x1A0]  }
0x10d: {  	v54 =	vld [tilespmem:$0x1B0]  }
0x10e: {  	v62 =	vld [tilespmem:$0x1C0];
	_ =	sdelay $0x2  }
0x10f: {  	v32 =	vmul.f32 $1.000000000e+03, v41;
	v34 =	vmul.f32 $1.000000000e+03, v43  }
0x110: {  	v51 =	vmul.f32 $1.000000000e+03, v46;
	v60 =	vmul.f32 $1.000000000e+03, v54  }
0x111: {  	v41 =	vmul.f32 $1.000000000e+03, v62;
	v42 =	vtrunc.f32 v32  }
0x112: {  	v45 =	vtrunc.f32 v34;
	v53 =	vtrunc.f32 v51  }
0x113: {  	v40 =	vtrunc.f32 v60;
	v33 =	vcvt.f32.s32 v42  }
0x114: {  	v36 =	vcvt.f32.s32 v45;
	v39 =	vcvt.f32.s32 v53  }
0x115: {  	v40 =	vcvt.f32.s32 v40;
	v53 =	vtrunc.f32 v41  }
0x116: {  	v42 =	vcvt.f32.s32 v53;
	v44 =	vcvt.s32.f32 v33  }
0x117: {  	v47 =	vadd.s32 $0x800, v33;
	v49 =	vcvt.s32.f32 v36;
	vm14 =	vlt.s32 v33, $0x3E7  }
0x118: {  	v52 =	vadd.s32 $0x1, v33;
	vm5 =	vlt.s32 v36, $0x3E7;
	v57 =	vcvt.s32.f32 v39  }
0x119: {  	v56 =	vadd.s32 $0x800, v36;
	v58 =	vadd.s32 $0x1, v36;
	v32 =	vsub.f32 v32, v44  }
0x11a: {  	vm10 =	vlt.s32 v39, $0x3E7;
	v50 =	vsub.f32 v34, v49;
	v34 =	vsub.f32 v51, v57  }
0x11b: {  	v49 =	vcvt.s32.f32 v40;
	v35 =	vadd.f32 $-5.000000000e-01, v32;
	v32 =	vadd.f32 $-1.000000000e+00, v32  }
0x11c: {  	v63 =	vadd.s32 $0x1, v39;
	v38 =	vadd.f32 $-1.000000000e+00, v50;
	v61 =	vadd.f32 $-1.000000000e+00, v34  }
0x11d: {  	v57 =	vcvt.s32.f32 v42;
	v34 =	vadd.f32 $-5.000000000e-01, v34;
	v37 =	vsub.f32 v60, v49  }
0x11e: {  	v60 =	vadd.s32 $0x1, v40;
	v32 =	vadd.f32 $5.000000000e-01, v32;
	vm12 =	veq.f32 v35, $0.0e+00  }
0x11f: {  	vm13 =	vlt.f32 v35, $0.0e+00;
	v55 =	vadd.f32 $5.000000000e-01, v38;
	v48 =	vsel vm12, v47, v24  }
0x120: {  	v38 =	vadd.f32 $5.000000000e-01, v61;
	vm11 =	veq.f32 v34, $0.0e+00;
	v35 =	vsel vm13, v33, v48  }
0x121: {  	vm15 =	vgt.f32 v32, $0.0e+00;
	vm4 =	veq.f32 v32, $0.0e+00;
	v33 =	vadd.s32 $0x801, v33  }
0x122: {  	v32 =	vadd.f32 $-5.000000000e-01, v50;
	vm8 =	vgt.f32 v55, $0.0e+00;
	vm9 =	veq.f32 v55, $0.0e+00  }
0x123: {  	v48 =	vadd.s32 $0x800, v39;
	vm12 =	veq.f32 v38, $0.0e+00;
	vm13 =	vgt.f32 v38, $0.0e+00  }
0x124: {  	v50 =	vadd.s32 $0x801, v39;
	v55 =	vadd.s32 $0x800, v40;
	vm1 =	vmand vm14, vm15  }
0x125: {  	vm0 =	vmand vm14, vm4;
	v43 =	vsel vm11, v48, v26;
	vm2 =	vmand vm10, vm12  }
0x126: {  	v54 =	vld [tilespmem:$0x1D0];
	vm14 =	vlt.f32 v34, $0.0e+00;
	v33 =	vsel vm0, v33, v24;
	vm6 =	veq.f32 v32, $0.0e+00  }
0x127: {  	vm7 =	vlt.f32 v32, $0.0e+00;
	vm0 =	vmand vm5, vm9;
	v51 =	vsel vm2, v50, v26  }
0x128: {  	v39 =	vsel vm14, v39, v43;
	v33 =	vsel vm1, v52, v33;
	v59 =	vsel vm6, v56, v25  }
0x129: {  	vm1 =	vmand vm5, vm8;
	v52 =	vadd.f32 $-5.000000000e-01, v37;
	v37 =	vadd.f32 $-1.000000000e+00, v37  }
0x12a: {  	vm5 =	vlt.s32 v40, $0x3E7;
	vm8 =	vlt.s32 v42, $0x3E7;
	v32 =	vsel vm7, v36, v59  }
0x12b: {  	v36 =	vadd.s32 $0x801, v36;
	v59 =	vmul.f32 $1.000000000e+03, v54;
	v54 =	vadd.s32 $0x1, v42  }
0x12c: {  	v62 =	vld [tilespmem:$0x1E0];
	v36 =	vsel vm0, v36, v25;
	vm0 =	vmand vm10, vm13;
	v37 =	vadd.f32 $5.000000000e-01, v37  }
0x12d: {  	vm15 =	veq.f32 v52, $0.0e+00;
	vm4 =	vlt.f32 v52, $0.0e+00;
	v52 =	vadd.s32 $0x800, v42  }
0x12e: {  	v36 =	vsel vm1, v58, v36;
	v34 =	vsel vm0, v63, v51;
	v56 =	vsel vm15, v55, v27  }
0x12f: {  	v58 =	vsub.f32 v41, v57;
	v45 =	vtrunc.f32 v59;
	v38 =	vsel vm4, v40, v56  }
0x130: {  	vm6 =	vgt.f32 v37, $0.0e+00;
	vm7 =	veq.f32 v37, $0.0e+00;
	v40 =	vadd.s32 $0x801, v40  }
0x131: {  	v45 =	vcvt.f32.s32 v45;
	v56 =	vmul.f32 $1.000000000e+03, v62;
	vm1 =	vmand vm5, vm6  }
0x132: {  	v57 =	vld [tilespmem:$0x1F0];
	vm0 =	vmand vm5, vm7;
	v61 =	vadd.f32 $-1.000000000e+00, v58;
	v37 =	vadd.f32 $-5.000000000e-01, v58  }
0x133: {  	v40 =	vsel vm0, v40, v27;
	v53 =	vcvt.s32.f32 v45;
	vm5 =	vlt.s32 v45, $0x3E7  }
0x134: {  	v48 =	vadd.s32 $0x801, v45;
	v50 =	vadd.s32 $0x1, v45;
	v40 =	vsel vm1, v60, v40  }
0x135: {  	v63 =	vadd.f32 $5.000000000e-01, v61;
	vm9 =	veq.f32 v37, $0.0e+00;
	vm10 =	vlt.f32 v37, $0.0e+00  }
0x136: {  	v60 =	vadd.s32 $0x800, v45;
	v55 =	vsel vm9, v52, v28;
	v41 =	vsub.f32 v59, v53  }
0x137: {  	v59 =	vtrunc.f32 v56;
	v44 =	vmul.f32 $1.000000000e+03, v57;
	v37 =	vsel vm10, v42, v55  }
0x138: {  	vm11 =	vgt.f32 v63, $0.0e+00;
	vm12 =	veq.f32 v63, $0.0e+00;
	v42 =	vadd.s32 $0x801, v42  }
0x139: {  	v47 =	vcvt.f32.s32 v59;
	vm1 =	vmand vm8, vm11;
	vm0 =	vmand vm8, vm12  }
0x13a: {  	v58 =	vadd.f32 $-1.000000000e+00, v41;
	v41 =	vadd.f32 $-5.000000000e-01, v41;
	v62 =	vtrunc.f32 v44  }
0x13b: {  	v42 =	vsel vm0, v42, v28;
	v61 =	vcvt.s32.f32 v47;
	v63 =	vcvt.f32.s32 v62  }
0x13c: {  	vm8 =	vlt.s32 v47, $0x3E7;
	v42 =	vsel vm1, v54, v42;
	v46 =	vadd.f32 $5.000000000e-01, v58  }
0x13d: {  	vm13 =	vlt.f32 v41, $0.0e+00;
	vm14 =	veq.f32 v41, $0.0e+00;
	v54 =	vadd.s32 $0x800, v47  }
0x13e: {  	[tilespmem:$0x380] =	vst v35;
	v58 =	vadd.s32 $0x1, v47;
	v41 =	vsel vm14, v60, v29;
	v43 =	vsub.f32 v56, v61  }
0x13f: {  	[tilespmem:$0x3A0] =	vst v39;
	v51 =	vcvt.s32.f32 v63;
	v56 =	vadd.s32 $0x801, v47;
	v59 =	vadd.s32 $0x800, v63  }
0x140: {  	[tilespmem:$0x580] =	vst v33;
	v62 =	vadd.s32 $0x801, v63;
	vm15 =	vgt.f32 v46, $0.0e+00;
	vm4 =	veq.f32 v46, $0.0e+00  }
0x141: {  	[tilespmem:$0x390] =	vst v32;
	v41 =	vsel vm13, v45, v41;
	vm1 =	vmand vm5, vm15;
	vm0 =	vmand vm5, vm4  }
0x142: {  	[tilespmem:$0x590] =	vst v36;
	v49 =	vadd.f32 $-5.000000000e-01, v43;
	v43 =	vadd.f32 $-1.000000000e+00, v43;
	v33 =	vsel vm0, v48, v29  }
0x143: {  	[tilespmem:$0x5A0] =	vst v34;
	vm13 =	vlt.s32 v63, $0x3E7;
	v53 =	vsub.f32 v44, v51;
	v32 =	vsel vm1, v50, v33  }
0x144: {  	[tilespmem:$0x3B0] =	vst v38;
	v52 =	vadd.f32 $5.000000000e-01, v43;
	vm6 =	vlt.f32 v49, $0.0e+00;
	vm7 =	veq.f32 v49, $0.0e+00  }
0x145: {  	[tilespmem:$0x5B0] =	vst v40;
	v57 =	vadd.f32 $-5.000000000e-01, v53;
	v36 =	vadd.f32 $-1.000000000e+00, v53;
	v55 =	vsel vm7, v54, v30  }
0x146: {  	[tilespmem:$0x3C0] =	vst v37;
	vm9 =	veq.f32 v52, $0.0e+00;
	v34 =	vsel vm6, v47, v55;
	vm10 =	vgt.f32 v52, $0.0e+00  }
0x147: {  	[tilespmem:$0x5C0] =	vst v42;
	v36 =	vadd.f32 $5.000000000e-01, v36;
	vm11 =	veq.f32 v57, $0.0e+00;
	vm12 =	vlt.f32 v57, $0.0e+00  }
0x148: {  	[tilespmem:$0x3D0] =	vst v41;
	vm1 =	vmand vm8, vm9;
	vm0 =	vmand vm8, vm10;
	v60 =	vsel vm11, v59, v31  }
0x149: {  	[tilespmem:$0x5D0] =	vst v32;
	v33 =	vsel vm1, v56, v30;
	v61 =	vsel vm12, v63, v60;
	vm14 =	veq.f32 v36, $0.0e+00  }
0x14a: {  	[tilespmem:$0x3E0] =	vst v34;
	vm15 =	vgt.f32 v36, $0.0e+00;
	v33 =	vsel vm0, v58, v33;
	vm0 =	vmand vm13, vm14  }
0x14b: {  	v63 =	vadd.s32 $0x1, v63;
	vm1 =	vmand vm13, vm15;
	[tilespmem:$0x3F0] =	vst v61;
	v34 =	vsel vm0, v62, v31  }
0x14c: {  	[tilespmem:$0x5E0] =	vst v33;
	v33 =	vsel vm1, v63, v34  }
0x14d: {  	[tilespmem:$0x5F0] =	vst v33  }
0x14e: {  	[tilespmem:s18], [sflag:$0x8] =	stream.indirect.gather [hbm4b:s3+s5], $0x10, s17, s5, $0xb8;
	[tilespmem:$0x2600] =	vst v63  }
0x14f: {  	_ =	swait.ge [sflag:s19], $0x800  }
0x150: {  	[sflag:s19] =	ssyncset.done $0x0  }
0x151: {  	[sflag:s19] =	ssyncadd.s32 $0xFFFFF800  }
0x152: {  	[tilespmem:s9], [sflag:$0x9] =	stream.indirect.gather.add.f32 [hbm:s3], $0x10, s20, s5, $0xb8;
	[tilespmem:$0x2600] =	vst v63  }
0x153: {  	_ =	swait.ge [sflag:s21], $0x800  }
0x154: {  	[sflag:s21] =	ssyncset.done $0x0  }
0x155: {  	[sflag:s21] =	ssyncadd.s32 $0xFFFFF800  }
0x156: {  	[tilespmem:s12], [sflag:$0xA] =	stream.indirect.gather.add.f32 [hbm:s3], $0x10, s22, s5, $0xb8;
	[tilespmem:$0x2600] =	vst v63  }
0x157: {  	_ =	swait.ge [sflag:s23], $0x800  }
0x158: {  	[sflag:s23] =	ssyncset.done $0x0  }
0x159: {  	[sflag:s23] =	ssyncadd.s32 $0xFFFFF800  }
0x15a: {  	[tilespmem:s15], [sflag:$0xB] =	stream.indirect.gather.add.f32 [hbm:s3], $0x10, s24, s5, $0xb8;
	[tilespmem:$0x2600] =	vst v63  }
0x15b: {  	_ =	swait.ge [sflag:s25], $0x800  }
0x15c: {  	[sflag:s25] =	ssyncset.done $0x0  }
0x15d: {  	[sflag:s25] =	ssyncadd.s32 $0xFFFFF800  }
0x15e: {  	[tilespmem:s18], [sflag:$0xC] =	stream.indirect.gather.add.f32 [hbm:s3], $0x10, s26, s5, $0xb8;
	[tilespmem:$0x2600] =	vst v63  }
0x15f: {  	_ =	swait.ge [sflag:s28], $0x800  }
0x160: {  	[sflag:s28] =	ssyncset.done $0x0  }
0x161: {  	s6 =	rddreg [dreg:$0x8];
	[sflag:s28] =	ssyncadd.s32 $0xFFFFF800  }
0x162: {  	[hbm4b:s6+s2] =	stream.linear.scatter [tilespmem:s9], [sflag:$0xD], $0x800, $0x38;
	[tilespmem:$0x2600] =	vst v63  }
0x163: {  	_ =	swait.ge [sflag:s29], $0x800  }
0x164: {  	[sflag:s29] =	ssyncset.done $0x0  }
0x165: {  	s8 =	rddreg [dreg:$0x9];
	[sflag:s29] =	ssyncadd.s32 $0xFFFFF800  }
0x166: {  	[hbm4b:s8+s2] =	stream.linear.scatter [tilespmem:s12], [sflag:$0xD], $0x800, $0x38;
	[tilespmem:$0x2600] =	vst v63  }
0x167: {  	_ =	swait.ge [sflag:s30], $0x800  }
0x168: {  	[sflag:s30] =	ssyncset.done $0x0  }
0x169: {  	s6 =	rddreg [dreg:$0xa];
	[sflag:s30] =	ssyncadd.s32 $0xFFFFF800  }
0x16a: {  	[hbm4b:s6+s2] =	stream.linear.scatter [tilespmem:s15], [sflag:$0xD], $0x800, $0x38;
	[tilespmem:$0x2600] =	vst v63  }
0x16b: {  	_ =	swait.ge [sflag:s31], $0x800  }
0x16c: {  	[sflag:s31] =	ssyncset.done $0x0  }
0x16d: {  	s8 =	rddreg [dreg:$0xb];
	[sflag:s31] =	ssyncadd.s32 $0xFFFFF800  }
0x16e: {  	[hbm4b:s8+s2] =	stream.linear.scatter [tilespmem:s18], [sflag:$0xD], $0x800, $0x38;
	[tilespmem:$0x2600] =	vst v63  }
0x16f: {  	_ =	swait.ge [sflag:s1], $0x800  }
0x170: {  	[sflag:s1] =	ssyncset.done $0x0  }
0x171: {  	[sflag:s1] =	ssyncadd.s32 $0xFFFFF800  }
0x172: {  	_ =	swait.ge [sflag:s1], $0x800  }
0x173: {  	[sflag:s1] =	ssyncset.done $0x0  }
0x174: {  	[sflag:s1] =	ssyncadd.s32 $0xFFFFF800  }
0x175: {  	p0 =	sne.s32 s4, $0x1;
	_ =	swait.ge [sflag:s1], $0x800  }
.Ltmp0:
0x176: {  	[sflag:s1] =	ssyncset.done $0x0;
	(pc) =	sbr.rel @p0 .LBB2_1-.Ltmp0, $4  }
0x177: {  	[sflag:s1] =	ssyncadd.s32 $0xFFFFF800  }
0x178: {  	_ =	swait.ge [sflag:s1], $0x800  }
0x179: {  	[sflag:s1] =	ssyncset.done $0x0  }
0x17a: {  	s4 =	sadd.s32 $0xFFFFFFFF, s4;
	[sflag:s1] =	ssyncadd.s32 $0xFFFFF800  }
0x17b: {  	_ =	sfence.sel $0x180000  }
0x17c: {  	[bflag:$0x0] =	sbarrier.arrive $0xFFFF  }
0x17d: {  	_ =	strace $0x90000047  }
0x17e: {  	s0 =	stileid.u32;
	[bflag:$0x2] =	sbarrier.arrive $0xFFFF  }
0x17f: {  	p0 =	sne.s32 s0, $0x0;
	s0 =	rddreg [dreg:$0x3]  }
0x180: {  	s0 =	sadd.s32 @!p0 $0x100000, s0  }
0x181: {  	[sflag:s0] =	ssyncadd.tile.s32 @!p0 $0x1;
	_ =	shalt  }
.Lfunc_end2:
_tile_overlayer_lowered:
.L_overlay_start_2:
0x182: {  	(tag) =	ssettag $0x2  }
0x183: {  	s0 =	rddreg [dreg:$0x0];
	s2 =	stileid.u32  }
0x184: {  	s1 =	rddreg [dreg:$0x1];
	p0 =	sne.s32 s2, $0x0  }
0x185: {  	s3 =	rddreg [dreg:$0x2];
	[bflag:$0x3] =	sbarrier.arrive $0xFFFF;
	s2 =	simm.s32 @!p0 $0x1C0E  }
0x186: {  	[timem:s3], [sflag:s2] =	dma.local @!p0 [hbm:s0], s1  }
0x187: {  	s0 =	simm.s32 @!p0 $0xE  }
0x188: {  	_ =	swait.ge @!p0 [sflag:s0], s1  }
0x189: {  	s1 =	ssub.s32 @!p0 $0x0, s1;
	[sflag:s0] =	ssyncset.done @!p0 $0x0  }
0x18a: {  	[sflag:s0] =	ssyncadd.s32 @!p0 s1  }
0x18b: {  	[bflag:$0x3] =	sbarrier.arrive $0xFFFF  }
0x18c: {  	_ =	shalt  }

</sc_bundles>
